<compile_context>
chip_gen: v7x
topology: tpu7x:2x2x1
jax: 0.10.2.dev20260603
libtpu: 0.0.44.dev20260713+nightly
codegen_flags: <defaults>
</compile_context>

<pallas_src>
import dataclasses
import functools

import jax
import jax.numpy as jnp
from jax import lax
from jax.experimental import pallas as pl
from jax.experimental.pallas import tpu as pltpu
from jax.experimental.pallas import tpu_sc as plsc

N_NODES = 10000
N_PAD = 10112
N_EDGES = 320000
D_FEAT = 128
NC = 2
NS = 16
NW = NC * NS
EDGES_PER_TILE = N_EDGES // NW
CHUNK = 80
N_CHUNKS = -(-EDGES_PER_TILE // CHUNK)

PAD_EDGES = N_CHUNKS * CHUNK - EDGES_PER_TILE
ROWS_PER_TILE = N_PAD // NS


def _unpack_idx(packed_v, j, i_v):
    for k in range(CHUNK // 16):
        p = packed_v[j, pl.ds(k * 16, 16)]
        i_v[0, pl.ds(k * 16, 16)] = lax.shift_right_logical(p, 14)
        i_v[1, pl.ds(k * 16, 16)] = lax.bitwise_and(p, 16383)


def _sc_aggregate(h, edges, zeros):
    mesh = plsc.VectorSubcoreMesh(core_axis_name="c", subcore_axis_name="s")

    @functools.partial(
        pl.kernel,
        mesh=mesh,
        out_type=jax.ShapeDtypeStruct((NC, N_PAD, D_FEAT), jnp.float32),
        scratch_types=[
            pltpu.VMEM((N_CHUNKS, CHUNK), jnp.int32),
            pltpu.VMEM((2, CHUNK), jnp.int32),
            pltpu.VMEM((2, CHUNK), jnp.int32),
            pltpu.VMEM((CHUNK, D_FEAT), jnp.float32),
            pltpu.VMEM((CHUNK, D_FEAT), jnp.float32),
            pltpu.VMEM_SHARED((N_PAD, D_FEAT), jnp.float32),
            pltpu.SemaphoreType.DMA,
            pltpu.SemaphoreType.DMA,
            pltpu.SemaphoreType.DMA,
            pltpu.SemaphoreType.DMA,
            pltpu.SemaphoreType.DMA,
        ],
    )
    def k(h_hbm, e_hbm, z_hbm, out_hbm, packed_v, i0, i1, rows0, rows1,
          acc_sh, g0, g1, s0, s1, zs):
        c = lax.axis_index("c")
        s = lax.axis_index("s")
        wid = c * NS + s
        row0 = s * ROWS_PER_TILE
        pltpu.async_copy(z_hbm.at[pl.ds(row0, ROWS_PER_TILE)],
                         acc_sh.at[pl.ds(row0, ROWS_PER_TILE)], zs)
        pltpu.sync_copy(e_hbm.at[wid], packed_v)
        _unpack_idx(packed_v, 0, i0)
        pltpu.async_copy(h_hbm.at[i0.at[0]], rows0, g0)
        _unpack_idx(packed_v, 1, i1)
        pltpu.async_copy(h_hbm.at[i1.at[0]], rows1, g1)
        pltpu.make_async_copy(z_hbm.at[pl.ds(row0, ROWS_PER_TILE)],
                              acc_sh.at[pl.ds(row0, ROWS_PER_TILE)], zs).wait()
        plsc.subcore_barrier()

        @pl.loop(0, N_CHUNKS, step=2)
        def _(j):
            @pl.when(j > 0)
            def _():
                pltpu.make_async_copy(rows0, acc_sh.at[i0.at[1]], s0).wait()
                _unpack_idx(packed_v, j, i0)
                pltpu.async_copy(h_hbm.at[i0.at[0]], rows0, g0)

            @pl.when(jnp.logical_and(j > 0, j + 1 < N_CHUNKS))
            def _():
                pltpu.make_async_copy(rows1, acc_sh.at[i1.at[1]], s1).wait()
                _unpack_idx(packed_v, j + 1, i1)
                pltpu.async_copy(h_hbm.at[i1.at[0]], rows1, g1)

            pltpu.make_async_copy(h_hbm.at[i0.at[0]], rows0, g0).wait()
            pltpu.async_copy(rows0, acc_sh.at[i0.at[1]], s0, add=True)

            @pl.when(j + 1 < N_CHUNKS)
            def _():
                pltpu.make_async_copy(h_hbm.at[i1.at[0]], rows1, g1).wait()
                pltpu.async_copy(rows1, acc_sh.at[i1.at[1]], s1, add=True)

        pltpu.make_async_copy(rows0, acc_sh.at[i0.at[1]], s0).wait()
        if N_CHUNKS > 1:
            pltpu.make_async_copy(rows1, acc_sh.at[i1.at[1]], s1).wait()
        plsc.subcore_barrier()
        pltpu.sync_copy(acc_sh.at[pl.ds(row0, ROWS_PER_TILE)],
                        out_hbm.at[c, pl.ds(row0, ROWS_PER_TILE)])

    return k(h, edges, zeros)


def _sc_degree(edges):
    mesh = plsc.VectorSubcoreMesh(core_axis_name="c", subcore_axis_name="s")
    cp = pltpu.CompilerParams()
    if "needs_layout_passes" in pltpu.CompilerParams.__dataclass_fields__:
        cp = dataclasses.replace(cp, needs_layout_passes=False)

    @functools.partial(
        pl.kernel,
        mesh=mesh,
        compiler_params=cp,
        out_type=jax.ShapeDtypeStruct((NW, N_PAD), jnp.float32),
        scratch_types=[
            pltpu.VMEM((N_CHUNKS * CHUNK,), jnp.int32),
            pltpu.VMEM((N_PAD,), jnp.float32),
        ],
    )
    def k(e_hbm, out_hbm, packed_v, hist_v):
        c = lax.axis_index("c")
        s = lax.axis_index("s")
        wid = c * NS + s
        pltpu.sync_copy(e_hbm.at[wid], packed_v)

        @pl.loop(0, N_PAD, step=16)
        def _(r):
            hist_v[pl.ds(r, 16)] = jnp.zeros((16,), jnp.float32)

        ones16 = jnp.ones((16,), jnp.float32)

        @pl.loop(0, N_CHUNKS * CHUNK, step=16)
        def _(e):
            p = packed_v[pl.ds(e, 16)]
            d = lax.bitwise_and(p, 16383)
            plsc.addupdate_scatter(hist_v, [d], ones16)

        pltpu.sync_copy(hist_v, out_hbm.at[wid])

    return k(edges.reshape(NW, N_CHUNKS * CHUNK))


def _layer1_body(p_ref, hist_ref, x_ref, wl_ref, wr_ref, b_ref, o_ref, deg_ref):
    deg = jnp.maximum(jnp.sum(hist_ref[...], axis=1), 1.0)[:, None]
    agg = (p_ref[0] + p_ref[1]) / deg
    out = (jnp.dot(agg, wl_ref[...], preferred_element_type=jnp.float32)
           + jnp.dot(x_ref[...], wr_ref[...], preferred_element_type=jnp.float32)
           + b_ref[...][None, :])
    o_ref[...] = jnp.maximum(out, 0.0)
    deg_ref[...] = deg


def _layerN_body(act, p_ref, deg_ref, h_ref, wl_ref, wr_ref, b_ref, o_ref):
    agg = (p_ref[0] + p_ref[1]) / deg_ref[...]
    out = (jnp.dot(agg, wl_ref[...], preferred_element_type=jnp.float32)
           + jnp.dot(h_ref[...], wr_ref[...], preferred_element_type=jnp.float32)
           + b_ref[...][None, :])
    if act == "relu":
        out = jnp.maximum(out, 0.0)
    else:
        out = jax.nn.sigmoid(out)
    o_ref[...] = out


_BLK = 1264


def _tc_layer1(p, hist, x, Wl, Wr, b):
    d_out = Wl.shape[1]
    return pl.pallas_call(
        _layer1_body,
        grid=(N_PAD // _BLK,),
        in_specs=[
            pl.BlockSpec((NC, _BLK, D_FEAT), lambda i: (0, i, 0)),
            pl.BlockSpec((_BLK, NW), lambda i: (i, 0)),
            pl.BlockSpec((_BLK, D_FEAT), lambda i: (i, 0)),
            pl.BlockSpec(Wl.shape, lambda i: (0, 0)),
            pl.BlockSpec(Wr.shape, lambda i: (0, 0)),
            pl.BlockSpec(b.shape, lambda i: (0,)),
        ],
        out_specs=[
            pl.BlockSpec((_BLK, d_out), lambda i: (i, 0)),
            pl.BlockSpec((_BLK, 1), lambda i: (i, 0)),
        ],
        out_shape=[
            jax.ShapeDtypeStruct((N_PAD, d_out), jnp.float32),
            jax.ShapeDtypeStruct((N_PAD, 1), jnp.float32),
        ],
    )(p, hist, x, Wl, Wr, b)


def _tc_layerN(p, deg, h, Wl, Wr, b, act):
    d_out = Wl.shape[1]
    return pl.pallas_call(
        functools.partial(_layerN_body, act),
        grid=(N_PAD // _BLK,),
        in_specs=[
            pl.BlockSpec((NC, _BLK, D_FEAT), lambda i: (0, i, 0)),
            pl.BlockSpec((_BLK, 1), lambda i: (i, 0)),
            pl.BlockSpec((_BLK, D_FEAT), lambda i: (i, 0)),
            pl.BlockSpec(Wl.shape, lambda i: (0, 0)),
            pl.BlockSpec(Wr.shape, lambda i: (0, 0)),
            pl.BlockSpec(b.shape, lambda i: (0,)),
        ],
        out_specs=pl.BlockSpec((_BLK, d_out), lambda i: (i, 0)),
        out_shape=jax.ShapeDtypeStruct((N_PAD, d_out), jnp.float32),
    )(p, deg, h, Wl, Wr, b)


def kernel(x, edge_index, Wl1, Wr1, b1, Wl2, Wr2, b2, Wl3, Wr3, b3):
    ei = edge_index.astype(jnp.int32)
    src_t = jnp.pad(ei[0].reshape(NW, EDGES_PER_TILE), ((0, 0), (0, PAD_EDGES)))
    dst_t = jnp.pad(ei[1].reshape(NW, EDGES_PER_TILE), ((0, 0), (0, PAD_EDGES)),
                    constant_values=N_NODES)
    edges = (src_t * 16384 + dst_t).reshape(NW, N_CHUNKS, CHUNK)
    xp = jnp.pad(x, ((0, N_PAD - N_NODES), (0, 0)))
    z = jnp.zeros((N_PAD, D_FEAT), jnp.float32)

    hist = _sc_degree(edges)
    p1 = _sc_aggregate(xp, edges, z)
    h1, deg = _tc_layer1(p1, hist.T, xp, Wl1, Wr1, b1)
    p2 = _sc_aggregate(h1, edges, z)
    h2 = _tc_layerN(p2, deg, h1, Wl2, Wr2, b2, "relu")
    p3 = _sc_aggregate(h2, edges, z)
    return _tc_layerN(p3, deg, h2, Wl3, Wr3, b3, "sigmoid")[:N_NODES]

# --- scband reference (transcript-rebuilt; emitter-appended) ---
"""Pipeline reference for scband-graph-sagemodel-24627342475438 (READ-ONLY COPY).

The authoritative reference and input builder live on the scoring server;
editing this copy changes nothing except your own understanding.
"""

import jax, jax.numpy as jnp
import numpy as np

N_NODES = 10000
N_EDGES = 320000
D_FEAT = 128
D_HID = 128
D_OUT = 64


def setup_inputs(seed: int = 0) -> dict:
    key = jax.random.key(seed)
    ks = jax.random.split(key, 12)
    x = jax.random.normal(ks[0], (N_NODES, D_FEAT), dtype=jnp.float32)
    edge_index = jax.random.randint(ks[1], (2, N_EDGES), 0, N_NODES, dtype=jnp.int64)
    s = 0.05
    Wl1 = jax.random.normal(ks[2], (D_FEAT, D_HID), dtype=jnp.float32) * s
    Wr1 = jax.random.normal(ks[3], (D_FEAT, D_HID), dtype=jnp.float32) * s
    b1 = jnp.zeros((D_HID,), dtype=jnp.float32)
    Wl2 = jax.random.normal(ks[4], (D_HID, D_HID), dtype=jnp.float32) * s
    Wr2 = jax.random.normal(ks[5], (D_HID, D_HID), dtype=jnp.float32) * s
    b2 = jnp.zeros((D_HID,), dtype=jnp.float32)
    Wl3 = jax.random.normal(ks[6], (D_HID, D_OUT), dtype=jnp.float32) * s
    Wr3 = jax.random.normal(ks[7], (D_HID, D_OUT), dtype=jnp.float32) * s
    b3 = jnp.zeros((D_OUT,), dtype=jnp.float32)
    return {"x": x, "edge_index": edge_index, "Wl1": Wl1, "Wr1": Wr1, "b1": b1,
            "Wl2": Wl2, "Wr2": Wr2, "b2": b2, "Wl3": Wl3, "Wr3": Wr3, "b3": b3}


def _sage_conv(x, edge_index, Wl, Wr, b):
    # GraphSAGE with mean aggregation: out = mean_{j in N(i)} x_j @ Wl + x_i @ Wr + b
    src = edge_index[0]
    dst = edge_index[1]
    msg = jnp.take(x, src, axis=0)                       # gather (SparseCore)
    agg_sum = jax.ops.segment_sum(msg, dst, num_segments=x.shape[0])  # scatter-add
    deg = jax.ops.segment_sum(jnp.ones((edge_index.shape[1],), dtype=x.dtype),
                              dst, num_segments=x.shape[0])
    agg = agg_sum / jnp.clip(deg, 1.0)[:, None]
    return agg @ Wl + x @ Wr + b


def reference(x, edge_index, Wl1, Wr1, b1, Wl2, Wr2, b2, Wl3, Wr3, b3):
    # eval mode: dropout_edge (p=0.2) and F.dropout (p=0.92) are identity
    h = jax.nn.relu(_sage_conv(x, edge_index, Wl1, Wr1, b1))   # act_middle = relu
    h = jax.nn.relu(_sage_conv(h, edge_index, Wl2, Wr2, b2))   # act_middle = relu
    h = _sage_conv(h, edge_index, Wl3, Wr3, b3)
    act = jax.nn.sigmoid(h)                                    # act_final = sigmoid (applied after loop)
    return act

if __name__ == "__main__":
    import jax
    _d = setup_inputs()
    print(jax.jit(kernel)(*tuple(_d.values())))

</pallas_src>

<mosaic_0001>
#map = affine_map<(d0, d1) -> (0, 0)>
module attributes {stable_mosaic.version = 14 : i64} {
  func.func @k(%arg0: i32, %arg1: i32, %arg2: memref<32x10000xi32, #tpu.memory_space<hbm>>, %arg3: memref<32x10112xf32, #tpu.memory_space<hbm>>, %arg4: memref<10000xi32, #tpu.memory_space<vmem>>, %arg5: memref<10112xf32, #tpu.memory_space<vmem>>) attributes {dimension_semantics = [#tpu.dimension_semantics<core_parallel>, #tpu.dimension_semantics<subcore_parallel>], iteration_bounds = array<i64: 2, 16>, scalar_prefetch = 0 : i64, scratch_operands = 2 : i64, tpu.core_type = #tpu.core_type<sc_vector_subcore>, window_params = [{transform_indices = #map}, {transform_indices = #map}]} {
    %mul3A = arith.constant 16 : i32
    %mul3A_0 = arith.muli %arg0, %mul3A : i32
    %add3A = arith.addi %mul3A_0, %arg1 : i32
    "tpu.region"() ({
      %run_scoped3A = tpu.sem_alloc : memref<!tpu.dma_semaphore, #tpu.memory_space<semaphore_mem>>
      %dma_start3A = arith.constant 0 : i32
      %dma_start3A_11 = tpu.memref_slice %arg2[%add3A, %dma_start3A] : memref<32x10000xi32, #tpu.memory_space<hbm>> -> memref<1x10000xi32, #tpu.memory_space<hbm>>
      %dma_start3A_12 = tpu.memref_squeeze %dma_start3A_11 : memref<1x10000xi32, #tpu.memory_space<hbm>> -> memref<10000xi32, #tpu.memory_space<hbm>>
      %dma_start3A_13 = arith.constant 0 : i32
      %dma_start3A_14 = tpu.memref_slice %arg2[%add3A, %dma_start3A_13] : memref<32x10000xi32, #tpu.memory_space<hbm>> -> memref<1x10000xi32, #tpu.memory_space<hbm>>
      %dma_start3A_15 = tpu.memref_squeeze %dma_start3A_14 : memref<1x10000xi32, #tpu.memory_space<hbm>> -> memref<10000xi32, #tpu.memory_space<hbm>>
      tpu.enqueue_dma source(%dma_start3A_15 : memref<10000xi32, #tpu.memory_space<hbm>>) target(%arg4 : memref<10000xi32, #tpu.memory_space<vmem>>) target_semaphore(%run_scoped3A : memref<!tpu.dma_semaphore, #tpu.memory_space<semaphore_mem>>)
      %dma_wait3A = arith.constant 0 : i32
      %dma_wait3A_16 = tpu.memref_slice %arg2[%add3A, %dma_wait3A] : memref<32x10000xi32, #tpu.memory_space<hbm>> -> memref<1x10000xi32, #tpu.memory_space<hbm>>
      %dma_wait3A_17 = tpu.memref_squeeze %dma_wait3A_16 : memref<1x10000xi32, #tpu.memory_space<hbm>> -> memref<10000xi32, #tpu.memory_space<hbm>>
      %dma_wait3A_18 = arith.constant 0 : i32
      %dma_wait3A_19 = tpu.memref_slice %arg2[%add3A, %dma_wait3A_18] : memref<32x10000xi32, #tpu.memory_space<hbm>> -> memref<1x10000xi32, #tpu.memory_space<hbm>>
      %dma_wait3A_20 = tpu.memref_squeeze %dma_wait3A_19 : memref<1x10000xi32, #tpu.memory_space<hbm>> -> memref<10000xi32, #tpu.memory_space<hbm>>
      tpu.wait_dma2 semaphore(%run_scoped3A : memref<!tpu.dma_semaphore, #tpu.memory_space<semaphore_mem>>) src(%dma_wait3A_20 : memref<10000xi32, #tpu.memory_space<hbm>>) dst(%arg4 : memref<10000xi32, #tpu.memory_space<vmem>>)
      tpu.yield
    }) : () -> ()
    %scan3A = arith.constant 0 : i32
    %scan3A_1 = arith.constant 632 : i32
    %scan3A_2 = arith.addi %scan3A, %scan3A_1 : i32
    %scan3A_3 = arith.constant 1 : i32
    scf.for %scan3A_11 = %scan3A to %scan3A_2 step %scan3A_3  : i32 {
      %mul3A_12 = arith.constant 16 : i32
      %mul3A_13 = arith.muli %scan3A_11, %mul3A_12 : i32
      %add3A_14 = arith.constant 0 : i32
      %add3A_15 = arith.addi %add3A_14, %mul3A_13 : i32
      %broadcast_in_dim3A_16 = arith.constant 0.000000e+00 : f32
      %broadcast_in_dim3A_17 = vector.broadcast %broadcast_in_dim3A_16 : f32 to vector<16xf32>
      %swap3A = arith.index_cast %add3A_15 : i32 to index
      %swap3A_18 = tpu.vector_load %arg5[%swap3A] {strides = array<i32>} : memref<10112xf32, #tpu.memory_space<vmem>>, vector<16xf32>,
      tpu.vector_store %arg5[%swap3A], %broadcast_in_dim3A_17 {strides = array<i32>} : memref<10112xf32, #tpu.memory_space<vmem>>, vector<16xf32>,
    }
    %scan3A_4 = arith.constant 632 : i32
    %broadcast_in_dim3A = arith.constant 1.000000e+00 : f32
    %broadcast_in_dim3A_5 = vector.broadcast %broadcast_in_dim3A : f32 to vector<16xf32>
    %scan3A_6 = arith.constant 0 : i32
    %scan3A_7 = arith.constant 625 : i32
    %scan3A_8 = arith.addi %scan3A_6, %scan3A_7 : i32
    %scan3A_9 = arith.constant 1 : i32
    scf.for %scan3A_11 = %scan3A_6 to %scan3A_8 step %scan3A_9  : i32 {
      %mul3A_12 = arith.constant 16 : i32
      %mul3A_13 = arith.muli %scan3A_11, %mul3A_12 : i32
      %add3A_14 = arith.constant 0 : i32
      %add3A_15 = arith.addi %add3A_14, %mul3A_13 : i32
      %get3A = arith.index_cast %add3A_15 : i32 to index
      %get3A_16 = tpu.vector_load %arg4[%get3A] {strides = array<i32>} : memref<10000xi32, #tpu.memory_space<vmem>>, vector<16xi32>,
      %and3A = arith.constant 16383 : i32
      %and3A_17 = vector.broadcast %and3A : i32 to vector<16xi32>
      %and3A_18 = arith.andi %get3A_16, %and3A_17 : vector<16xi32>
      tpu.vector_store_idx %arg5[%and3A_18], %broadcast_in_dim3A_5 {add = true} : memref<10112xf32, #tpu.memory_space<vmem>>[vector<16xi32>], vector<16xf32>,
    }
    %scan3A_10 = arith.constant 625 : i32
    "tpu.region"() ({
      %run_scoped3A = tpu.sem_alloc : memref<!tpu.dma_semaphore, #tpu.memory_space<semaphore_mem>>
      %dma_start3A = arith.constant 0 : i32
      %dma_start3A_11 = tpu.memref_slice %arg3[%add3A, %dma_start3A] : memref<32x10112xf32, #tpu.memory_space<hbm>> -> memref<1x10112xf32, #tpu.memory_space<hbm>>
      %dma_start3A_12 = tpu.memref_squeeze %dma_start3A_11 : memref<1x10112xf32, #tpu.memory_space<hbm>> -> memref<10112xf32, #tpu.memory_space<hbm>>
      %dma_start3A_13 = arith.constant 0 : i32
      %dma_start3A_14 = tpu.memref_slice %arg3[%add3A, %dma_start3A_13] : memref<32x10112xf32, #tpu.memory_space<hbm>> -> memref<1x10112xf32, #tpu.memory_space<hbm>>
      %dma_start3A_15 = tpu.memref_squeeze %dma_start3A_14 : memref<1x10112xf32, #tpu.memory_space<hbm>> -> memref<10112xf32, #tpu.memory_space<hbm>>
      tpu.enqueue_dma source(%arg5 : memref<10112xf32, #tpu.memory_space<vmem>>) target(%dma_start3A_15 : memref<10112xf32, #tpu.memory_space<hbm>>) target_semaphore(%run_scoped3A : memref<!tpu.dma_semaphore, #tpu.memory_space<semaphore_mem>>)
      %dma_wait3A = arith.constant 0 : i32
      %dma_wait3A_16 = tpu.memref_slice %arg3[%add3A, %dma_wait3A] : memref<32x10112xf32, #tpu.memory_space<hbm>> -> memref<1x10112xf32, #tpu.memory_space<hbm>>
      %dma_wait3A_17 = tpu.memref_squeeze %dma_wait3A_16 : memref<1x10112xf32, #tpu.memory_space<hbm>> -> memref<10112xf32, #tpu.memory_space<hbm>>
      %dma_wait3A_18 = arith.constant 0 : i32
      %dma_wait3A_19 = tpu.memref_slice %arg3[%add3A, %dma_wait3A_18] : memref<32x10112xf32, #tpu.memory_space<hbm>> -> memref<1x10112xf32, #tpu.memory_space<hbm>>
      %dma_wait3A_20 = tpu.memref_squeeze %dma_wait3A_19 : memref<1x10112xf32, #tpu.memory_space<hbm>> -> memref<10112xf32, #tpu.memory_space<hbm>>
      tpu.wait_dma2 semaphore(%run_scoped3A : memref<!tpu.dma_semaphore, #tpu.memory_space<semaphore_mem>>) src(%arg5 : memref<10112xf32, #tpu.memory_space<vmem>>) dst(%dma_wait3A_20 : memref<10112xf32, #tpu.memory_space<hbm>>)
      tpu.yield
    }) : () -> ()
    return
  }
}

#map = affine_map<(d0, d1) -> (0, 0)>
#map1 = affine_map<(d0, d1) -> (0, 0, 0)>
module attributes {stable_mosaic.version = 14 : i64} {
  func.func @k(%arg0: i32, %arg1: i32, %arg2: memref<10112x128xf32, #tpu.memory_space<hbm>>, %arg3: memref<32x125x80xi32, #tpu.memory_space<hbm>>, %arg4: memref<10112x128xf32, #tpu.memory_space<hbm>>, %arg5: memref<2x10112x128xf32, #tpu.memory_space<hbm>>, %arg6: memref<125x80xi32, #tpu.memory_space<vmem>>, %arg7: memref<2x80xi32, #tpu.memory_space<vmem>>, %arg8: memref<2x80xi32, #tpu.memory_space<vmem>>, %arg9: memref<80x128xf32, #tpu.memory_space<vmem>>, %arg10: memref<80x128xf32, #tpu.memory_space<vmem>>, %arg11: memref<10112x128xf32, #tpu.memory_space<vmem_shared>>, %arg12: memref<!tpu.dma_semaphore, #tpu.memory_space<semaphore_mem>>, %arg13: memref<!tpu.dma_semaphore, #tpu.memory_space<semaphore_mem>>, %arg14: memref<!tpu.dma_semaphore, #tpu.memory_space<semaphore_mem>>, %arg15: memref<!tpu.dma_semaphore, #tpu.memory_space<semaphore_mem>>, %arg16: memref<!tpu.dma_semaphore, #tpu.memory_space<semaphore_mem>>) attributes {dimension_semantics = [#tpu.dimension_semantics<core_parallel>, #tpu.dimension_semantics<subcore_parallel>], iteration_bounds = array<i64: 2, 16>, scalar_prefetch = 0 : i64, scratch_operands = 11 : i64, tpu.core_type = #tpu.core_type<sc_vector_subcore>, window_params = [{transform_indices = #map}, {transform_indices = #map1}, {transform_indices = #map}, {transform_indices = #map1}]} {
    %mul3A = arith.constant 16 : i32
    %mul3A_0 = arith.muli %arg0, %mul3A : i32
    %add3A = arith.addi %mul3A_0, %arg1 : i32
    %mul3A_1 = arith.constant 632 : i32
    %mul3A_2 = arith.muli %arg1, %mul3A_1 : i32
    %dma_start3A = arith.constant 0 : i32
    %dma_start3A_3 = tpu.memref_slice %arg11[%mul3A_2, %dma_start3A] : memref<10112x128xf32, #tpu.memory_space<vmem_shared>> -> memref<632x128xf32, #tpu.memory_space<vmem_shared>>
    %dma_start3A_4 = arith.constant 0 : i32
    %dma_start3A_5 = tpu.memref_slice %arg4[%mul3A_2, %dma_start3A_4] : memref<10112x128xf32, #tpu.memory_space<hbm>> -> memref<632x128xf32, #tpu.memory_space<hbm>>
    tpu.enqueue_dma source(%dma_start3A_5 : memref<632x128xf32, #tpu.memory_space<hbm>>) target(%dma_start3A_3 : memref<632x128xf32, #tpu.memory_space<vmem_shared>>) target_semaphore(%arg16 : memref<!tpu.dma_semaphore, #tpu.memory_space<semaphore_mem>>)
    "tpu.region"() ({
      %run_scoped3A = tpu.sem_alloc : memref<!tpu.dma_semaphore, #tpu.memory_space<semaphore_mem>>
      %dma_start3A_268 = arith.constant 0 : i32
      %dma_start3A_269 = arith.constant 0 : i32
      %dma_start3A_270 = tpu.memref_slice %arg3[%add3A, %dma_start3A_268, %dma_start3A_269] : memref<32x125x80xi32, #tpu.memory_space<hbm>> -> memref<1x125x80xi32, #tpu.memory_space<hbm>>
      %dma_start3A_271 = tpu.memref_squeeze %dma_start3A_270 : memref<1x125x80xi32, #tpu.memory_space<hbm>> -> memref<125x80xi32, #tpu.memory_space<hbm>>
      %dma_start3A_272 = arith.constant 0 : i32
      %dma_start3A_273 = arith.constant 0 : i32
      %dma_start3A_274 = tpu.memref_slice %arg3[%add3A, %dma_start3A_272, %dma_start3A_273] : memref<32x125x80xi32, #tpu.memory_space<hbm>> -> memref<1x125x80xi32, #tpu.memory_space<hbm>>
      %dma_start3A_275 = tpu.memref_squeeze %dma_start3A_274 : memref<1x125x80xi32, #tpu.memory_space<hbm>> -> memref<125x80xi32, #tpu.memory_space<hbm>>
      tpu.enqueue_dma source(%dma_start3A_275 : memref<125x80xi32, #tpu.memory_space<hbm>>) target(%arg6 : memref<125x80xi32, #tpu.memory_space<vmem>>) target_semaphore(%run_scoped3A : memref<!tpu.dma_semaphore, #tpu.memory_space<semaphore_mem>>)
      %dma_wait3A_276 = arith.constant 0 : i32
      %dma_wait3A_277 = arith.constant 0 : i32
      %dma_wait3A_278 = tpu.memref_slice %arg3[%add3A, %dma_wait3A_276, %dma_wait3A_277] : memref<32x125x80xi32, #tpu.memory_space<hbm>> -> memref<1x125x80xi32, #tpu.memory_space<hbm>>
      %dma_wait3A_279 = tpu.memref_squeeze %dma_wait3A_278 : memref<1x125x80xi32, #tpu.memory_space<hbm>> -> memref<125x80xi32, #tpu.memory_space<hbm>>
      %dma_wait3A_280 = arith.constant 0 : i32
      %dma_wait3A_281 = arith.constant 0 : i32
      %dma_wait3A_282 = tpu.memref_slice %arg3[%add3A, %dma_wait3A_280, %dma_wait3A_281] : memref<32x125x80xi32, #tpu.memory_space<hbm>> -> memref<1x125x80xi32, #tpu.memory_space<hbm>>
      %dma_wait3A_283 = tpu.memref_squeeze %dma_wait3A_282 : memref<1x125x80xi32, #tpu.memory_space<hbm>> -> memref<125x80xi32, #tpu.memory_space<hbm>>
      tpu.wait_dma2 semaphore(%run_scoped3A : memref<!tpu.dma_semaphore, #tpu.memory_space<semaphore_mem>>) src(%dma_wait3A_283 : memref<125x80xi32, #tpu.memory_space<hbm>>) dst(%arg6 : memref<125x80xi32, #tpu.memory_space<vmem>>)
      tpu.yield
    }) : () -> ()
    %get3A = arith.constant 0 : i32
    %get3A_6 = arith.index_cast %get3A : i32 to index
    %get3A_7 = arith.constant 0 : index
    %get3A_8 = tpu.vector_load %arg6[%get3A_6, %get3A_7] {strides = array<i32>} : memref<125x80xi32, #tpu.memory_space<vmem>>, vector<1x16xi32>,
    %get3A_9 = vector.shape_cast %get3A_8 : vector<1x16xi32> to vector<16xi32>
    %shift_right_logical3A = arith.constant 14 : i32
    %shift_right_logical3A_10 = vector.broadcast %shift_right_logical3A : i32 to vector<16xi32>
    %shift_right_logical3A_11 = arith.shrui %get3A_9, %shift_right_logical3A_10 : vector<16xi32>
    %swap3A = arith.constant 0 : i32
    %swap3A_12 = arith.index_cast %swap3A : i32 to index
    %swap3A_13 = arith.constant 0 : index
    %swap3A_14 = tpu.vector_load %arg7[%swap3A_12, %swap3A_13] {strides = array<i32>} : memref<2x80xi32, #tpu.memory_space<vmem>>, vector<1x16xi32>,
    %swap3A_15 = vector.shape_cast %swap3A_14 : vector<1x16xi32> to vector<16xi32>
    %swap3A_16 = vector.shape_cast %shift_right_logical3A_11 : vector<16xi32> to vector<1x16xi32>
    tpu.vector_store %arg7[%swap3A_12, %swap3A_13], %swap3A_16 {strides = array<i32>} : memref<2x80xi32, #tpu.memory_space<vmem>>, vector<1x16xi32>,
    %and3A = arith.constant 16383 : i32
    %and3A_17 = vector.broadcast %and3A : i32 to vector<16xi32>
    %and3A_18 = arith.andi %get3A_9, %and3A_17 : vector<16xi32>
    %swap3A_19 = arith.constant 1 : i32
    %swap3A_20 = arith.index_cast %swap3A_19 : i32 to index
    %swap3A_21 = arith.constant 0 : index
    %swap3A_22 = tpu.vector_load %arg7[%swap3A_20, %swap3A_21] {strides = array<i32>} : memref<2x80xi32, #tpu.memory_space<vmem>>, vector<1x16xi32>,
    %swap3A_23 = vector.shape_cast %swap3A_22 : vector<1x16xi32> to vector<16xi32>
    %swap3A_24 = vector.shape_cast %and3A_18 : vector<16xi32> to vector<1x16xi32>
    tpu.vector_store %arg7[%swap3A_20, %swap3A_21], %swap3A_24 {strides = array<i32>} : memref<2x80xi32, #tpu.memory_space<vmem>>, vector<1x16xi32>,
    %get3A_25 = arith.constant 0 : i32
    %get3A_26 = arith.index_cast %get3A_25 : i32 to index
    %get3A_27 = arith.constant 16 : index
    %get3A_28 = tpu.vector_load %arg6[%get3A_26, %get3A_27] {strides = array<i32>} : memref<125x80xi32, #tpu.memory_space<vmem>>, vector<1x16xi32>,
    %get3A_29 = vector.shape_cast %get3A_28 : vector<1x16xi32> to vector<16xi32>
    %shift_right_logical3A_30 = arith.constant 14 : i32
    %shift_right_logical3A_31 = vector.broadcast %shift_right_logical3A_30 : i32 to vector<16xi32>
    %shift_right_logical3A_32 = arith.shrui %get3A_29, %shift_right_logical3A_31 : vector<16xi32>
    %swap3A_33 = arith.constant 0 : i32
    %swap3A_34 = arith.index_cast %swap3A_33 : i32 to index
    %swap3A_35 = arith.constant 16 : index
    %swap3A_36 = tpu.vector_load %arg7[%swap3A_34, %swap3A_35] {strides = array<i32>} : memref<2x80xi32, #tpu.memory_space<vmem>>, vector<1x16xi32>,
    %swap3A_37 = vector.shape_cast %swap3A_36 : vector<1x16xi32> to vector<16xi32>
    %swap3A_38 = vector.shape_cast %shift_right_logical3A_32 : vector<16xi32> to vector<1x16xi32>
    tpu.vector_store %arg7[%swap3A_34, %swap3A_35], %swap3A_38 {strides = array<i32>} : memref<2x80xi32, #tpu.memory_space<vmem>>, vector<1x16xi32>,
    %and3A_39 = arith.constant 16383 : i32
    %and3A_40 = vector.broadcast %and3A_39 : i32 to vector<16xi32>
    %and3A_41 = arith.andi %get3A_29, %and3A_40 : vector<16xi32>
    %swap3A_42 = arith.constant 1 : i32
    %swap3A_43 = arith.index_cast %swap3A_42 : i32 to index
    %swap3A_44 = arith.constant 16 : index
    %swap3A_45 = tpu.vector_load %arg7[%swap3A_43, %swap3A_44] {strides = array<i32>} : memref<2x80xi32, #tpu.memory_space<vmem>>, vector<1x16xi32>,
    %swap3A_46 = vector.shape_cast %swap3A_45 : vector<1x16xi32> to vector<16xi32>
    %swap3A_47 = vector.shape_cast %and3A_41 : vector<16xi32> to vector<1x16xi32>
    tpu.vector_store %arg7[%swap3A_43, %swap3A_44], %swap3A_47 {strides = array<i32>} : memref<2x80xi32, #tpu.memory_space<vmem>>, vector<1x16xi32>,
    %get3A_48 = arith.constant 0 : i32
    %get3A_49 = arith.index_cast %get3A_48 : i32 to index
    %get3A_50 = arith.constant 32 : index
    %get3A_51 = tpu.vector_load %arg6[%get3A_49, %get3A_50] {strides = array<i32>} : memref<125x80xi32, #tpu.memory_space<vmem>>, vector<1x16xi32>,
    %get3A_52 = vector.shape_cast %get3A_51 : vector<1x16xi32> to vector<16xi32>
    %shift_right_logical3A_53 = arith.constant 14 : i32
    %shift_right_logical3A_54 = vector.broadcast %shift_right_logical3A_53 : i32 to vector<16xi32>
    %shift_right_logical3A_55 = arith.shrui %get3A_52, %shift_right_logical3A_54 : vector<16xi32>
    %swap3A_56 = arith.constant 0 : i32
    %swap3A_57 = arith.index_cast %swap3A_56 : i32 to index
    %swap3A_58 = arith.constant 32 : index
    %swap3A_59 = tpu.vector_load %arg7[%swap3A_57, %swap3A_58] {strides = array<i32>} : memref<2x80xi32, #tpu.memory_space<vmem>>, vector<1x16xi32>,
    %swap3A_60 = vector.shape_cast %swap3A_59 : vector<1x16xi32> to vector<16xi32>
    %swap3A_61 = vector.shape_cast %shift_right_logical3A_55 : vector<16xi32> to vector<1x16xi32>
    tpu.vector_store %arg7[%swap3A_57, %swap3A_58], %swap3A_61 {strides = array<i32>} : memref<2x80xi32, #tpu.memory_space<vmem>>, vector<1x16xi32>,
    %and3A_62 = arith.constant 16383 : i32
    %and3A_63 = vector.broadcast %and3A_62 : i32 to vector<16xi32>
    %and3A_64 = arith.andi %get3A_52, %and3A_63 : vector<16xi32>
    %swap3A_65 = arith.constant 1 : i32
    %swap3A_66 = arith.index_cast %swap3A_65 : i32 to index
    %swap3A_67 = arith.constant 32 : index
    %swap3A_68 = tpu.vector_load %arg7[%swap3A_66, %swap3A_67] {strides = array<i32>} : memref<2x80xi32, #tpu.memory_space<vmem>>, vector<1x16xi32>,
    %swap3A_69 = vector.shape_cast %swap3A_68 : vector<1x16xi32> to vector<16xi32>
    %swap3A_70 = vector.shape_cast %and3A_64 : vector<16xi32> to vector<1x16xi32>
    tpu.vector_store %arg7[%swap3A_66, %swap3A_67], %swap3A_70 {strides = array<i32>} : memref<2x80xi32, #tpu.memory_space<vmem>>, vector<1x16xi32>,
    %get3A_71 = arith.constant 0 : i32
    %get3A_72 = arith.index_cast %get3A_71 : i32 to index
    %get3A_73 = arith.constant 48 : index
    %get3A_74 = tpu.vector_load %arg6[%get3A_72, %get3A_73] {strides = array<i32>} : memref<125x80xi32, #tpu.memory_space<vmem>>, vector<1x16xi32>,
    %get3A_75 = vector.shape_cast %get3A_74 : vector<1x16xi32> to vector<16xi32>
    %shift_right_logical3A_76 = arith.constant 14 : i32
    %shift_right_logical3A_77 = vector.broadcast %shift_right_logical3A_76 : i32 to vector<16xi32>
    %shift_right_logical3A_78 = arith.shrui %get3A_75, %shift_right_logical3A_77 : vector<16xi32>
    %swap3A_79 = arith.constant 0 : i32
    %swap3A_80 = arith.index_cast %swap3A_79 : i32 to index
    %swap3A_81 = arith.constant 48 : index
    %swap3A_82 = tpu.vector_load %arg7[%swap3A_80, %swap3A_81] {strides = array<i32>} : memref<2x80xi32, #tpu.memory_space<vmem>>, vector<1x16xi32>,
    %swap3A_83 = vector.shape_cast %swap3A_82 : vector<1x16xi32> to vector<16xi32>
    %swap3A_84 = vector.shape_cast %shift_right_logical3A_78 : vector<16xi32> to vector<1x16xi32>
    tpu.vector_store %arg7[%swap3A_80, %swap3A_81], %swap3A_84 {strides = array<i32>} : memref<2x80xi32, #tpu.memory_space<vmem>>, vector<1x16xi32>,
    %and3A_85 = arith.constant 16383 : i32
    %and3A_86 = vector.broadcast %and3A_85 : i32 to vector<16xi32>
    %and3A_87 = arith.andi %get3A_75, %and3A_86 : vector<16xi32>
    %swap3A_88 = arith.constant 1 : i32
    %swap3A_89 = arith.index_cast %swap3A_88 : i32 to index
    %swap3A_90 = arith.constant 48 : index
    %swap3A_91 = tpu.vector_load %arg7[%swap3A_89, %swap3A_90] {strides = array<i32>} : memref<2x80xi32, #tpu.memory_space<vmem>>, vector<1x16xi32>,
    %swap3A_92 = vector.shape_cast %swap3A_91 : vector<1x16xi32> to vector<16xi32>
    %swap3A_93 = vector.shape_cast %and3A_87 : vector<16xi32> to vector<1x16xi32>
    tpu.vector_store %arg7[%swap3A_89, %swap3A_90], %swap3A_93 {strides = array<i32>} : memref<2x80xi32, #tpu.memory_space<vmem>>, vector<1x16xi32>,
    %get3A_94 = arith.constant 0 : i32
    %get3A_95 = arith.index_cast %get3A_94 : i32 to index
    %get3A_96 = arith.constant 64 : index
    %get3A_97 = tpu.vector_load %arg6[%get3A_95, %get3A_96] {strides = array<i32>} : memref<125x80xi32, #tpu.memory_space<vmem>>, vector<1x16xi32>,
    %get3A_98 = vector.shape_cast %get3A_97 : vector<1x16xi32> to vector<16xi32>
    %shift_right_logical3A_99 = arith.constant 14 : i32
    %shift_right_logical3A_100 = vector.broadcast %shift_right_logical3A_99 : i32 to vector<16xi32>
    %shift_right_logical3A_101 = arith.shrui %get3A_98, %shift_right_logical3A_100 : vector<16xi32>
    %swap3A_102 = arith.constant 0 : i32
    %swap3A_103 = arith.index_cast %swap3A_102 : i32 to index
    %swap3A_104 = arith.constant 64 : index
    %swap3A_105 = tpu.vector_load %arg7[%swap3A_103, %swap3A_104] {strides = array<i32>} : memref<2x80xi32, #tpu.memory_space<vmem>>, vector<1x16xi32>,
    %swap3A_106 = vector.shape_cast %swap3A_105 : vector<1x16xi32> to vector<16xi32>
    %swap3A_107 = vector.shape_cast %shift_right_logical3A_101 : vector<16xi32> to vector<1x16xi32>
    tpu.vector_store %arg7[%swap3A_103, %swap3A_104], %swap3A_107 {strides = array<i32>} : memref<2x80xi32, #tpu.memory_space<vmem>>, vector<1x16xi32>,
    %and3A_108 = arith.constant 16383 : i32
    %and3A_109 = vector.broadcast %and3A_108 : i32 to vector<16xi32>
    %and3A_110 = arith.andi %get3A_98, %and3A_109 : vector<16xi32>
    %swap3A_111 = arith.constant 1 : i32
    %swap3A_112 = arith.index_cast %swap3A_111 : i32 to index
    %swap3A_113 = arith.constant 64 : index
    %swap3A_114 = tpu.vector_load %arg7[%swap3A_112, %swap3A_113] {strides = array<i32>} : memref<2x80xi32, #tpu.memory_space<vmem>>, vector<1x16xi32>,
    %swap3A_115 = vector.shape_cast %swap3A_114 : vector<1x16xi32> to vector<16xi32>
    %swap3A_116 = vector.shape_cast %and3A_110 : vector<16xi32> to vector<1x16xi32>
    tpu.vector_store %arg7[%swap3A_112, %swap3A_113], %swap3A_116 {strides = array<i32>} : memref<2x80xi32, #tpu.memory_space<vmem>>, vector<1x16xi32>,
    %dma_start3A_117 = arith.constant 0 : i32
    %dma_start3A_118 = arith.constant 0 : i32
    %dma_start3A_119 = tpu.memref_slice %arg7[%dma_start3A_117, %dma_start3A_118] : memref<2x80xi32, #tpu.memory_space<vmem>> -> memref<1x80xi32, #tpu.memory_space<vmem>>
    %dma_start3A_120 = tpu.memref_squeeze %dma_start3A_119 : memref<1x80xi32, #tpu.memory_space<vmem>> -> memref<80xi32, #tpu.memory_space<vmem>>
    %dma_start3A_121 = arith.constant 0 : i32
    %dma_start3A_122 = arith.constant 0 : i32
    %dma_start3A_123 = tpu.memref_slice %arg2[%dma_start3A_121, %dma_start3A_122] : memref<10112x128xf32, #tpu.memory_space<hbm>> -> memref<10112x128xf32, #tpu.memory_space<hbm>>
    tpu.enqueue_indirect_dma source(%dma_start3A_123 : memref<10112x128xf32, #tpu.memory_space<hbm>>) target(%arg9 : memref<80x128xf32, #tpu.memory_space<vmem>>) offsets(%dma_start3A_120 : memref<80xi32, #tpu.memory_space<vmem>>) semaphore(%arg12 : memref<!tpu.dma_semaphore, #tpu.memory_space<semaphore_mem>>)
    %get3A_124 = arith.constant 1 : i32
    %get3A_125 = arith.index_cast %get3A_124 : i32 to index
    %get3A_126 = arith.constant 0 : index
    %get3A_127 = tpu.vector_load %arg6[%get3A_125, %get3A_126] {strides = array<i32>} : memref<125x80xi32, #tpu.memory_space<vmem>>, vector<1x16xi32>,
    %get3A_128 = vector.shape_cast %get3A_127 : vector<1x16xi32> to vector<16xi32>
    %shift_right_logical3A_129 = arith.constant 14 : i32
    %shift_right_logical3A_130 = vector.broadcast %shift_right_logical3A_129 : i32 to vector<16xi32>
    %shift_right_logical3A_131 = arith.shrui %get3A_128, %shift_right_logical3A_130 : vector<16xi32>
    %swap3A_132 = arith.constant 0 : i32
    %swap3A_133 = arith.index_cast %swap3A_132 : i32 to index
    %swap3A_134 = arith.constant 0 : index
    %swap3A_135 = tpu.vector_load %arg8[%swap3A_133, %swap3A_134] {strides = array<i32>} : memref<2x80xi32, #tpu.memory_space<vmem>>, vector<1x16xi32>,
    %swap3A_136 = vector.shape_cast %swap3A_135 : vector<1x16xi32> to vector<16xi32>
    %swap3A_137 = vector.shape_cast %shift_right_logical3A_131 : vector<16xi32> to vector<1x16xi32>
    tpu.vector_store %arg8[%swap3A_133, %swap3A_134], %swap3A_137 {strides = array<i32>} : memref<2x80xi32, #tpu.memory_space<vmem>>, vector<1x16xi32>,
    %and3A_138 = arith.constant 16383 : i32
    %and3A_139 = vector.broadcast %and3A_138 : i32 to vector<16xi32>
    %and3A_140 = arith.andi %get3A_128, %and3A_139 : vector<16xi32>
    %swap3A_141 = arith.constant 1 : i32
    %swap3A_142 = arith.index_cast %swap3A_141 : i32 to index
    %swap3A_143 = arith.constant 0 : index
    %swap3A_144 = tpu.vector_load %arg8[%swap3A_142, %swap3A_143] {strides = array<i32>} : memref<2x80xi32, #tpu.memory_space<vmem>>, vector<1x16xi32>,
    %swap3A_145 = vector.shape_cast %swap3A_144 : vector<1x16xi32> to vector<16xi32>
    %swap3A_146 = vector.shape_cast %and3A_140 : vector<16xi32> to vector<1x16xi32>
    tpu.vector_store %arg8[%swap3A_142, %swap3A_143], %swap3A_146 {strides = array<i32>} : memref<2x80xi32, #tpu.memory_space<vmem>>, vector<1x16xi32>,
    %get3A_147 = arith.constant 1 : i32
    %get3A_148 = arith.index_cast %get3A_147 : i32 to index
    %get3A_149 = arith.constant 16 : index
    %get3A_150 = tpu.vector_load %arg6[%get3A_148, %get3A_149] {strides = array<i32>} : memref<125x80xi32, #tpu.memory_space<vmem>>, vector<1x16xi32>,
    %get3A_151 = vector.shape_cast %get3A_150 : vector<1x16xi32> to vector<16xi32>
    %shift_right_logical3A_152 = arith.constant 14 : i32
    %shift_right_logical3A_153 = vector.broadcast %shift_right_logical3A_152 : i32 to vector<16xi32>
    %shift_right_logical3A_154 = arith.shrui %get3A_151, %shift_right_logical3A_153 : vector<16xi32>
    %swap3A_155 = arith.constant 0 : i32
    %swap3A_156 = arith.index_cast %swap3A_155 : i32 to index
    %swap3A_157 = arith.constant 16 : index
    %swap3A_158 = tpu.vector_load %arg8[%swap3A_156, %swap3A_157] {strides = array<i32>} : memref<2x80xi32, #tpu.memory_space<vmem>>, vector<1x16xi32>,
    %swap3A_159 = vector.shape_cast %swap3A_158 : vector<1x16xi32> to vector<16xi32>
    %swap3A_160 = vector.shape_cast %shift_right_logical3A_154 : vector<16xi32> to vector<1x16xi32>
    tpu.vector_store %arg8[%swap3A_156, %swap3A_157], %swap3A_160 {strides = array<i32>} : memref<2x80xi32, #tpu.memory_space<vmem>>, vector<1x16xi32>,
    %and3A_161 = arith.constant 16383 : i32
    %and3A_162 = vector.broadcast %and3A_161 : i32 to vector<16xi32>
    %and3A_163 = arith.andi %get3A_151, %and3A_162 : vector<16xi32>
    %swap3A_164 = arith.constant 1 : i32
    %swap3A_165 = arith.index_cast %swap3A_164 : i32 to index
    %swap3A_166 = arith.constant 16 : index
    %swap3A_167 = tpu.vector_load %arg8[%swap3A_165, %swap3A_166] {strides = array<i32>} : memref<2x80xi32, #tpu.memory_space<vmem>>, vector<1x16xi32>,
    %swap3A_168 = vector.shape_cast %swap3A_167 : vector<1x16xi32> to vector<16xi32>
    %swap3A_169 = vector.shape_cast %and3A_163 : vector<16xi32> to vector<1x16xi32>
    tpu.vector_store %arg8[%swap3A_165, %swap3A_166], %swap3A_169 {strides = array<i32>} : memref<2x80xi32, #tpu.memory_space<vmem>>, vector<1x16xi32>,
    %get3A_170 = arith.constant 1 : i32
    %get3A_171 = arith.index_cast %get3A_170 : i32 to index
    %get3A_172 = arith.constant 32 : index
    %get3A_173 = tpu.vector_load %arg6[%get3A_171, %get3A_172] {strides = array<i32>} : memref<125x80xi32, #tpu.memory_space<vmem>>, vector<1x16xi32>,
    %get3A_174 = vector.shape_cast %get3A_173 : vector<1x16xi32> to vector<16xi32>
    %shift_right_logical3A_175 = arith.constant 14 : i32
    %shift_right_logical3A_176 = vector.broadcast %shift_right_logical3A_175 : i32 to vector<16xi32>
    %shift_right_logical3A_177 = arith.shrui %get3A_174, %shift_right_logical3A_176 : vector<16xi32>
    %swap3A_178 = arith.constant 0 : i32
    %swap3A_179 = arith.index_cast %swap3A_178 : i32 to index
    %swap3A_180 = arith.constant 32 : index
    %swap3A_181 = tpu.vector_load %arg8[%swap3A_179, %swap3A_180] {strides = array<i32>} : memref<2x80xi32, #tpu.memory_space<vmem>>, vector<1x16xi32>,
    %swap3A_182 = vector.shape_cast %swap3A_181 : vector<1x16xi32> to vector<16xi32>
    %swap3A_183 = vector.shape_cast %shift_right_logical3A_177 : vector<16xi32> to vector<1x16xi32>
    tpu.vector_store %arg8[%swap3A_179, %swap3A_180], %swap3A_183 {strides = array<i32>} : memref<2x80xi32, #tpu.memory_space<vmem>>, vector<1x16xi32>,
    %and3A_184 = arith.constant 16383 : i32
    %and3A_185 = vector.broadcast %and3A_184 : i32 to vector<16xi32>
    %and3A_186 = arith.andi %get3A_174, %and3A_185 : vector<16xi32>
    %swap3A_187 = arith.constant 1 : i32
    %swap3A_188 = arith.index_cast %swap3A_187 : i32 to index
    %swap3A_189 = arith.constant 32 : index
    %swap3A_190 = tpu.vector_load %arg8[%swap3A_188, %swap3A_189] {strides = array<i32>} : memref<2x80xi32, #tpu.memory_space<vmem>>, vector<1x16xi32>,
    %swap3A_191 = vector.shape_cast %swap3A_190 : vector<1x16xi32> to vector<16xi32>
    %swap3A_192 = vector.shape_cast %and3A_186 : vector<16xi32> to vector<1x16xi32>
    tpu.vector_store %arg8[%swap3A_188, %swap3A_189], %swap3A_192 {strides = array<i32>} : memref<2x80xi32, #tpu.memory_space<vmem>>, vector<1x16xi32>,
    %get3A_193 = arith.constant 1 : i32
    %get3A_194 = arith.index_cast %get3A_193 : i32 to index
    %get3A_195 = arith.constant 48 : index
    %get3A_196 = tpu.vector_load %arg6[%get3A_194, %get3A_195] {strides = array<i32>} : memref<125x80xi32, #tpu.memory_space<vmem>>, vector<1x16xi32>,
    %get3A_197 = vector.shape_cast %get3A_196 : vector<1x16xi32> to vector<16xi32>
    %shift_right_logical3A_198 = arith.constant 14 : i32
    %shift_right_logical3A_199 = vector.broadcast %shift_right_logical3A_198 : i32 to vector<16xi32>
    %shift_right_logical3A_200 = arith.shrui %get3A_197, %shift_right_logical3A_199 : vector<16xi32>
    %swap3A_201 = arith.constant 0 : i32
    %swap3A_202 = arith.index_cast %swap3A_201 : i32 to index
    %swap3A_203 = arith.constant 48 : index
    %swap3A_204 = tpu.vector_load %arg8[%swap3A_202, %swap3A_203] {strides = array<i32>} : memref<2x80xi32, #tpu.memory_space<vmem>>, vector<1x16xi32>,
    %swap3A_205 = vector.shape_cast %swap3A_204 : vector<1x16xi32> to vector<16xi32>
    %swap3A_206 = vector.shape_cast %shift_right_logical3A_200 : vector<16xi32> to vector<1x16xi32>
    tpu.vector_store %arg8[%swap3A_202, %swap3A_203], %swap3A_206 {strides = array<i32>} : memref<2x80xi32, #tpu.memory_space<vmem>>, vector<1x16xi32>,
    %and3A_207 = arith.constant 16383 : i32
    %and3A_208 = vector.broadcast %and3A_207 : i32 to vector<16xi32>
    %and3A_209 = arith.andi %get3A_197, %and3A_208 : vector<16xi32>
    %swap3A_210 = arith.constant 1 : i32
    %swap3A_211 = arith.index_cast %swap3A_210 : i32 to index
    %swap3A_212 = arith.constant 48 : index
    %swap3A_213 = tpu.vector_load %arg8[%swap3A_211, %swap3A_212] {strides = array<i32>} : memref<2x80xi32, #tpu.memory_space<vmem>>, vector<1x16xi32>,
    %swap3A_214 = vector.shape_cast %swap3A_213 : vector<1x16xi32> to vector<16xi32>
    %swap3A_215 = vector.shape_cast %and3A_209 : vector<16xi32> to vector<1x16xi32>
    tpu.vector_store %arg8[%swap3A_211, %swap3A_212], %swap3A_215 {strides = array<i32>} : memref<2x80xi32, #tpu.memory_space<vmem>>, vector<1x16xi32>,
    %get3A_216 = arith.constant 1 : i32
    %get3A_217 = arith.index_cast %get3A_216 : i32 to index
    %get3A_218 = arith.constant 64 : index
    %get3A_219 = tpu.vector_load %arg6[%get3A_217, %get3A_218] {strides = array<i32>} : memref<125x80xi32, #tpu.memory_space<vmem>>, vector<1x16xi32>,
    %get3A_220 = vector.shape_cast %get3A_219 : vector<1x16xi32> to vector<16xi32>
    %shift_right_logical3A_221 = arith.constant 14 : i32
    %shift_right_logical3A_222 = vector.broadcast %shift_right_logical3A_221 : i32 to vector<16xi32>
    %shift_right_logical3A_223 = arith.shrui %get3A_220, %shift_right_logical3A_222 : vector<16xi32>
    %swap3A_224 = arith.constant 0 : i32
    %swap3A_225 = arith.index_cast %swap3A_224 : i32 to index
    %swap3A_226 = arith.constant 64 : index
    %swap3A_227 = tpu.vector_load %arg8[%swap3A_225, %swap3A_226] {strides = array<i32>} : memref<2x80xi32, #tpu.memory_space<vmem>>, vector<1x16xi32>,
    %swap3A_228 = vector.shape_cast %swap3A_227 : vector<1x16xi32> to vector<16xi32>
    %swap3A_229 = vector.shape_cast %shift_right_logical3A_223 : vector<16xi32> to vector<1x16xi32>
    tpu.vector_store %arg8[%swap3A_225, %swap3A_226], %swap3A_229 {strides = array<i32>} : memref<2x80xi32, #tpu.memory_space<vmem>>, vector<1x16xi32>,
    %and3A_230 = arith.constant 16383 : i32
    %and3A_231 = vector.broadcast %and3A_230 : i32 to vector<16xi32>
    %and3A_232 = arith.andi %get3A_220, %and3A_231 : vector<16xi32>
    %swap3A_233 = arith.constant 1 : i32
    %swap3A_234 = arith.index_cast %swap3A_233 : i32 to index
    %swap3A_235 = arith.constant 64 : index
    %swap3A_236 = tpu.vector_load %arg8[%swap3A_234, %swap3A_235] {strides = array<i32>} : memref<2x80xi32, #tpu.memory_space<vmem>>, vector<1x16xi32>,
    %swap3A_237 = vector.shape_cast %swap3A_236 : vector<1x16xi32> to vector<16xi32>
    %swap3A_238 = vector.shape_cast %and3A_232 : vector<16xi32> to vector<1x16xi32>
    tpu.vector_store %arg8[%swap3A_234, %swap3A_235], %swap3A_238 {strides = array<i32>} : memref<2x80xi32, #tpu.memory_space<vmem>>, vector<1x16xi32>,
    %dma_start3A_239 = arith.constant 0 : i32
    %dma_start3A_240 = arith.constant 0 : i32
    %dma_start3A_241 = tpu.memref_slice %arg8[%dma_start3A_239, %dma_start3A_240] : memref<2x80xi32, #tpu.memory_space<vmem>> -> memref<1x80xi32, #tpu.memory_space<vmem>>
    %dma_start3A_242 = tpu.memref_squeeze %dma_start3A_241 : memref<1x80xi32, #tpu.memory_space<vmem>> -> memref<80xi32, #tpu.memory_space<vmem>>
    %dma_start3A_243 = arith.constant 0 : i32
    %dma_start3A_244 = arith.constant 0 : i32
    %dma_start3A_245 = tpu.memref_slice %arg2[%dma_start3A_243, %dma_start3A_244] : memref<10112x128xf32, #tpu.memory_space<hbm>> -> memref<10112x128xf32, #tpu.memory_space<hbm>>
    tpu.enqueue_indirect_dma source(%dma_start3A_245 : memref<10112x128xf32, #tpu.memory_space<hbm>>) target(%arg10 : memref<80x128xf32, #tpu.memory_space<vmem>>) offsets(%dma_start3A_242 : memref<80xi32, #tpu.memory_space<vmem>>) semaphore(%arg13 : memref<!tpu.dma_semaphore, #tpu.memory_space<semaphore_mem>>)
    %dma_wait3A = arith.constant 0 : i32
    %dma_wait3A_246 = tpu.memref_slice %arg11[%mul3A_2, %dma_wait3A] : memref<10112x128xf32, #tpu.memory_space<vmem_shared>> -> memref<632x128xf32, #tpu.memory_space<vmem_shared>>
    %dma_wait3A_247 = arith.constant 0 : i32
    %dma_wait3A_248 = tpu.memref_slice %arg4[%mul3A_2, %dma_wait3A_247] : memref<10112x128xf32, #tpu.memory_space<hbm>> -> memref<632x128xf32, #tpu.memory_space<hbm>>
    tpu.wait_dma2 semaphore(%arg16 : memref<!tpu.dma_semaphore, #tpu.memory_space<semaphore_mem>>) src(%dma_wait3A_248 : memref<632x128xf32, #tpu.memory_space<hbm>>) dst(%dma_wait3A_246 : memref<632x128xf32, #tpu.memory_space<vmem_shared>>)
    %barrier3A = arith.constant 0 : index
    tpu.barrier barrier_id(%barrier3A)
    %scan3A = arith.constant 0 : i32
    %scan3A_249 = arith.constant 63 : i32
    %scan3A_250 = arith.addi %scan3A, %scan3A_249 : i32
    %scan3A_251 = arith.constant 1 : i32
    scf.for %scan3A_268 = %scan3A to %scan3A_250 step %scan3A_251  : i32 {
      %mul3A_269 = arith.constant 2 : i32
      %mul3A_270 = arith.muli %scan3A_268, %mul3A_269 : i32
      %add3A_271 = arith.constant 0 : i32
      %add3A_272 = arith.addi %add3A_271, %mul3A_270 : i32
      %gt3A = arith.constant 0 : i32
      %gt3A_273 = arith.cmpi sgt, %add3A_272, %gt3A : i32
      %convert_element_type3A = arith.extui %gt3A_273 : i1 to i32
      %cond3A = arith.constant 0 : i32
      %cond3A_274 = arith.cmpi ne, %convert_element_type3A, %cond3A : i32
      scf.if %cond3A_274 {
        %dma_wait3A_305 = arith.constant 1 : i32
        %dma_wait3A_306 = arith.constant 0 : i32
        %dma_wait3A_307 = tpu.memref_slice %arg7[%dma_wait3A_305, %dma_wait3A_306] : memref<2x80xi32, #tpu.memory_space<vmem>> -> memref<1x80xi32, #tpu.memory_space<vmem>>
        %dma_wait3A_308 = tpu.memref_squeeze %dma_wait3A_307 : memref<1x80xi32, #tpu.memory_space<vmem>> -> memref<80xi32, #tpu.memory_space<vmem>>
        %dma_wait3A_309 = arith.constant 0 : i32
        %dma_wait3A_310 = arith.constant 0 : i32
        %dma_wait3A_311 = tpu.memref_slice %arg11[%dma_wait3A_309, %dma_wait3A_310] : memref<10112x128xf32, #tpu.memory_space<vmem_shared>> -> memref<10112x128xf32, #tpu.memory_space<vmem_shared>>
        tpu.wait_indirect_dma semaphore(%arg14 : memref<!tpu.dma_semaphore, #tpu.memory_space<semaphore_mem>>) src(%arg9 : memref<80x128xf32, #tpu.memory_space<vmem>>) dst(%dma_wait3A_311 : memref<10112x128xf32, #tpu.memory_space<vmem_shared>>)
        %get3A_312 = arith.index_cast %add3A_272 : i32 to index
        %get3A_313 = arith.constant 0 : index
        %get3A_314 = tpu.vector_load %arg6[%get3A_312, %get3A_313] {strides = array<i32>} : memref<125x80xi32, #tpu.memory_space<vmem>>, vector<1x16xi32>,
        %get3A_315 = vector.shape_cast %get3A_314 : vector<1x16xi32> to vector<16xi32>
        %shift_right_logical3A_316 = arith.constant 14 : i32
        %shift_right_logical3A_317 = vector.broadcast %shift_right_logical3A_316 : i32 to vector<16xi32>
        %shift_right_logical3A_318 = arith.shrui %get3A_315, %shift_right_logical3A_317 : vector<16xi32>
        %swap3A_319 = arith.constant 0 : i32
        %swap3A_320 = arith.index_cast %swap3A_319 : i32 to index
        %swap3A_321 = arith.constant 0 : index
        %swap3A_322 = tpu.vector_load %arg7[%swap3A_320, %swap3A_321] {strides = array<i32>} : memref<2x80xi32, #tpu.memory_space<vmem>>, vector<1x16xi32>,
        %swap3A_323 = vector.shape_cast %swap3A_322 : vector<1x16xi32> to vector<16xi32>
        %swap3A_324 = vector.shape_cast %shift_right_logical3A_318 : vector<16xi32> to vector<1x16xi32>
        tpu.vector_store %arg7[%swap3A_320, %swap3A_321], %swap3A_324 {strides = array<i32>} : memref<2x80xi32, #tpu.memory_space<vmem>>, vector<1x16xi32>,
        %and3A_325 = arith.constant 16383 : i32
        %and3A_326 = vector.broadcast %and3A_325 : i32 to vector<16xi32>
        %and3A_327 = arith.andi %get3A_315, %and3A_326 : vector<16xi32>
        %swap3A_328 = arith.constant 1 : i32
        %swap3A_329 = arith.index_cast %swap3A_328 : i32 to index
        %swap3A_330 = arith.constant 0 : index
        %swap3A_331 = tpu.vector_load %arg7[%swap3A_329, %swap3A_330] {strides = array<i32>} : memref<2x80xi32, #tpu.memory_space<vmem>>, vector<1x16xi32>,
        %swap3A_332 = vector.shape_cast %swap3A_331 : vector<1x16xi32> to vector<16xi32>
        %swap3A_333 = vector.shape_cast %and3A_327 : vector<16xi32> to vector<1x16xi32>
        tpu.vector_store %arg7[%swap3A_329, %swap3A_330], %swap3A_333 {strides = array<i32>} : memref<2x80xi32, #tpu.memory_space<vmem>>, vector<1x16xi32>,
        %get3A_334 = arith.index_cast %add3A_272 : i32 to index
        %get3A_335 = arith.constant 16 : index
        %get3A_336 = tpu.vector_load %arg6[%get3A_334, %get3A_335] {strides = array<i32>} : memref<125x80xi32, #tpu.memory_space<vmem>>, vector<1x16xi32>,
        %get3A_337 = vector.shape_cast %get3A_336 : vector<1x16xi32> to vector<16xi32>
        %shift_right_logical3A_338 = arith.constant 14 : i32
        %shift_right_logical3A_339 = vector.broadcast %shift_right_logical3A_338 : i32 to vector<16xi32>
        %shift_right_logical3A_340 = arith.shrui %get3A_337, %shift_right_logical3A_339 : vector<16xi32>
        %swap3A_341 = arith.constant 0 : i32
        %swap3A_342 = arith.index_cast %swap3A_341 : i32 to index
        %swap3A_343 = arith.constant 16 : index
        %swap3A_344 = tpu.vector_load %arg7[%swap3A_342, %swap3A_343] {strides = array<i32>} : memref<2x80xi32, #tpu.memory_space<vmem>>, vector<1x16xi32>,
        %swap3A_345 = vector.shape_cast %swap3A_344 : vector<1x16xi32> to vector<16xi32>
        %swap3A_346 = vector.shape_cast %shift_right_logical3A_340 : vector<16xi32> to vector<1x16xi32>
        tpu.vector_store %arg7[%swap3A_342, %swap3A_343], %swap3A_346 {strides = array<i32>} : memref<2x80xi32, #tpu.memory_space<vmem>>, vector<1x16xi32>,
        %and3A_347 = arith.constant 16383 : i32
        %and3A_348 = vector.broadcast %and3A_347 : i32 to vector<16xi32>
        %and3A_349 = arith.andi %get3A_337, %and3A_348 : vector<16xi32>
        %swap3A_350 = arith.constant 1 : i32
        %swap3A_351 = arith.index_cast %swap3A_350 : i32 to index
        %swap3A_352 = arith.constant 16 : index
        %swap3A_353 = tpu.vector_load %arg7[%swap3A_351, %swap3A_352] {strides = array<i32>} : memref<2x80xi32, #tpu.memory_space<vmem>>, vector<1x16xi32>,
        %swap3A_354 = vector.shape_cast %swap3A_353 : vector<1x16xi32> to vector<16xi32>
        %swap3A_355 = vector.shape_cast %and3A_349 : vector<16xi32> to vector<1x16xi32>
        tpu.vector_store %arg7[%swap3A_351, %swap3A_352], %swap3A_355 {strides = array<i32>} : memref<2x80xi32, #tpu.memory_space<vmem>>, vector<1x16xi32>,
        %get3A_356 = arith.index_cast %add3A_272 : i32 to index
        %get3A_357 = arith.constant 32 : index
        %get3A_358 = tpu.vector_load %arg6[%get3A_356, %get3A_357] {strides = array<i32>} : memref<125x80xi32, #tpu.memory_space<vmem>>, vector<1x16xi32>,
        %get3A_359 = vector.shape_cast %get3A_358 : vector<1x16xi32> to vector<16xi32>
        %shift_right_logical3A_360 = arith.constant 14 : i32
        %shift_right_logical3A_361 = vector.broadcast %shift_right_logical3A_360 : i32 to vector<16xi32>
        %shift_right_logical3A_362 = arith.shrui %get3A_359, %shift_right_logical3A_361 : vector<16xi32>
        %swap3A_363 = arith.constant 0 : i32
        %swap3A_364 = arith.index_cast %swap3A_363 : i32 to index
        %swap3A_365 = arith.constant 32 : index
        %swap3A_366 = tpu.vector_load %arg7[%swap3A_364, %swap3A_365] {strides = array<i32>} : memref<2x80xi32, #tpu.memory_space<vmem>>, vector<1x16xi32>,
        %swap3A_367 = vector.shape_cast %swap3A_366 : vector<1x16xi32> to vector<16xi32>
        %swap3A_368 = vector.shape_cast %shift_right_logical3A_362 : vector<16xi32> to vector<1x16xi32>
        tpu.vector_store %arg7[%swap3A_364, %swap3A_365], %swap3A_368 {strides = array<i32>} : memref<2x80xi32, #tpu.memory_space<vmem>>, vector<1x16xi32>,
        %and3A_369 = arith.constant 16383 : i32
        %and3A_370 = vector.broadcast %and3A_369 : i32 to vector<16xi32>
        %and3A_371 = arith.andi %get3A_359, %and3A_370 : vector<16xi32>
        %swap3A_372 = arith.constant 1 : i32
        %swap3A_373 = arith.index_cast %swap3A_372 : i32 to index
        %swap3A_374 = arith.constant 32 : index
        %swap3A_375 = tpu.vector_load %arg7[%swap3A_373, %swap3A_374] {strides = array<i32>} : memref<2x80xi32, #tpu.memory_space<vmem>>, vector<1x16xi32>,
        %swap3A_376 = vector.shape_cast %swap3A_375 : vector<1x16xi32> to vector<16xi32>
        %swap3A_377 = vector.shape_cast %and3A_371 : vector<16xi32> to vector<1x16xi32>
        tpu.vector_store %arg7[%swap3A_373, %swap3A_374], %swap3A_377 {strides = array<i32>} : memref<2x80xi32, #tpu.memory_space<vmem>>, vector<1x16xi32>,
        %get3A_378 = arith.index_cast %add3A_272 : i32 to index
        %get3A_379 = arith.constant 48 : index
        %get3A_380 = tpu.vector_load %arg6[%get3A_378, %get3A_379] {strides = array<i32>} : memref<125x80xi32, #tpu.memory_space<vmem>>, vector<1x16xi32>,
        %get3A_381 = vector.shape_cast %get3A_380 : vector<1x16xi32> to vector<16xi32>
        %shift_right_logical3A_382 = arith.constant 14 : i32
        %shift_right_logical3A_383 = vector.broadcast %shift_right_logical3A_382 : i32 to vector<16xi32>
        %shift_right_logical3A_384 = arith.shrui %get3A_381, %shift_right_logical3A_383 : vector<16xi32>
        %swap3A_385 = arith.constant 0 : i32
        %swap3A_386 = arith.index_cast %swap3A_385 : i32 to index
        %swap3A_387 = arith.constant 48 : index
        %swap3A_388 = tpu.vector_load %arg7[%swap3A_386, %swap3A_387] {strides = array<i32>} : memref<2x80xi32, #tpu.memory_space<vmem>>, vector<1x16xi32>,
        %swap3A_389 = vector.shape_cast %swap3A_388 : vector<1x16xi32> to vector<16xi32>
        %swap3A_390 = vector.shape_cast %shift_right_logical3A_384 : vector<16xi32> to vector<1x16xi32>
        tpu.vector_store %arg7[%swap3A_386, %swap3A_387], %swap3A_390 {strides = array<i32>} : memref<2x80xi32, #tpu.memory_space<vmem>>, vector<1x16xi32>,
        %and3A_391 = arith.constant 16383 : i32
        %and3A_392 = vector.broadcast %and3A_391 : i32 to vector<16xi32>
        %and3A_393 = arith.andi %get3A_381, %and3A_392 : vector<16xi32>
        %swap3A_394 = arith.constant 1 : i32
        %swap3A_395 = arith.index_cast %swap3A_394 : i32 to index
        %swap3A_396 = arith.constant 48 : index
        %swap3A_397 = tpu.vector_load %arg7[%swap3A_395, %swap3A_396] {strides = array<i32>} : memref<2x80xi32, #tpu.memory_space<vmem>>, vector<1x16xi32>,
        %swap3A_398 = vector.shape_cast %swap3A_397 : vector<1x16xi32> to vector<16xi32>
        %swap3A_399 = vector.shape_cast %and3A_393 : vector<16xi32> to vector<1x16xi32>
        tpu.vector_store %arg7[%swap3A_395, %swap3A_396], %swap3A_399 {strides = array<i32>} : memref<2x80xi32, #tpu.memory_space<vmem>>, vector<1x16xi32>,
        %get3A_400 = arith.index_cast %add3A_272 : i32 to index
        %get3A_401 = arith.constant 64 : index
        %get3A_402 = tpu.vector_load %arg6[%get3A_400, %get3A_401] {strides = array<i32>} : memref<125x80xi32, #tpu.memory_space<vmem>>, vector<1x16xi32>,
        %get3A_403 = vector.shape_cast %get3A_402 : vector<1x16xi32> to vector<16xi32>
        %shift_right_logical3A_404 = arith.constant 14 : i32
        %shift_right_logical3A_405 = vector.broadcast %shift_right_logical3A_404 : i32 to vector<16xi32>
        %shift_right_logical3A_406 = arith.shrui %get3A_403, %shift_right_logical3A_405 : vector<16xi32>
        %swap3A_407 = arith.constant 0 : i32
        %swap3A_408 = arith.index_cast %swap3A_407 : i32 to index
        %swap3A_409 = arith.constant 64 : index
        %swap3A_410 = tpu.vector_load %arg7[%swap3A_408, %swap3A_409] {strides = array<i32>} : memref<2x80xi32, #tpu.memory_space<vmem>>, vector<1x16xi32>,
        %swap3A_411 = vector.shape_cast %swap3A_410 : vector<1x16xi32> to vector<16xi32>
        %swap3A_412 = vector.shape_cast %shift_right_logical3A_406 : vector<16xi32> to vector<1x16xi32>
        tpu.vector_store %arg7[%swap3A_408, %swap3A_409], %swap3A_412 {strides = array<i32>} : memref<2x80xi32, #tpu.memory_space<vmem>>, vector<1x16xi32>,
        %and3A_413 = arith.constant 16383 : i32
        %and3A_414 = vector.broadcast %and3A_413 : i32 to vector<16xi32>
        %and3A_415 = arith.andi %get3A_403, %and3A_414 : vector<16xi32>
        %swap3A_416 = arith.constant 1 : i32
        %swap3A_417 = arith.index_cast %swap3A_416 : i32 to index
        %swap3A_418 = arith.constant 64 : index
        %swap3A_419 = tpu.vector_load %arg7[%swap3A_417, %swap3A_418] {strides = array<i32>} : memref<2x80xi32, #tpu.memory_space<vmem>>, vector<1x16xi32>,
        %swap3A_420 = vector.shape_cast %swap3A_419 : vector<1x16xi32> to vector<16xi32>
        %swap3A_421 = vector.shape_cast %and3A_415 : vector<16xi32> to vector<1x16xi32>
        tpu.vector_store %arg7[%swap3A_417, %swap3A_418], %swap3A_421 {strides = array<i32>} : memref<2x80xi32, #tpu.memory_space<vmem>>, vector<1x16xi32>,
        %dma_start3A_422 = arith.constant 0 : i32
        %dma_start3A_423 = arith.constant 0 : i32
        %dma_start3A_424 = tpu.memref_slice %arg7[%dma_start3A_422, %dma_start3A_423] : memref<2x80xi32, #tpu.memory_space<vmem>> -> memref<1x80xi32, #tpu.memory_space<vmem>>
        %dma_start3A_425 = tpu.memref_squeeze %dma_start3A_424 : memref<1x80xi32, #tpu.memory_space<vmem>> -> memref<80xi32, #tpu.memory_space<vmem>>
        %dma_start3A_426 = arith.constant 0 : i32
        %dma_start3A_427 = arith.constant 0 : i32
        %dma_start3A_428 = tpu.memref_slice %arg2[%dma_start3A_426, %dma_start3A_427] : memref<10112x128xf32, #tpu.memory_space<hbm>> -> memref<10112x128xf32, #tpu.memory_space<hbm>>
        tpu.enqueue_indirect_dma source(%dma_start3A_428 : memref<10112x128xf32, #tpu.memory_space<hbm>>) target(%arg9 : memref<80x128xf32, #tpu.memory_space<vmem>>) offsets(%dma_start3A_425 : memref<80xi32, #tpu.memory_space<vmem>>) semaphore(%arg12 : memref<!tpu.dma_semaphore, #tpu.memory_space<semaphore_mem>>)
      } else {
      }
      %gt3A_275 = arith.constant 0 : i32
      %gt3A_276 = arith.cmpi sgt, %add3A_272, %gt3A_275 : i32
      %add3A_277 = arith.constant 1 : i32
      %add3A_278 = arith.addi %add3A_272, %add3A_277 : i32
      %lt3A = arith.constant 125 : i32
      %lt3A_279 = arith.cmpi slt, %add3A_278, %lt3A : i32
      %and3A_280 = arith.andi %gt3A_276, %lt3A_279 : i1
      %convert_element_type3A_281 = arith.extui %and3A_280 : i1 to i32
      %cond3A_282 = arith.constant 0 : i32
      %cond3A_283 = arith.cmpi ne, %convert_element_type3A_281, %cond3A_282 : i32
      scf.if %cond3A_283 {
        %dma_wait3A_305 = arith.constant 1 : i32
        %dma_wait3A_306 = arith.constant 0 : i32
        %dma_wait3A_307 = tpu.memref_slice %arg8[%dma_wait3A_305, %dma_wait3A_306] : memref<2x80xi32, #tpu.memory_space<vmem>> -> memref<1x80xi32, #tpu.memory_space<vmem>>
        %dma_wait3A_308 = tpu.memref_squeeze %dma_wait3A_307 : memref<1x80xi32, #tpu.memory_space<vmem>> -> memref<80xi32, #tpu.memory_space<vmem>>
        %dma_wait3A_309 = arith.constant 0 : i32
        %dma_wait3A_310 = arith.constant 0 : i32
        %dma_wait3A_311 = tpu.memref_slice %arg11[%dma_wait3A_309, %dma_wait3A_310] : memref<10112x128xf32, #tpu.memory_space<vmem_shared>> -> memref<10112x128xf32, #tpu.memory_space<vmem_shared>>
        tpu.wait_indirect_dma semaphore(%arg15 : memref<!tpu.dma_semaphore, #tpu.memory_space<semaphore_mem>>) src(%arg10 : memref<80x128xf32, #tpu.memory_space<vmem>>) dst(%dma_wait3A_311 : memref<10112x128xf32, #tpu.memory_space<vmem_shared>>)
        %add3A_312 = arith.constant 1 : i32
        %add3A_313 = arith.addi %add3A_272, %add3A_312 : i32
        %get3A_314 = arith.index_cast %add3A_313 : i32 to index
        %get3A_315 = arith.constant 0 : index
        %get3A_316 = tpu.vector_load %arg6[%get3A_314, %get3A_315] {strides = array<i32>} : memref<125x80xi32, #tpu.memory_space<vmem>>, vector<1x16xi32>,
        %get3A_317 = vector.shape_cast %get3A_316 : vector<1x16xi32> to vector<16xi32>
        %shift_right_logical3A_318 = arith.constant 14 : i32
        %shift_right_logical3A_319 = vector.broadcast %shift_right_logical3A_318 : i32 to vector<16xi32>
        %shift_right_logical3A_320 = arith.shrui %get3A_317, %shift_right_logical3A_319 : vector<16xi32>
        %swap3A_321 = arith.constant 0 : i32
        %swap3A_322 = arith.index_cast %swap3A_321 : i32 to index
        %swap3A_323 = arith.constant 0 : index
        %swap3A_324 = tpu.vector_load %arg8[%swap3A_322, %swap3A_323] {strides = array<i32>} : memref<2x80xi32, #tpu.memory_space<vmem>>, vector<1x16xi32>,
        %swap3A_325 = vector.shape_cast %swap3A_324 : vector<1x16xi32> to vector<16xi32>
        %swap3A_326 = vector.shape_cast %shift_right_logical3A_320 : vector<16xi32> to vector<1x16xi32>
        tpu.vector_store %arg8[%swap3A_322, %swap3A_323], %swap3A_326 {strides = array<i32>} : memref<2x80xi32, #tpu.memory_space<vmem>>, vector<1x16xi32>,
        %and3A_327 = arith.constant 16383 : i32
        %and3A_328 = vector.broadcast %and3A_327 : i32 to vector<16xi32>
        %and3A_329 = arith.andi %get3A_317, %and3A_328 : vector<16xi32>
        %swap3A_330 = arith.constant 1 : i32
        %swap3A_331 = arith.index_cast %swap3A_330 : i32 to index
        %swap3A_332 = arith.constant 0 : index
        %swap3A_333 = tpu.vector_load %arg8[%swap3A_331, %swap3A_332] {strides = array<i32>} : memref<2x80xi32, #tpu.memory_space<vmem>>, vector<1x16xi32>,
        %swap3A_334 = vector.shape_cast %swap3A_333 : vector<1x16xi32> to vector<16xi32>
        %swap3A_335 = vector.shape_cast %and3A_329 : vector<16xi32> to vector<1x16xi32>
        tpu.vector_store %arg8[%swap3A_331, %swap3A_332], %swap3A_335 {strides = array<i32>} : memref<2x80xi32, #tpu.memory_space<vmem>>, vector<1x16xi32>,
        %get3A_336 = arith.index_cast %add3A_313 : i32 to index
        %get3A_337 = arith.constant 16 : index
        %get3A_338 = tpu.vector_load %arg6[%get3A_336, %get3A_337] {strides = array<i32>} : memref<125x80xi32, #tpu.memory_space<vmem>>, vector<1x16xi32>,
        %get3A_339 = vector.shape_cast %get3A_338 : vector<1x16xi32> to vector<16xi32>
        %shift_right_logical3A_340 = arith.constant 14 : i32
        %shift_right_logical3A_341 = vector.broadcast %shift_right_logical3A_340 : i32 to vector<16xi32>
        %shift_right_logical3A_342 = arith.shrui %get3A_339, %shift_right_logical3A_341 : vector<16xi32>
        %swap3A_343 = arith.constant 0 : i32
        %swap3A_344 = arith.index_cast %swap3A_343 : i32 to index
        %swap3A_345 = arith.constant 16 : index
        %swap3A_346 = tpu.vector_load %arg8[%swap3A_344, %swap3A_345] {strides = array<i32>} : memref<2x80xi32, #tpu.memory_space<vmem>>, vector<1x16xi32>,
        %swap3A_347 = vector.shape_cast %swap3A_346 : vector<1x16xi32> to vector<16xi32>
        %swap3A_348 = vector.shape_cast %shift_right_logical3A_342 : vector<16xi32> to vector<1x16xi32>
        tpu.vector_store %arg8[%swap3A_344, %swap3A_345], %swap3A_348 {strides = array<i32>} : memref<2x80xi32, #tpu.memory_space<vmem>>, vector<1x16xi32>,
        %and3A_349 = arith.constant 16383 : i32
        %and3A_350 = vector.broadcast %and3A_349 : i32 to vector<16xi32>
        %and3A_351 = arith.andi %get3A_339, %and3A_350 : vector<16xi32>
        %swap3A_352 = arith.constant 1 : i32
        %swap3A_353 = arith.index_cast %swap3A_352 : i32 to index
        %swap3A_354 = arith.constant 16 : index
        %swap3A_355 = tpu.vector_load %arg8[%swap3A_353, %swap3A_354] {strides = array<i32>} : memref<2x80xi32, #tpu.memory_space<vmem>>, vector<1x16xi32>,
        %swap3A_356 = vector.shape_cast %swap3A_355 : vector<1x16xi32> to vector<16xi32>
        %swap3A_357 = vector.shape_cast %and3A_351 : vector<16xi32> to vector<1x16xi32>
        tpu.vector_store %arg8[%swap3A_353, %swap3A_354], %swap3A_357 {strides = array<i32>} : memref<2x80xi32, #tpu.memory_space<vmem>>, vector<1x16xi32>,
        %get3A_358 = arith.index_cast %add3A_313 : i32 to index
        %get3A_359 = arith.constant 32 : index
        %get3A_360 = tpu.vector_load %arg6[%get3A_358, %get3A_359] {strides = array<i32>} : memref<125x80xi32, #tpu.memory_space<vmem>>, vector<1x16xi32>,
        %get3A_361 = vector.shape_cast %get3A_360 : vector<1x16xi32> to vector<16xi32>
        %shift_right_logical3A_362 = arith.constant 14 : i32
        %shift_right_logical3A_363 = vector.broadcast %shift_right_logical3A_362 : i32 to vector<16xi32>
        %shift_right_logical3A_364 = arith.shrui %get3A_361, %shift_right_logical3A_363 : vector<16xi32>
        %swap3A_365 = arith.constant 0 : i32
        %swap3A_366 = arith.index_cast %swap3A_365 : i32 to index
        %swap3A_367 = arith.constant 32 : index
        %swap3A_368 = tpu.vector_load %arg8[%swap3A_366, %swap3A_367] {strides = array<i32>} : memref<2x80xi32, #tpu.memory_space<vmem>>, vector<1x16xi32>,
        %swap3A_369 = vector.shape_cast %swap3A_368 : vector<1x16xi32> to vector<16xi32>
        %swap3A_370 = vector.shape_cast %shift_right_logical3A_364 : vector<16xi32> to vector<1x16xi32>
        tpu.vector_store %arg8[%swap3A_366, %swap3A_367], %swap3A_370 {strides = array<i32>} : memref<2x80xi32, #tpu.memory_space<vmem>>, vector<1x16xi32>,
        %and3A_371 = arith.constant 16383 : i32
        %and3A_372 = vector.broadcast %and3A_371 : i32 to vector<16xi32>
        %and3A_373 = arith.andi %get3A_361, %and3A_372 : vector<16xi32>
        %swap3A_374 = arith.constant 1 : i32
        %swap3A_375 = arith.index_cast %swap3A_374 : i32 to index
        %swap3A_376 = arith.constant 32 : index
        %swap3A_377 = tpu.vector_load %arg8[%swap3A_375, %swap3A_376] {strides = array<i32>} : memref<2x80xi32, #tpu.memory_space<vmem>>, vector<1x16xi32>,
        %swap3A_378 = vector.shape_cast %swap3A_377 : vector<1x16xi32> to vector<16xi32>
        %swap3A_379 = vector.shape_cast %and3A_373 : vector<16xi32> to vector<1x16xi32>
        tpu.vector_store %arg8[%swap3A_375, %swap3A_376], %swap3A_379 {strides = array<i32>} : memref<2x80xi32, #tpu.memory_space<vmem>>, vector<1x16xi32>,
        %get3A_380 = arith.index_cast %add3A_313 : i32 to index
        %get3A_381 = arith.constant 48 : index
        %get3A_382 = tpu.vector_load %arg6[%get3A_380, %get3A_381] {strides = array<i32>} : memref<125x80xi32, #tpu.memory_space<vmem>>, vector<1x16xi32>,
        %get3A_383 = vector.shape_cast %get3A_382 : vector<1x16xi32> to vector<16xi32>
        %shift_right_logical3A_384 = arith.constant 14 : i32
        %shift_right_logical3A_385 = vector.broadcast %shift_right_logical3A_384 : i32 to vector<16xi32>
        %shift_right_logical3A_386 = arith.shrui %get3A_383, %shift_right_logical3A_385 : vector<16xi32>
        %swap3A_387 = arith.constant 0 : i32
        %swap3A_388 = arith.index_cast %swap3A_387 : i32 to index
        %swap3A_389 = arith.constant 48 : index
        %swap3A_390 = tpu.vector_load %arg8[%swap3A_388, %swap3A_389] {strides = array<i32>} : memref<2x80xi32, #tpu.memory_space<vmem>>, vector<1x16xi32>,
        %swap3A_391 = vector.shape_cast %swap3A_390 : vector<1x16xi32> to vector<16xi32>
        %swap3A_392 = vector.shape_cast %shift_right_logical3A_386 : vector<16xi32> to vector<1x16xi32>
        tpu.vector_store %arg8[%swap3A_388, %swap3A_389], %swap3A_392 {strides = array<i32>} : memref<2x80xi32, #tpu.memory_space<vmem>>, vector<1x16xi32>,
        %and3A_393 = arith.constant 16383 : i32
        %and3A_394 = vector.broadcast %and3A_393 : i32 to vector<16xi32>
        %and3A_395 = arith.andi %get3A_383, %and3A_394 : vector<16xi32>
        %swap3A_396 = arith.constant 1 : i32
        %swap3A_397 = arith.index_cast %swap3A_396 : i32 to index
        %swap3A_398 = arith.constant 48 : index
        %swap3A_399 = tpu.vector_load %arg8[%swap3A_397, %swap3A_398] {strides = array<i32>} : memref<2x80xi32, #tpu.memory_space<vmem>>, vector<1x16xi32>,
        %swap3A_400 = vector.shape_cast %swap3A_399 : vector<1x16xi32> to vector<16xi32>
        %swap3A_401 = vector.shape_cast %and3A_395 : vector<16xi32> to vector<1x16xi32>
        tpu.vector_store %arg8[%swap3A_397, %swap3A_398], %swap3A_401 {strides = array<i32>} : memref<2x80xi32, #tpu.memory_space<vmem>>, vector<1x16xi32>,
        %get3A_402 = arith.index_cast %add3A_313 : i32 to index
        %get3A_403 = arith.constant 64 : index
        %get3A_404 = tpu.vector_load %arg6[%get3A_402, %get3A_403] {strides = array<i32>} : memref<125x80xi32, #tpu.memory_space<vmem>>, vector<1x16xi32>,
        %get3A_405 = vector.shape_cast %get3A_404 : vector<1x16xi32> to vector<16xi32>
        %shift_right_logical3A_406 = arith.constant 14 : i32
        %shift_right_logical3A_407 = vector.broadcast %shift_right_logical3A_406 : i32 to vector<16xi32>
        %shift_right_logical3A_408 = arith.shrui %get3A_405, %shift_right_logical3A_407 : vector<16xi32>
        %swap3A_409 = arith.constant 0 : i32
        %swap3A_410 = arith.index_cast %swap3A_409 : i32 to index
        %swap3A_411 = arith.constant 64 : index
        %swap3A_412 = tpu.vector_load %arg8[%swap3A_410, %swap3A_411] {strides = array<i32>} : memref<2x80xi32, #tpu.memory_space<vmem>>, vector<1x16xi32>,
        %swap3A_413 = vector.shape_cast %swap3A_412 : vector<1x16xi32> to vector<16xi32>
        %swap3A_414 = vector.shape_cast %shift_right_logical3A_408 : vector<16xi32> to vector<1x16xi32>
        tpu.vector_store %arg8[%swap3A_410, %swap3A_411], %swap3A_414 {strides = array<i32>} : memref<2x80xi32, #tpu.memory_space<vmem>>, vector<1x16xi32>,
        %and3A_415 = arith.constant 16383 : i32
        %and3A_416 = vector.broadcast %and3A_415 : i32 to vector<16xi32>
        %and3A_417 = arith.andi %get3A_405, %and3A_416 : vector<16xi32>
        %swap3A_418 = arith.constant 1 : i32
        %swap3A_419 = arith.index_cast %swap3A_418 : i32 to index
        %swap3A_420 = arith.constant 64 : index
        %swap3A_421 = tpu.vector_load %arg8[%swap3A_419, %swap3A_420] {strides = array<i32>} : memref<2x80xi32, #tpu.memory_space<vmem>>, vector<1x16xi32>,
        %swap3A_422 = vector.shape_cast %swap3A_421 : vector<1x16xi32> to vector<16xi32>
        %swap3A_423 = vector.shape_cast %and3A_417 : vector<16xi32> to vector<1x16xi32>
        tpu.vector_store %arg8[%swap3A_419, %swap3A_420], %swap3A_423 {strides = array<i32>} : memref<2x80xi32, #tpu.memory_space<vmem>>, vector<1x16xi32>,
        %dma_start3A_424 = arith.constant 0 : i32
        %dma_start3A_425 = arith.constant 0 : i32
        %dma_start3A_426 = tpu.memref_slice %arg8[%dma_start3A_424, %dma_start3A_425] : memref<2x80xi32, #tpu.memory_space<vmem>> -> memref<1x80xi32, #tpu.memory_space<vmem>>
        %dma_start3A_427 = tpu.memref_squeeze %dma_start3A_426 : memref<1x80xi32, #tpu.memory_space<vmem>> -> memref<80xi32, #tpu.memory_space<vmem>>
        %dma_start3A_428 = arith.constant 0 : i32
        %dma_start3A_429 = arith.constant 0 : i32
        %dma_start3A_430 = tpu.memref_slice %arg2[%dma_start3A_428, %dma_start3A_429] : memref<10112x128xf32, #tpu.memory_space<hbm>> -> memref<10112x128xf32, #tpu.memory_space<hbm>>
        tpu.enqueue_indirect_dma source(%dma_start3A_430 : memref<10112x128xf32, #tpu.memory_space<hbm>>) target(%arg10 : memref<80x128xf32, #tpu.memory_space<vmem>>) offsets(%dma_start3A_427 : memref<80xi32, #tpu.memory_space<vmem>>) semaphore(%arg13 : memref<!tpu.dma_semaphore, #tpu.memory_space<semaphore_mem>>)
      } else {
      }
      %dma_wait3A_284 = arith.constant 0 : i32
      %dma_wait3A_285 = arith.constant 0 : i32
      %dma_wait3A_286 = tpu.memref_slice %arg7[%dma_wait3A_284, %dma_wait3A_285] : memref<2x80xi32, #tpu.memory_space<vmem>> -> memref<1x80xi32, #tpu.memory_space<vmem>>
      %dma_wait3A_287 = tpu.memref_squeeze %dma_wait3A_286 : memref<1x80xi32, #tpu.memory_space<vmem>> -> memref<80xi32, #tpu.memory_space<vmem>>
      %dma_wait3A_288 = arith.constant 0 : i32
      %dma_wait3A_289 = arith.constant 0 : i32
      %dma_wait3A_290 = tpu.memref_slice %arg2[%dma_wait3A_288, %dma_wait3A_289] : memref<10112x128xf32, #tpu.memory_space<hbm>> -> memref<10112x128xf32, #tpu.memory_space<hbm>>
      tpu.wait_indirect_dma semaphore(%arg12 : memref<!tpu.dma_semaphore, #tpu.memory_space<semaphore_mem>>) src(%dma_wait3A_290 : memref<10112x128xf32, #tpu.memory_space<hbm>>) dst(%arg9 : memref<80x128xf32, #tpu.memory_space<vmem>>)
      %dma_start3A_291 = arith.constant 1 : i32
      %dma_start3A_292 = arith.constant 0 : i32
      %dma_start3A_293 = tpu.memref_slice %arg7[%dma_start3A_291, %dma_start3A_292] : memref<2x80xi32, #tpu.memory_space<vmem>> -> memref<1x80xi32, #tpu.memory_space<vmem>>
      %dma_start3A_294 = tpu.memref_squeeze %dma_start3A_293 : memref<1x80xi32, #tpu.memory_space<vmem>> -> memref<80xi32, #tpu.memory_space<vmem>>
      %dma_start3A_295 = arith.constant 0 : i32
      %dma_start3A_296 = arith.constant 0 : i32
      %dma_start3A_297 = tpu.memref_slice %arg11[%dma_start3A_295, %dma_start3A_296] : memref<10112x128xf32, #tpu.memory_space<vmem_shared>> -> memref<10112x128xf32, #tpu.memory_space<vmem_shared>>
      tpu.enqueue_indirect_dma source(%arg9 : memref<80x128xf32, #tpu.memory_space<vmem>>) target(%dma_start3A_297 : memref<10112x128xf32, #tpu.memory_space<vmem_shared>>) offsets(%dma_start3A_294 : memref<80xi32, #tpu.memory_space<vmem>>) semaphore(%arg14 : memref<!tpu.dma_semaphore, #tpu.memory_space<semaphore_mem>>) {add = true}
      %add3A_298 = arith.constant 1 : i32
      %add3A_299 = arith.addi %add3A_272, %add3A_298 : i32
      %lt3A_300 = arith.constant 125 : i32
      %lt3A_301 = arith.cmpi slt, %add3A_299, %lt3A_300 : i32
      %convert_element_type3A_302 = arith.extui %lt3A_301 : i1 to i32
      %cond3A_303 = arith.constant 0 : i32
      %cond3A_304 = arith.cmpi ne, %convert_element_type3A_302, %cond3A_303 : i32
      scf.if %cond3A_304 {
        %dma_wait3A_305 = arith.constant 0 : i32
        %dma_wait3A_306 = arith.constant 0 : i32
        %dma_wait3A_307 = tpu.memref_slice %arg8[%dma_wait3A_305, %dma_wait3A_306] : memref<2x80xi32, #tpu.memory_space<vmem>> -> memref<1x80xi32, #tpu.memory_space<vmem>>
        %dma_wait3A_308 = tpu.memref_squeeze %dma_wait3A_307 : memref<1x80xi32, #tpu.memory_space<vmem>> -> memref<80xi32, #tpu.memory_space<vmem>>
        %dma_wait3A_309 = arith.constant 0 : i32
        %dma_wait3A_310 = arith.constant 0 : i32
        %dma_wait3A_311 = tpu.memref_slice %arg2[%dma_wait3A_309, %dma_wait3A_310] : memref<10112x128xf32, #tpu.memory_space<hbm>> -> memref<10112x128xf32, #tpu.memory_space<hbm>>
        tpu.wait_indirect_dma semaphore(%arg13 : memref<!tpu.dma_semaphore, #tpu.memory_space<semaphore_mem>>) src(%dma_wait3A_311 : memref<10112x128xf32, #tpu.memory_space<hbm>>) dst(%arg10 : memref<80x128xf32, #tpu.memory_space<vmem>>)
        %dma_start3A_312 = arith.constant 1 : i32
        %dma_start3A_313 = arith.constant 0 : i32
        %dma_start3A_314 = tpu.memref_slice %arg8[%dma_start3A_312, %dma_start3A_313] : memref<2x80xi32, #tpu.memory_space<vmem>> -> memref<1x80xi32, #tpu.memory_space<vmem>>
        %dma_start3A_315 = tpu.memref_squeeze %dma_start3A_314 : memref<1x80xi32, #tpu.memory_space<vmem>> -> memref<80xi32, #tpu.memory_space<vmem>>
        %dma_start3A_316 = arith.constant 0 : i32
        %dma_start3A_317 = arith.constant 0 : i32
        %dma_start3A_318 = tpu.memref_slice %arg11[%dma_start3A_316, %dma_start3A_317] : memref<10112x128xf32, #tpu.memory_space<vmem_shared>> -> memref<10112x128xf32, #tpu.memory_space<vmem_shared>>
        tpu.enqueue_indirect_dma source(%arg10 : memref<80x128xf32, #tpu.memory_space<vmem>>) target(%dma_start3A_318 : memref<10112x128xf32, #tpu.memory_space<vmem_shared>>) offsets(%dma_start3A_315 : memref<80xi32, #tpu.memory_space<vmem>>) semaphore(%arg15 : memref<!tpu.dma_semaphore, #tpu.memory_space<semaphore_mem>>) {add = true}
      } else {
      }
    }
    %scan3A_252 = arith.constant 63 : i32
    %dma_wait3A_253 = arith.constant 1 : i32
    %dma_wait3A_254 = arith.constant 0 : i32
    %dma_wait3A_255 = tpu.memref_slice %arg7[%dma_wait3A_253, %dma_wait3A_254] : memref<2x80xi32, #tpu.memory_space<vmem>> -> memref<1x80xi32, #tpu.memory_space<vmem>>
    %dma_wait3A_256 = tpu.memref_squeeze %dma_wait3A_255 : memref<1x80xi32, #tpu.memory_space<vmem>> -> memref<80xi32, #tpu.memory_space<vmem>>
    %dma_wait3A_257 = arith.constant 0 : i32
    %dma_wait3A_258 = arith.constant 0 : i32
    %dma_wait3A_259 = tpu.memref_slice %arg11[%dma_wait3A_257, %dma_wait3A_258] : memref<10112x128xf32, #tpu.memory_space<vmem_shared>> -> memref<10112x128xf32, #tpu.memory_space<vmem_shared>>
    tpu.wait_indirect_dma semaphore(%arg14 : memref<!tpu.dma_semaphore, #tpu.memory_space<semaphore_mem>>) src(%arg9 : memref<80x128xf32, #tpu.memory_space<vmem>>) dst(%dma_wait3A_259 : memref<10112x128xf32, #tpu.memory_space<vmem_shared>>)
    %dma_wait3A_260 = arith.constant 1 : i32
    %dma_wait3A_261 = arith.constant 0 : i32
    %dma_wait3A_262 = tpu.memref_slice %arg8[%dma_wait3A_260, %dma_wait3A_261] : memref<2x80xi32, #tpu.memory_space<vmem>> -> memref<1x80xi32, #tpu.memory_space<vmem>>
    %dma_wait3A_263 = tpu.memref_squeeze %dma_wait3A_262 : memref<1x80xi32, #tpu.memory_space<vmem>> -> memref<80xi32, #tpu.memory_space<vmem>>
    %dma_wait3A_264 = arith.constant 0 : i32
    %dma_wait3A_265 = arith.constant 0 : i32
    %dma_wait3A_266 = tpu.memref_slice %arg11[%dma_wait3A_264, %dma_wait3A_265] : memref<10112x128xf32, #tpu.memory_space<vmem_shared>> -> memref<10112x128xf32, #tpu.memory_space<vmem_shared>>
    tpu.wait_indirect_dma semaphore(%arg15 : memref<!tpu.dma_semaphore, #tpu.memory_space<semaphore_mem>>) src(%arg10 : memref<80x128xf32, #tpu.memory_space<vmem>>) dst(%dma_wait3A_266 : memref<10112x128xf32, #tpu.memory_space<vmem_shared>>)
    %barrier3A_267 = arith.constant 0 : index
    tpu.barrier barrier_id(%barrier3A_267)
    "tpu.region"() ({
      %run_scoped3A = tpu.sem_alloc : memref<!tpu.dma_semaphore, #tpu.memory_space<semaphore_mem>>
      %dma_start3A_268 = arith.constant 0 : i32
      %dma_start3A_269 = tpu.memref_slice %arg5[%arg0, %mul3A_2, %dma_start3A_268] : memref<2x10112x128xf32, #tpu.memory_space<hbm>> -> memref<1x632x128xf32, #tpu.memory_space<hbm>>
      %dma_start3A_270 = tpu.memref_squeeze %dma_start3A_269 : memref<1x632x128xf32, #tpu.memory_space<hbm>> -> memref<632x128xf32, #tpu.memory_space<hbm>>
      %dma_start3A_271 = arith.constant 0 : i32
      %dma_start3A_272 = tpu.memref_slice %arg11[%mul3A_2, %dma_start3A_271] : memref<10112x128xf32, #tpu.memory_space<vmem_shared>> -> memref<632x128xf32, #tpu.memory_space<vmem_shared>>
      tpu.enqueue_dma source(%dma_start3A_272 : memref<632x128xf32, #tpu.memory_space<vmem_shared>>) target(%dma_start3A_270 : memref<632x128xf32, #tpu.memory_space<hbm>>) target_semaphore(%run_scoped3A : memref<!tpu.dma_semaphore, #tpu.memory_space<semaphore_mem>>)
      %dma_wait3A_273 = arith.constant 0 : i32
      %dma_wait3A_274 = tpu.memref_slice %arg5[%arg0, %mul3A_2, %dma_wait3A_273] : memref<2x10112x128xf32, #tpu.memory_space<hbm>> -> memref<1x632x128xf32, #tpu.memory_space<hbm>>
      %dma_wait3A_275 = tpu.memref_squeeze %dma_wait3A_274 : memref<1x632x128xf32, #tpu.memory_space<hbm>> -> memref<632x128xf32, #tpu.memory_space<hbm>>
      %dma_wait3A_276 = arith.constant 0 : i32
      %dma_wait3A_277 = tpu.memref_slice %arg11[%mul3A_2, %dma_wait3A_276] : memref<10112x128xf32, #tpu.memory_space<vmem_shared>> -> memref<632x128xf32, #tpu.memory_space<vmem_shared>>
      tpu.wait_dma2 semaphore(%run_scoped3A : memref<!tpu.dma_semaphore, #tpu.memory_space<semaphore_mem>>) src(%dma_wait3A_277 : memref<632x128xf32, #tpu.memory_space<vmem_shared>>) dst(%dma_wait3A_275 : memref<632x128xf32, #tpu.memory_space<hbm>>)
      tpu.yield
    }) : () -> ()
    return
  }
}

#map = affine_map<(d0, d1) -> (0, 0)>
#map1 = affine_map<(d0, d1) -> (0, 0, 0)>
module attributes {stable_mosaic.version = 14 : i64} {
  func.func @k(%arg0: i32, %arg1: i32, %arg2: memref<10112x128xf32, #tpu.memory_space<hbm>>, %arg3: memref<32x125x80xi32, #tpu.memory_space<hbm>>, %arg4: memref<10112x128xf32, #tpu.memory_space<hbm>>, %arg5: memref<2x10112x128xf32, #tpu.memory_space<hbm>>, %arg6: memref<125x80xi32, #tpu.memory_space<vmem>>, %arg7: memref<2x80xi32, #tpu.memory_space<vmem>>, %arg8: memref<2x80xi32, #tpu.memory_space<vmem>>, %arg9: memref<80x128xf32, #tpu.memory_space<vmem>>, %arg10: memref<80x128xf32, #tpu.memory_space<vmem>>, %arg11: memref<10112x128xf32, #tpu.memory_space<vmem_shared>>, %arg12: memref<!tpu.dma_semaphore, #tpu.memory_space<semaphore_mem>>, %arg13: memref<!tpu.dma_semaphore, #tpu.memory_space<semaphore_mem>>, %arg14: memref<!tpu.dma_semaphore, #tpu.memory_space<semaphore_mem>>, %arg15: memref<!tpu.dma_semaphore, #tpu.memory_space<semaphore_mem>>, %arg16: memref<!tpu.dma_semaphore, #tpu.memory_space<semaphore_mem>>) attributes {dimension_semantics = [#tpu.dimension_semantics<core_parallel>, #tpu.dimension_semantics<subcore_parallel>], iteration_bounds = array<i64: 2, 16>, scalar_prefetch = 0 : i64, scratch_operands = 11 : i64, tpu.core_type = #tpu.core_type<sc_vector_subcore>, window_params = [{transform_indices = #map}, {transform_indices = #map1}, {transform_indices = #map}, {transform_indices = #map1}]} {
    %mul3A = arith.constant 16 : i32
    %mul3A_0 = arith.muli %arg0, %mul3A : i32
    %add3A = arith.addi %mul3A_0, %arg1 : i32
    %mul3A_1 = arith.constant 632 : i32
    %mul3A_2 = arith.muli %arg1, %mul3A_1 : i32
    %dma_start3A = arith.constant 0 : i32
    %dma_start3A_3 = tpu.memref_slice %arg11[%mul3A_2, %dma_start3A] : memref<10112x128xf32, #tpu.memory_space<vmem_shared>> -> memref<632x128xf32, #tpu.memory_space<vmem_shared>>
    %dma_start3A_4 = arith.constant 0 : i32
    %dma_start3A_5 = tpu.memref_slice %arg4[%mul3A_2, %dma_start3A_4] : memref<10112x128xf32, #tpu.memory_space<hbm>> -> memref<632x128xf32, #tpu.memory_space<hbm>>
    tpu.enqueue_dma source(%dma_start3A_5 : memref<632x128xf32, #tpu.memory_space<hbm>>) target(%dma_start3A_3 : memref<632x128xf32, #tpu.memory_space<vmem_shared>>) target_semaphore(%arg16 : memref<!tpu.dma_semaphore, #tpu.memory_space<semaphore_mem>>)
    "tpu.region"() ({
      %run_scoped3A = tpu.sem_alloc : memref<!tpu.dma_semaphore, #tpu.memory_space<semaphore_mem>>
      %dma_start3A_268 = arith.constant 0 : i32
      %dma_start3A_269 = arith.constant 0 : i32
      %dma_start3A_270 = tpu.memref_slice %arg3[%add3A, %dma_start3A_268, %dma_start3A_269] : memref<32x125x80xi32, #tpu.memory_space<hbm>> -> memref<1x125x80xi32, #tpu.memory_space<hbm>>
      %dma_start3A_271 = tpu.memref_squeeze %dma_start3A_270 : memref<1x125x80xi32, #tpu.memory_space<hbm>> -> memref<125x80xi32, #tpu.memory_space<hbm>>
      %dma_start3A_272 = arith.constant 0 : i32
      %dma_start3A_273 = arith.constant 0 : i32
      %dma_start3A_274 = tpu.memref_slice %arg3[%add3A, %dma_start3A_272, %dma_start3A_273] : memref<32x125x80xi32, #tpu.memory_space<hbm>> -> memref<1x125x80xi32, #tpu.memory_space<hbm>>
      %dma_start3A_275 = tpu.memref_squeeze %dma_start3A_274 : memref<1x125x80xi32, #tpu.memory_space<hbm>> -> memref<125x80xi32, #tpu.memory_space<hbm>>
      tpu.enqueue_dma source(%dma_start3A_275 : memref<125x80xi32, #tpu.memory_space<hbm>>) target(%arg6 : memref<125x80xi32, #tpu.memory_space<vmem>>) target_semaphore(%run_scoped3A : memref<!tpu.dma_semaphore, #tpu.memory_space<semaphore_mem>>)
      %dma_wait3A_276 = arith.constant 0 : i32
      %dma_wait3A_277 = arith.constant 0 : i32
      %dma_wait3A_278 = tpu.memref_slice %arg3[%add3A, %dma_wait3A_276, %dma_wait3A_277] : memref<32x125x80xi32, #tpu.memory_space<hbm>> -> memref<1x125x80xi32, #tpu.memory_space<hbm>>
      %dma_wait3A_279 = tpu.memref_squeeze %dma_wait3A_278 : memref<1x125x80xi32, #tpu.memory_space<hbm>> -> memref<125x80xi32, #tpu.memory_space<hbm>>
      %dma_wait3A_280 = arith.constant 0 : i32
      %dma_wait3A_281 = arith.constant 0 : i32
      %dma_wait3A_282 = tpu.memref_slice %arg3[%add3A, %dma_wait3A_280, %dma_wait3A_281] : memref<32x125x80xi32, #tpu.memory_space<hbm>> -> memref<1x125x80xi32, #tpu.memory_space<hbm>>
      %dma_wait3A_283 = tpu.memref_squeeze %dma_wait3A_282 : memref<1x125x80xi32, #tpu.memory_space<hbm>> -> memref<125x80xi32, #tpu.memory_space<hbm>>
      tpu.wait_dma2 semaphore(%run_scoped3A : memref<!tpu.dma_semaphore, #tpu.memory_space<semaphore_mem>>) src(%dma_wait3A_283 : memref<125x80xi32, #tpu.memory_space<hbm>>) dst(%arg6 : memref<125x80xi32, #tpu.memory_space<vmem>>)
      tpu.yield
    }) : () -> ()
    %get3A = arith.constant 0 : i32
    %get3A_6 = arith.index_cast %get3A : i32 to index
    %get3A_7 = arith.constant 0 : index
    %get3A_8 = tpu.vector_load %arg6[%get3A_6, %get3A_7] {strides = array<i32>} : memref<125x80xi32, #tpu.memory_space<vmem>>, vector<1x16xi32>,
    %get3A_9 = vector.shape_cast %get3A_8 : vector<1x16xi32> to vector<16xi32>
    %shift_right_logical3A = arith.constant 14 : i32
    %shift_right_logical3A_10 = vector.broadcast %shift_right_logical3A : i32 to vector<16xi32>
    %shift_right_logical3A_11 = arith.shrui %get3A_9, %shift_right_logical3A_10 : vector<16xi32>
    %swap3A = arith.constant 0 : i32
    %swap3A_12 = arith.index_cast %swap3A : i32 to index
    %swap3A_13 = arith.constant 0 : index
    %swap3A_14 = tpu.vector_load %arg7[%swap3A_12, %swap3A_13] {strides = array<i32>} : memref<2x80xi32, #tpu.memory_space<vmem>>, vector<1x16xi32>,
    %swap3A_15 = vector.shape_cast %swap3A_14 : vector<1x16xi32> to vector<16xi32>
    %swap3A_16 = vector.shape_cast %shift_right_logical3A_11 : vector<16xi32> to vector<1x16xi32>
    tpu.vector_store %arg7[%swap3A_12, %swap3A_13], %swap3A_16 {strides = array<i32>} : memref<2x80xi32, #tpu.memory_space<vmem>>, vector<1x16xi32>,
    %and3A = arith.constant 16383 : i32
    %and3A_17 = vector.broadcast %and3A : i32 to vector<16xi32>
    %and3A_18 = arith.andi %get3A_9, %and3A_17 : vector<16xi32>
    %swap3A_19 = arith.constant 1 : i32
    %swap3A_20 = arith.index_cast %swap3A_19 : i32 to index
    %swap3A_21 = arith.constant 0 : index
    %swap3A_22 = tpu.vector_load %arg7[%swap3A_20, %swap3A_21] {strides = array<i32>} : memref<2x80xi32, #tpu.memory_space<vmem>>, vector<1x16xi32>,
    %swap3A_23 = vector.shape_cast %swap3A_22 : vector<1x16xi32> to vector<16xi32>
    %swap3A_24 = vector.shape_cast %and3A_18 : vector<16xi32> to vector<1x16xi32>
    tpu.vector_store %arg7[%swap3A_20, %swap3A_21], %swap3A_24 {strides = array<i32>} : memref<2x80xi32, #tpu.memory_space<vmem>>, vector<1x16xi32>,
    %get3A_25 = arith.constant 0 : i32
    %get3A_26 = arith.index_cast %get3A_25 : i32 to index
    %get3A_27 = arith.constant 16 : index
    %get3A_28 = tpu.vector_load %arg6[%get3A_26, %get3A_27] {strides = array<i32>} : memref<125x80xi32, #tpu.memory_space<vmem>>, vector<1x16xi32>,
    %get3A_29 = vector.shape_cast %get3A_28 : vector<1x16xi32> to vector<16xi32>
    %shift_right_logical3A_30 = arith.constant 14 : i32
    %shift_right_logical3A_31 = vector.broadcast %shift_right_logical3A_30 : i32 to vector<16xi32>
    %shift_right_logical3A_32 = arith.shrui %get3A_29, %shift_right_logical3A_31 : vector<16xi32>
    %swap3A_33 = arith.constant 0 : i32
    %swap3A_34 = arith.index_cast %swap3A_33 : i32 to index
    %swap3A_35 = arith.constant 16 : index
    %swap3A_36 = tpu.vector_load %arg7[%swap3A_34, %swap3A_35] {strides = array<i32>} : memref<2x80xi32, #tpu.memory_space<vmem>>, vector<1x16xi32>,
    %swap3A_37 = vector.shape_cast %swap3A_36 : vector<1x16xi32> to vector<16xi32>
    %swap3A_38 = vector.shape_cast %shift_right_logical3A_32 : vector<16xi32> to vector<1x16xi32>
    tpu.vector_store %arg7[%swap3A_34, %swap3A_35], %swap3A_38 {strides = array<i32>} : memref<2x80xi32, #tpu.memory_space<vmem>>, vector<1x16xi32>,
    %and3A_39 = arith.constant 16383 : i32
    %and3A_40 = vector.broadcast %and3A_39 : i32 to vector<16xi32>
    %and3A_41 = arith.andi %get3A_29, %and3A_40 : vector<16xi32>
    %swap3A_42 = arith.constant 1 : i32
    %swap3A_43 = arith.index_cast %swap3A_42 : i32 to index
    %swap3A_44 = arith.constant 16 : index
    %swap3A_45 = tpu.vector_load %arg7[%swap3A_43, %swap3A_44] {strides = array<i32>} : memref<2x80xi32, #tpu.memory_space<vmem>>, vector<1x16xi32>,
    %swap3A_46 = vector.shape_cast %swap3A_45 : vector<1x16xi32> to vector<16xi32>
    %swap3A_47 = vector.shape_cast %and3A_41 : vector<16xi32> to vector<1x16xi32>
    tpu.vector_store %arg7[%swap3A_43, %swap3A_44], %swap3A_47 {strides = array<i32>} : memref<2x80xi32, #tpu.memory_space<vmem>>, vector<1x16xi32>,
    %get3A_48 = arith.constant 0 : i32
    %get3A_49 = arith.index_cast %get3A_48 : i32 to index
    %get3A_50 = arith.constant 32 : index
    %get3A_51 = tpu.vector_load %arg6[%get3A_49, %get3A_50] {strides = array<i32>} : memref<125x80xi32, #tpu.memory_space<vmem>>, vector<1x16xi32>,
    %get3A_52 = vector.shape_cast %get3A_51 : vector<1x16xi32> to vector<16xi32>
    %shift_right_logical3A_53 = arith.constant 14 : i32
    %shift_right_logical3A_54 = vector.broadcast %shift_right_logical3A_53 : i32 to vector<16xi32>
    %shift_right_logical3A_55 = arith.shrui %get3A_52, %shift_right_logical3A_54 : vector<16xi32>
    %swap3A_56 = arith.constant 0 : i32
    %swap3A_57 = arith.index_cast %swap3A_56 : i32 to index
    %swap3A_58 = arith.constant 32 : index
    %swap3A_59 = tpu.vector_load %arg7[%swap3A_57, %swap3A_58] {strides = array<i32>} : memref<2x80xi32, #tpu.memory_space<vmem>>, vector<1x16xi32>,
    %swap3A_60 = vector.shape_cast %swap3A_59 : vector<1x16xi32> to vector<16xi32>
    %swap3A_61 = vector.shape_cast %shift_right_logical3A_55 : vector<16xi32> to vector<1x16xi32>
    tpu.vector_store %arg7[%swap3A_57, %swap3A_58], %swap3A_61 {strides = array<i32>} : memref<2x80xi32, #tpu.memory_space<vmem>>, vector<1x16xi32>,
    %and3A_62 = arith.constant 16383 : i32
    %and3A_63 = vector.broadcast %and3A_62 : i32 to vector<16xi32>
    %and3A_64 = arith.andi %get3A_52, %and3A_63 : vector<16xi32>
    %swap3A_65 = arith.constant 1 : i32
    %swap3A_66 = arith.index_cast %swap3A_65 : i32 to index
    %swap3A_67 = arith.constant 32 : index
    %swap3A_68 = tpu.vector_load %arg7[%swap3A_66, %swap3A_67] {strides = array<i32>} : memref<2x80xi32, #tpu.memory_space<vmem>>, vector<1x16xi32>,
    %swap3A_69 = vector.shape_cast %swap3A_68 : vector<1x16xi32> to vector<16xi32>
    %swap3A_70 = vector.shape_cast %and3A_64 : vector<16xi32> to vector<1x16xi32>
    tpu.vector_store %arg7[%swap3A_66, %swap3A_67], %swap3A_70 {strides = array<i32>} : memref<2x80xi32, #tpu.memory_space<vmem>>, vector<1x16xi32>,
    %get3A_71 = arith.constant 0 : i32
    %get3A_72 = arith.index_cast %get3A_71 : i32 to index
    %get3A_73 = arith.constant 48 : index
    %get3A_74 = tpu.vector_load %arg6[%get3A_72, %get3A_73] {strides = array<i32>} : memref<125x80xi32, #tpu.memory_space<vmem>>, vector<1x16xi32>,
    %get3A_75 = vector.shape_cast %get3A_74 : vector<1x16xi32> to vector<16xi32>
    %shift_right_logical3A_76 = arith.constant 14 : i32
    %shift_right_logical3A_77 = vector.broadcast %shift_right_logical3A_76 : i32 to vector<16xi32>
    %shift_right_logical3A_78 = arith.shrui %get3A_75, %shift_right_logical3A_77 : vector<16xi32>
    %swap3A_79 = arith.constant 0 : i32
    %swap3A_80 = arith.index_cast %swap3A_79 : i32 to index
    %swap3A_81 = arith.constant 48 : index
    %swap3A_82 = tpu.vector_load %arg7[%swap3A_80, %swap3A_81] {strides = array<i32>} : memref<2x80xi32, #tpu.memory_space<vmem>>, vector<1x16xi32>,
    %swap3A_83 = vector.shape_cast %swap3A_82 : vector<1x16xi32> to vector<16xi32>
    %swap3A_84 = vector.shape_cast %shift_right_logical3A_78 : vector<16xi32> to vector<1x16xi32>
    tpu.vector_store %arg7[%swap3A_80, %swap3A_81], %swap3A_84 {strides = array<i32>} : memref<2x80xi32, #tpu.memory_space<vmem>>, vector<1x16xi32>,
    %and3A_85 = arith.constant 16383 : i32
    %and3A_86 = vector.broadcast %and3A_85 : i32 to vector<16xi32>
    %and3A_87 = arith.andi %get3A_75, %and3A_86 : vector<16xi32>
    %swap3A_88 = arith.constant 1 : i32
    %swap3A_89 = arith.index_cast %swap3A_88 : i32 to index
    %swap3A_90 = arith.constant 48 : index
    %swap3A_91 = tpu.vector_load %arg7[%swap3A_89, %swap3A_90] {strides = array<i32>} : memref<2x80xi32, #tpu.memory_space<vmem>>, vector<1x16xi32>,
    %swap3A_92 = vector.shape_cast %swap3A_91 : vector<1x16xi32> to vector<16xi32>
    %swap3A_93 = vector.shape_cast %and3A_87 : vector<16xi32> to vector<1x16xi32>
    tpu.vector_store %arg7[%swap3A_89, %swap3A_90], %swap3A_93 {strides = array<i32>} : memref<2x80xi32, #tpu.memory_space<vmem>>, vector<1x16xi32>,
    %get3A_94 = arith.constant 0 : i32
    %get3A_95 = arith.index_cast %get3A_94 : i32 to index
    %get3A_96 = arith.constant 64 : index
    %get3A_97 = tpu.vector_load %arg6[%get3A_95, %get3A_96] {strides = array<i32>} : memref<125x80xi32, #tpu.memory_space<vmem>>, vector<1x16xi32>,
    %get3A_98 = vector.shape_cast %get3A_97 : vector<1x16xi32> to vector<16xi32>
    %shift_right_logical3A_99 = arith.constant 14 : i32
    %shift_right_logical3A_100 = vector.broadcast %shift_right_logical3A_99 : i32 to vector<16xi32>
    %shift_right_logical3A_101 = arith.shrui %get3A_98, %shift_right_logical3A_100 : vector<16xi32>
    %swap3A_102 = arith.constant 0 : i32
    %swap3A_103 = arith.index_cast %swap3A_102 : i32 to index
    %swap3A_104 = arith.constant 64 : index
    %swap3A_105 = tpu.vector_load %arg7[%swap3A_103, %swap3A_104] {strides = array<i32>} : memref<2x80xi32, #tpu.memory_space<vmem>>, vector<1x16xi32>,
    %swap3A_106 = vector.shape_cast %swap3A_105 : vector<1x16xi32> to vector<16xi32>
    %swap3A_107 = vector.shape_cast %shift_right_logical3A_101 : vector<16xi32> to vector<1x16xi32>
    tpu.vector_store %arg7[%swap3A_103, %swap3A_104], %swap3A_107 {strides = array<i32>} : memref<2x80xi32, #tpu.memory_space<vmem>>, vector<1x16xi32>,
    %and3A_108 = arith.constant 16383 : i32
    %and3A_109 = vector.broadcast %and3A_108 : i32 to vector<16xi32>
    %and3A_110 = arith.andi %get3A_98, %and3A_109 : vector<16xi32>
    %swap3A_111 = arith.constant 1 : i32
    %swap3A_112 = arith.index_cast %swap3A_111 : i32 to index
    %swap3A_113 = arith.constant 64 : index
    %swap3A_114 = tpu.vector_load %arg7[%swap3A_112, %swap3A_113] {strides = array<i32>} : memref<2x80xi32, #tpu.memory_space<vmem>>, vector<1x16xi32>,
    %swap3A_115 = vector.shape_cast %swap3A_114 : vector<1x16xi32> to vector<16xi32>
    %swap3A_116 = vector.shape_cast %and3A_110 : vector<16xi32> to vector<1x16xi32>
    tpu.vector_store %arg7[%swap3A_112, %swap3A_113], %swap3A_116 {strides = array<i32>} : memref<2x80xi32, #tpu.memory_space<vmem>>, vector<1x16xi32>,
    %dma_start3A_117 = arith.constant 0 : i32
    %dma_start3A_118 = arith.constant 0 : i32
    %dma_start3A_119 = tpu.memref_slice %arg7[%dma_start3A_117, %dma_start3A_118] : memref<2x80xi32, #tpu.memory_space<vmem>> -> memref<1x80xi32, #tpu.memory_space<vmem>>
    %dma_start3A_120 = tpu.memref_squeeze %dma_start3A_119 : memref<1x80xi32, #tpu.memory_space<vmem>> -> memref<80xi32, #tpu.memory_space<vmem>>
    %dma_start3A_121 = arith.constant 0 : i32
    %dma_start3A_122 = arith.constant 0 : i32
    %dma_start3A_123 = tpu.memref_slice %arg2[%dma_start3A_121, %dma_start3A_122] : memref<10112x128xf32, #tpu.memory_space<hbm>> -> memref<10112x128xf32, #tpu.memory_space<hbm>>
    tpu.enqueue_indirect_dma source(%dma_start3A_123 : memref<10112x128xf32, #tpu.memory_space<hbm>>) target(%arg9 : memref<80x128xf32, #tpu.memory_space<vmem>>) offsets(%dma_start3A_120 : memref<80xi32, #tpu.memory_space<vmem>>) semaphore(%arg12 : memref<!tpu.dma_semaphore, #tpu.memory_space<semaphore_mem>>)
    %get3A_124 = arith.constant 1 : i32
    %get3A_125 = arith.index_cast %get3A_124 : i32 to index
    %get3A_126 = arith.constant 0 : index
    %get3A_127 = tpu.vector_load %arg6[%get3A_125, %get3A_126] {strides = array<i32>} : memref<125x80xi32, #tpu.memory_space<vmem>>, vector<1x16xi32>,
    %get3A_128 = vector.shape_cast %get3A_127 : vector<1x16xi32> to vector<16xi32>
    %shift_right_logical3A_129 = arith.constant 14 : i32
    %shift_right_logical3A_130 = vector.broadcast %shift_right_logical3A_129 : i32 to vector<16xi32>
    %shift_right_logical3A_131 = arith.shrui %get3A_128, %shift_right_logical3A_130 : vector<16xi32>
    %swap3A_132 = arith.constant 0 : i32
    %swap3A_133 = arith.index_cast %swap3A_132 : i32 to index
    %swap3A_134 = arith.constant 0 : index
    %swap3A_135 = tpu.vector_load %arg8[%swap3A_133, %swap3A_134] {strides = array<i32>} : memref<2x80xi32, #tpu.memory_space<vmem>>, vector<1x16xi32>,
    %swap3A_136 = vector.shape_cast %swap3A_135 : vector<1x16xi32> to vector<16xi32>
    %swap3A_137 = vector.shape_cast %shift_right_logical3A_131 : vector<16xi32> to vector<1x16xi32>
    tpu.vector_store %arg8[%swap3A_133, %swap3A_134], %swap3A_137 {strides = array<i32>} : memref<2x80xi32, #tpu.memory_space<vmem>>, vector<1x16xi32>,
    %and3A_138 = arith.constant 16383 : i32
    %and3A_139 = vector.broadcast %and3A_138 : i32 to vector<16xi32>
    %and3A_140 = arith.andi %get3A_128, %and3A_139 : vector<16xi32>
    %swap3A_141 = arith.constant 1 : i32
    %swap3A_142 = arith.index_cast %swap3A_141 : i32 to index
    %swap3A_143 = arith.constant 0 : index
    %swap3A_144 = tpu.vector_load %arg8[%swap3A_142, %swap3A_143] {strides = array<i32>} : memref<2x80xi32, #tpu.memory_space<vmem>>, vector<1x16xi32>,
    %swap3A_145 = vector.shape_cast %swap3A_144 : vector<1x16xi32> to vector<16xi32>
    %swap3A_146 = vector.shape_cast %and3A_140 : vector<16xi32> to vector<1x16xi32>
    tpu.vector_store %arg8[%swap3A_142, %swap3A_143], %swap3A_146 {strides = array<i32>} : memref<2x80xi32, #tpu.memory_space<vmem>>, vector<1x16xi32>,
    %get3A_147 = arith.constant 1 : i32
    %get3A_148 = arith.index_cast %get3A_147 : i32 to index
    %get3A_149 = arith.constant 16 : index
    %get3A_150 = tpu.vector_load %arg6[%get3A_148, %get3A_149] {strides = array<i32>} : memref<125x80xi32, #tpu.memory_space<vmem>>, vector<1x16xi32>,
    %get3A_151 = vector.shape_cast %get3A_150 : vector<1x16xi32> to vector<16xi32>
    %shift_right_logical3A_152 = arith.constant 14 : i32
    %shift_right_logical3A_153 = vector.broadcast %shift_right_logical3A_152 : i32 to vector<16xi32>
    %shift_right_logical3A_154 = arith.shrui %get3A_151, %shift_right_logical3A_153 : vector<16xi32>
    %swap3A_155 = arith.constant 0 : i32
    %swap3A_156 = arith.index_cast %swap3A_155 : i32 to index
    %swap3A_157 = arith.constant 16 : index
    %swap3A_158 = tpu.vector_load %arg8[%swap3A_156, %swap3A_157] {strides = array<i32>} : memref<2x80xi32, #tpu.memory_space<vmem>>, vector<1x16xi32>,
    %swap3A_159 = vector.shape_cast %swap3A_158 : vector<1x16xi32> to vector<16xi32>
    %swap3A_160 = vector.shape_cast %shift_right_logical3A_154 : vector<16xi32> to vector<1x16xi32>
    tpu.vector_store %arg8[%swap3A_156, %swap3A_157], %swap3A_160 {strides = array<i32>} : memref<2x80xi32, #tpu.memory_space<vmem>>, vector<1x16xi32>,
    %and3A_161 = arith.constant 16383 : i32
    %and3A_162 = vector.broadcast %and3A_161 : i32 to vector<16xi32>
    %and3A_163 = arith.andi %get3A_151, %and3A_162 : vector<16xi32>
    %swap3A_164 = arith.constant 1 : i32
    %swap3A_165 = arith.index_cast %swap3A_164 : i32 to index
    %swap3A_166 = arith.constant 16 : index
    %swap3A_167 = tpu.vector_load %arg8[%swap3A_165, %swap3A_166] {strides = array<i32>} : memref<2x80xi32, #tpu.memory_space<vmem>>, vector<1x16xi32>,
    %swap3A_168 = vector.shape_cast %swap3A_167 : vector<1x16xi32> to vector<16xi32>
    %swap3A_169 = vector.shape_cast %and3A_163 : vector<16xi32> to vector<1x16xi32>
    tpu.vector_store %arg8[%swap3A_165, %swap3A_166], %swap3A_169 {strides = array<i32>} : memref<2x80xi32, #tpu.memory_space<vmem>>, vector<1x16xi32>,
    %get3A_170 = arith.constant 1 : i32
    %get3A_171 = arith.index_cast %get3A_170 : i32 to index
    %get3A_172 = arith.constant 32 : index
    %get3A_173 = tpu.vector_load %arg6[%get3A_171, %get3A_172] {strides = array<i32>} : memref<125x80xi32, #tpu.memory_space<vmem>>, vector<1x16xi32>,
    %get3A_174 = vector.shape_cast %get3A_173 : vector<1x16xi32> to vector<16xi32>
    %shift_right_logical3A_175 = arith.constant 14 : i32
    %shift_right_logical3A_176 = vector.broadcast %shift_right_logical3A_175 : i32 to vector<16xi32>
    %shift_right_logical3A_177 = arith.shrui %get3A_174, %shift_right_logical3A_176 : vector<16xi32>
    %swap3A_178 = arith.constant 0 : i32
    %swap3A_179 = arith.index_cast %swap3A_178 : i32 to index
    %swap3A_180 = arith.constant 32 : index
    %swap3A_181 = tpu.vector_load %arg8[%swap3A_179, %swap3A_180] {strides = array<i32>} : memref<2x80xi32, #tpu.memory_space<vmem>>, vector<1x16xi32>,
    %swap3A_182 = vector.shape_cast %swap3A_181 : vector<1x16xi32> to vector<16xi32>
    %swap3A_183 = vector.shape_cast %shift_right_logical3A_177 : vector<16xi32> to vector<1x16xi32>
    tpu.vector_store %arg8[%swap3A_179, %swap3A_180], %swap3A_183 {strides = array<i32>} : memref<2x80xi32, #tpu.memory_space<vmem>>, vector<1x16xi32>,
    %and3A_184 = arith.constant 16383 : i32
    %and3A_185 = vector.broadcast %and3A_184 : i32 to vector<16xi32>
    %and3A_186 = arith.andi %get3A_174, %and3A_185 : vector<16xi32>
    %swap3A_187 = arith.constant 1 : i32
    %swap3A_188 = arith.index_cast %swap3A_187 : i32 to index
    %swap3A_189 = arith.constant 32 : index
    %swap3A_190 = tpu.vector_load %arg8[%swap3A_188, %swap3A_189] {strides = array<i32>} : memref<2x80xi32, #tpu.memory_space<vmem>>, vector<1x16xi32>,
    %swap3A_191 = vector.shape_cast %swap3A_190 : vector<1x16xi32> to vector<16xi32>
    %swap3A_192 = vector.shape_cast %and3A_186 : vector<16xi32> to vector<1x16xi32>
    tpu.vector_store %arg8[%swap3A_188, %swap3A_189], %swap3A_192 {strides = array<i32>} : memref<2x80xi32, #tpu.memory_space<vmem>>, vector<1x16xi32>,
    %get3A_193 = arith.constant 1 : i32
    %get3A_194 = arith.index_cast %get3A_193 : i32 to index
    %get3A_195 = arith.constant 48 : index
    %get3A_196 = tpu.vector_load %arg6[%get3A_194, %get3A_195] {strides = array<i32>} : memref<125x80xi32, #tpu.memory_space<vmem>>, vector<1x16xi32>,
    %get3A_197 = vector.shape_cast %get3A_196 : vector<1x16xi32> to vector<16xi32>
    %shift_right_logical3A_198 = arith.constant 14 : i32
    %shift_right_logical3A_199 = vector.broadcast %shift_right_logical3A_198 : i32 to vector<16xi32>
    %shift_right_logical3A_200 = arith.shrui %get3A_197, %shift_right_logical3A_199 : vector<16xi32>
    %swap3A_201 = arith.constant 0 : i32
    %swap3A_202 = arith.index_cast %swap3A_201 : i32 to index
    %swap3A_203 = arith.constant 48 : index
    %swap3A_204 = tpu.vector_load %arg8[%swap3A_202, %swap3A_203] {strides = array<i32>} : memref<2x80xi32, #tpu.memory_space<vmem>>, vector<1x16xi32>,
    %swap3A_205 = vector.shape_cast %swap3A_204 : vector<1x16xi32> to vector<16xi32>
    %swap3A_206 = vector.shape_cast %shift_right_logical3A_200 : vector<16xi32> to vector<1x16xi32>
    tpu.vector_store %arg8[%swap3A_202, %swap3A_203], %swap3A_206 {strides = array<i32>} : memref<2x80xi32, #tpu.memory_space<vmem>>, vector<1x16xi32>,
    %and3A_207 = arith.constant 16383 : i32
    %and3A_208 = vector.broadcast %and3A_207 : i32 to vector<16xi32>
    %and3A_209 = arith.andi %get3A_197, %and3A_208 : vector<16xi32>
    %swap3A_210 = arith.constant 1 : i32
    %swap3A_211 = arith.index_cast %swap3A_210 : i32 to index
    %swap3A_212 = arith.constant 48 : index
    %swap3A_213 = tpu.vector_load %arg8[%swap3A_211, %swap3A_212] {strides = array<i32>} : memref<2x80xi32, #tpu.memory_space<vmem>>, vector<1x16xi32>,
    %swap3A_214 = vector.shape_cast %swap3A_213 : vector<1x16xi32> to vector<16xi32>
    %swap3A_215 = vector.shape_cast %and3A_209 : vector<16xi32> to vector<1x16xi32>
    tpu.vector_store %arg8[%swap3A_211, %swap3A_212], %swap3A_215 {strides = array<i32>} : memref<2x80xi32, #tpu.memory_space<vmem>>, vector<1x16xi32>,
    %get3A_216 = arith.constant 1 : i32
    %get3A_217 = arith.index_cast %get3A_216 : i32 to index
    %get3A_218 = arith.constant 64 : index
    %get3A_219 = tpu.vector_load %arg6[%get3A_217, %get3A_218] {strides = array<i32>} : memref<125x80xi32, #tpu.memory_space<vmem>>, vector<1x16xi32>,
    %get3A_220 = vector.shape_cast %get3A_219 : vector<1x16xi32> to vector<16xi32>
    %shift_right_logical3A_221 = arith.constant 14 : i32
    %shift_right_logical3A_222 = vector.broadcast %shift_right_logical3A_221 : i32 to vector<16xi32>
    %shift_right_logical3A_223 = arith.shrui %get3A_220, %shift_right_logical3A_222 : vector<16xi32>
    %swap3A_224 = arith.constant 0 : i32
    %swap3A_225 = arith.index_cast %swap3A_224 : i32 to index
    %swap3A_226 = arith.constant 64 : index
    %swap3A_227 = tpu.vector_load %arg8[%swap3A_225, %swap3A_226] {strides = array<i32>} : memref<2x80xi32, #tpu.memory_space<vmem>>, vector<1x16xi32>,
    %swap3A_228 = vector.shape_cast %swap3A_227 : vector<1x16xi32> to vector<16xi32>
    %swap3A_229 = vector.shape_cast %shift_right_logical3A_223 : vector<16xi32> to vector<1x16xi32>
    tpu.vector_store %arg8[%swap3A_225, %swap3A_226], %swap3A_229 {strides = array<i32>} : memref<2x80xi32, #tpu.memory_space<vmem>>, vector<1x16xi32>,
    %and3A_230 = arith.constant 16383 : i32
    %and3A_231 = vector.broadcast %and3A_230 : i32 to vector<16xi32>
    %and3A_232 = arith.andi %get3A_220, %and3A_231 : vector<16xi32>
    %swap3A_233 = arith.constant 1 : i32
    %swap3A_234 = arith.index_cast %swap3A_233 : i32 to index
    %swap3A_235 = arith.constant 64 : index
    %swap3A_236 = tpu.vector_load %arg8[%swap3A_234, %swap3A_235] {strides = array<i32>} : memref<2x80xi32, #tpu.memory_space<vmem>>, vector<1x16xi32>,
    %swap3A_237 = vector.shape_cast %swap3A_236 : vector<1x16xi32> to vector<16xi32>
    %swap3A_238 = vector.shape_cast %and3A_232 : vector<16xi32> to vector<1x16xi32>
    tpu.vector_store %arg8[%swap3A_234, %swap3A_235], %swap3A_238 {strides = array<i32>} : memref<2x80xi32, #tpu.memory_space<vmem>>, vector<1x16xi32>,
    %dma_start3A_239 = arith.constant 0 : i32
    %dma_start3A_240 = arith.constant 0 : i32
    %dma_start3A_241 = tpu.memref_slice %arg8[%dma_start3A_239, %dma_start3A_240] : memref<2x80xi32, #tpu.memory_space<vmem>> -> memref<1x80xi32, #tpu.memory_space<vmem>>
    %dma_start3A_242 = tpu.memref_squeeze %dma_start3A_241 : memref<1x80xi32, #tpu.memory_space<vmem>> -> memref<80xi32, #tpu.memory_space<vmem>>
    %dma_start3A_243 = arith.constant 0 : i32
    %dma_start3A_244 = arith.constant 0 : i32
    %dma_start3A_245 = tpu.memref_slice %arg2[%dma_start3A_243, %dma_start3A_244] : memref<10112x128xf32, #tpu.memory_space<hbm>> -> memref<10112x128xf32, #tpu.memory_space<hbm>>
    tpu.enqueue_indirect_dma source(%dma_start3A_245 : memref<10112x128xf32, #tpu.memory_space<hbm>>) target(%arg10 : memref<80x128xf32, #tpu.memory_space<vmem>>) offsets(%dma_start3A_242 : memref<80xi32, #tpu.memory_space<vmem>>) semaphore(%arg13 : memref<!tpu.dma_semaphore, #tpu.memory_space<semaphore_mem>>)
    %dma_wait3A = arith.constant 0 : i32
    %dma_wait3A_246 = tpu.memref_slice %arg11[%mul3A_2, %dma_wait3A] : memref<10112x128xf32, #tpu.memory_space<vmem_shared>> -> memref<632x128xf32, #tpu.memory_space<vmem_shared>>
    %dma_wait3A_247 = arith.constant 0 : i32
    %dma_wait3A_248 = tpu.memref_slice %arg4[%mul3A_2, %dma_wait3A_247] : memref<10112x128xf32, #tpu.memory_space<hbm>> -> memref<632x128xf32, #tpu.memory_space<hbm>>
    tpu.wait_dma2 semaphore(%arg16 : memref<!tpu.dma_semaphore, #tpu.memory_space<semaphore_mem>>) src(%dma_wait3A_248 : memref<632x128xf32, #tpu.memory_space<hbm>>) dst(%dma_wait3A_246 : memref<632x128xf32, #tpu.memory_space<vmem_shared>>)
    %barrier3A = arith.constant 0 : index
    tpu.barrier barrier_id(%barrier3A)
    %scan3A = arith.constant 0 : i32
    %scan3A_249 = arith.constant 63 : i32
    %scan3A_250 = arith.addi %scan3A, %scan3A_249 : i32
    %scan3A_251 = arith.constant 1 : i32
    scf.for %scan3A_268 = %scan3A to %scan3A_250 step %scan3A_251  : i32 {
      %mul3A_269 = arith.constant 2 : i32
      %mul3A_270 = arith.muli %scan3A_268, %mul3A_269 : i32
      %add3A_271 = arith.constant 0 : i32
      %add3A_272 = arith.addi %add3A_271, %mul3A_270 : i32
      %gt3A = arith.constant 0 : i32
      %gt3A_273 = arith.cmpi sgt, %add3A_272, %gt3A : i32
      %convert_element_type3A = arith.extui %gt3A_273 : i1 to i32
      %cond3A = arith.constant 0 : i32
      %cond3A_274 = arith.cmpi ne, %convert_element_type3A, %cond3A : i32
      scf.if %cond3A_274 {
        %dma_wait3A_305 = arith.constant 1 : i32
        %dma_wait3A_306 = arith.constant 0 : i32
        %dma_wait3A_307 = tpu.memref_slice %arg7[%dma_wait3A_305, %dma_wait3A_306] : memref<2x80xi32, #tpu.memory_space<vmem>> -> memref<1x80xi32, #tpu.memory_space<vmem>>
        %dma_wait3A_308 = tpu.memref_squeeze %dma_wait3A_307 : memref<1x80xi32, #tpu.memory_space<vmem>> -> memref<80xi32, #tpu.memory_space<vmem>>
        %dma_wait3A_309 = arith.constant 0 : i32
        %dma_wait3A_310 = arith.constant 0 : i32
        %dma_wait3A_311 = tpu.memref_slice %arg11[%dma_wait3A_309, %dma_wait3A_310] : memref<10112x128xf32, #tpu.memory_space<vmem_shared>> -> memref<10112x128xf32, #tpu.memory_space<vmem_shared>>
        tpu.wait_indirect_dma semaphore(%arg14 : memref<!tpu.dma_semaphore, #tpu.memory_space<semaphore_mem>>) src(%arg9 : memref<80x128xf32, #tpu.memory_space<vmem>>) dst(%dma_wait3A_311 : memref<10112x128xf32, #tpu.memory_space<vmem_shared>>)
        %get3A_312 = arith.index_cast %add3A_272 : i32 to index
        %get3A_313 = arith.constant 0 : index
        %get3A_314 = tpu.vector_load %arg6[%get3A_312, %get3A_313] {strides = array<i32>} : memref<125x80xi32, #tpu.memory_space<vmem>>, vector<1x16xi32>,
        %get3A_315 = vector.shape_cast %get3A_314 : vector<1x16xi32> to vector<16xi32>
        %shift_right_logical3A_316 = arith.constant 14 : i32
        %shift_right_logical3A_317 = vector.broadcast %shift_right_logical3A_316 : i32 to vector<16xi32>
        %shift_right_logical3A_318 = arith.shrui %get3A_315, %shift_right_logical3A_317 : vector<16xi32>
        %swap3A_319 = arith.constant 0 : i32
        %swap3A_320 = arith.index_cast %swap3A_319 : i32 to index
        %swap3A_321 = arith.constant 0 : index
        %swap3A_322 = tpu.vector_load %arg7[%swap3A_320, %swap3A_321] {strides = array<i32>} : memref<2x80xi32, #tpu.memory_space<vmem>>, vector<1x16xi32>,
        %swap3A_323 = vector.shape_cast %swap3A_322 : vector<1x16xi32> to vector<16xi32>
        %swap3A_324 = vector.shape_cast %shift_right_logical3A_318 : vector<16xi32> to vector<1x16xi32>
        tpu.vector_store %arg7[%swap3A_320, %swap3A_321], %swap3A_324 {strides = array<i32>} : memref<2x80xi32, #tpu.memory_space<vmem>>, vector<1x16xi32>,
        %and3A_325 = arith.constant 16383 : i32
        %and3A_326 = vector.broadcast %and3A_325 : i32 to vector<16xi32>
        %and3A_327 = arith.andi %get3A_315, %and3A_326 : vector<16xi32>
        %swap3A_328 = arith.constant 1 : i32
        %swap3A_329 = arith.index_cast %swap3A_328 : i32 to index
        %swap3A_330 = arith.constant 0 : index
        %swap3A_331 = tpu.vector_load %arg7[%swap3A_329, %swap3A_330] {strides = array<i32>} : memref<2x80xi32, #tpu.memory_space<vmem>>, vector<1x16xi32>,
        %swap3A_332 = vector.shape_cast %swap3A_331 : vector<1x16xi32> to vector<16xi32>
        %swap3A_333 = vector.shape_cast %and3A_327 : vector<16xi32> to vector<1x16xi32>
        tpu.vector_store %arg7[%swap3A_329, %swap3A_330], %swap3A_333 {strides = array<i32>} : memref<2x80xi32, #tpu.memory_space<vmem>>, vector<1x16xi32>,
        %get3A_334 = arith.index_cast %add3A_272 : i32 to index
        %get3A_335 = arith.constant 16 : index
        %get3A_336 = tpu.vector_load %arg6[%get3A_334, %get3A_335] {strides = array<i32>} : memref<125x80xi32, #tpu.memory_space<vmem>>, vector<1x16xi32>,
        %get3A_337 = vector.shape_cast %get3A_336 : vector<1x16xi32> to vector<16xi32>
        %shift_right_logical3A_338 = arith.constant 14 : i32
        %shift_right_logical3A_339 = vector.broadcast %shift_right_logical3A_338 : i32 to vector<16xi32>
        %shift_right_logical3A_340 = arith.shrui %get3A_337, %shift_right_logical3A_339 : vector<16xi32>
        %swap3A_341 = arith.constant 0 : i32
        %swap3A_342 = arith.index_cast %swap3A_341 : i32 to index
        %swap3A_343 = arith.constant 16 : index
        %swap3A_344 = tpu.vector_load %arg7[%swap3A_342, %swap3A_343] {strides = array<i32>} : memref<2x80xi32, #tpu.memory_space<vmem>>, vector<1x16xi32>,
        %swap3A_345 = vector.shape_cast %swap3A_344 : vector<1x16xi32> to vector<16xi32>
        %swap3A_346 = vector.shape_cast %shift_right_logical3A_340 : vector<16xi32> to vector<1x16xi32>
        tpu.vector_store %arg7[%swap3A_342, %swap3A_343], %swap3A_346 {strides = array<i32>} : memref<2x80xi32, #tpu.memory_space<vmem>>, vector<1x16xi32>,
        %and3A_347 = arith.constant 16383 : i32
        %and3A_348 = vector.broadcast %and3A_347 : i32 to vector<16xi32>
        %and3A_349 = arith.andi %get3A_337, %and3A_348 : vector<16xi32>
        %swap3A_350 = arith.constant 1 : i32
        %swap3A_351 = arith.index_cast %swap3A_350 : i32 to index
        %swap3A_352 = arith.constant 16 : index
        %swap3A_353 = tpu.vector_load %arg7[%swap3A_351, %swap3A_352] {strides = array<i32>} : memref<2x80xi32, #tpu.memory_space<vmem>>, vector<1x16xi32>,
        %swap3A_354 = vector.shape_cast %swap3A_353 : vector<1x16xi32> to vector<16xi32>
        %swap3A_355 = vector.shape_cast %and3A_349 : vector<16xi32> to vector<1x16xi32>
        tpu.vector_store %arg7[%swap3A_351, %swap3A_352], %swap3A_355 {strides = array<i32>} : memref<2x80xi32, #tpu.memory_space<vmem>>, vector<1x16xi32>,
        %get3A_356 = arith.index_cast %add3A_272 : i32 to index
        %get3A_357 = arith.constant 32 : index
        %get3A_358 = tpu.vector_load %arg6[%get3A_356, %get3A_357] {strides = array<i32>} : memref<125x80xi32, #tpu.memory_space<vmem>>, vector<1x16xi32>,
        %get3A_359 = vector.shape_cast %get3A_358 : vector<1x16xi32> to vector<16xi32>
        %shift_right_logical3A_360 = arith.constant 14 : i32
        %shift_right_logical3A_361 = vector.broadcast %shift_right_logical3A_360 : i32 to vector<16xi32>
        %shift_right_logical3A_362 = arith.shrui %get3A_359, %shift_right_logical3A_361 : vector<16xi32>
        %swap3A_363 = arith.constant 0 : i32
        %swap3A_364 = arith.index_cast %swap3A_363 : i32 to index
        %swap3A_365 = arith.constant 32 : index
        %swap3A_366 = tpu.vector_load %arg7[%swap3A_364, %swap3A_365] {strides = array<i32>} : memref<2x80xi32, #tpu.memory_space<vmem>>, vector<1x16xi32>,
        %swap3A_367 = vector.shape_cast %swap3A_366 : vector<1x16xi32> to vector<16xi32>
        %swap3A_368 = vector.shape_cast %shift_right_logical3A_362 : vector<16xi32> to vector<1x16xi32>
        tpu.vector_store %arg7[%swap3A_364, %swap3A_365], %swap3A_368 {strides = array<i32>} : memref<2x80xi32, #tpu.memory_space<vmem>>, vector<1x16xi32>,
        %and3A_369 = arith.constant 16383 : i32
        %and3A_370 = vector.broadcast %and3A_369 : i32 to vector<16xi32>
        %and3A_371 = arith.andi %get3A_359, %and3A_370 : vector<16xi32>
        %swap3A_372 = arith.constant 1 : i32
        %swap3A_373 = arith.index_cast %swap3A_372 : i32 to index
        %swap3A_374 = arith.constant 32 : index
        %swap3A_375 = tpu.vector_load %arg7[%swap3A_373, %swap3A_374] {strides = array<i32>} : memref<2x80xi32, #tpu.memory_space<vmem>>, vector<1x16xi32>,
        %swap3A_376 = vector.shape_cast %swap3A_375 : vector<1x16xi32> to vector<16xi32>
        %swap3A_377 = vector.shape_cast %and3A_371 : vector<16xi32> to vector<1x16xi32>
        tpu.vector_store %arg7[%swap3A_373, %swap3A_374], %swap3A_377 {strides = array<i32>} : memref<2x80xi32, #tpu.memory_space<vmem>>, vector<1x16xi32>,
        %get3A_378 = arith.index_cast %add3A_272 : i32 to index
        %get3A_379 = arith.constant 48 : index
        %get3A_380 = tpu.vector_load %arg6[%get3A_378, %get3A_379] {strides = array<i32>} : memref<125x80xi32, #tpu.memory_space<vmem>>, vector<1x16xi32>,
        %get3A_381 = vector.shape_cast %get3A_380 : vector<1x16xi32> to vector<16xi32>
        %shift_right_logical3A_382 = arith.constant 14 : i32
        %shift_right_logical3A_383 = vector.broadcast %shift_right_logical3A_382 : i32 to vector<16xi32>
        %shift_right_logical3A_384 = arith.shrui %get3A_381, %shift_right_logical3A_383 : vector<16xi32>
        %swap3A_385 = arith.constant 0 : i32
        %swap3A_386 = arith.index_cast %swap3A_385 : i32 to index
        %swap3A_387 = arith.constant 48 : index
        %swap3A_388 = tpu.vector_load %arg7[%swap3A_386, %swap3A_387] {strides = array<i32>} : memref<2x80xi32, #tpu.memory_space<vmem>>, vector<1x16xi32>,
        %swap3A_389 = vector.shape_cast %swap3A_388 : vector<1x16xi32> to vector<16xi32>
        %swap3A_390 = vector.shape_cast %shift_right_logical3A_384 : vector<16xi32> to vector<1x16xi32>
        tpu.vector_store %arg7[%swap3A_386, %swap3A_387], %swap3A_390 {strides = array<i32>} : memref<2x80xi32, #tpu.memory_space<vmem>>, vector<1x16xi32>,
        %and3A_391 = arith.constant 16383 : i32
        %and3A_392 = vector.broadcast %and3A_391 : i32 to vector<16xi32>
        %and3A_393 = arith.andi %get3A_381, %and3A_392 : vector<16xi32>
        %swap3A_394 = arith.constant 1 : i32
        %swap3A_395 = arith.index_cast %swap3A_394 : i32 to index
        %swap3A_396 = arith.constant 48 : index
        %swap3A_397 = tpu.vector_load %arg7[%swap3A_395, %swap3A_396] {strides = array<i32>} : memref<2x80xi32, #tpu.memory_space<vmem>>, vector<1x16xi32>,
        %swap3A_398 = vector.shape_cast %swap3A_397 : vector<1x16xi32> to vector<16xi32>
        %swap3A_399 = vector.shape_cast %and3A_393 : vector<16xi32> to vector<1x16xi32>
        tpu.vector_store %arg7[%swap3A_395, %swap3A_396], %swap3A_399 {strides = array<i32>} : memref<2x80xi32, #tpu.memory_space<vmem>>, vector<1x16xi32>,
        %get3A_400 = arith.index_cast %add3A_272 : i32 to index
        %get3A_401 = arith.constant 64 : index
        %get3A_402 = tpu.vector_load %arg6[%get3A_400, %get3A_401] {strides = array<i32>} : memref<125x80xi32, #tpu.memory_space<vmem>>, vector<1x16xi32>,
        %get3A_403 = vector.shape_cast %get3A_402 : vector<1x16xi32> to vector<16xi32>
        %shift_right_logical3A_404 = arith.constant 14 : i32
        %shift_right_logical3A_405 = vector.broadcast %shift_right_logical3A_404 : i32 to vector<16xi32>
        %shift_right_logical3A_406 = arith.shrui %get3A_403, %shift_right_logical3A_405 : vector<16xi32>
        %swap3A_407 = arith.constant 0 : i32
        %swap3A_408 = arith.index_cast %swap3A_407 : i32 to index
        %swap3A_409 = arith.constant 64 : index
        %swap3A_410 = tpu.vector_load %arg7[%swap3A_408, %swap3A_409] {strides = array<i32>} : memref<2x80xi32, #tpu.memory_space<vmem>>, vector<1x16xi32>,
        %swap3A_411 = vector.shape_cast %swap3A_410 : vector<1x16xi32> to vector<16xi32>
        %swap3A_412 = vector.shape_cast %shift_right_logical3A_406 : vector<16xi32> to vector<1x16xi32>
        tpu.vector_store %arg7[%swap3A_408, %swap3A_409], %swap3A_412 {strides = array<i32>} : memref<2x80xi32, #tpu.memory_space<vmem>>, vector<1x16xi32>,
        %and3A_413 = arith.constant 16383 : i32
        %and3A_414 = vector.broadcast %and3A_413 : i32 to vector<16xi32>
        %and3A_415 = arith.andi %get3A_403, %and3A_414 : vector<16xi32>
        %swap3A_416 = arith.constant 1 : i32
        %swap3A_417 = arith.index_cast %swap3A_416 : i32 to index
        %swap3A_418 = arith.constant 64 : index
        %swap3A_419 = tpu.vector_load %arg7[%swap3A_417, %swap3A_418] {strides = array<i32>} : memref<2x80xi32, #tpu.memory_space<vmem>>, vector<1x16xi32>,
        %swap3A_420 = vector.shape_cast %swap3A_419 : vector<1x16xi32> to vector<16xi32>
        %swap3A_421 = vector.shape_cast %and3A_415 : vector<16xi32> to vector<1x16xi32>
        tpu.vector_store %arg7[%swap3A_417, %swap3A_418], %swap3A_421 {strides = array<i32>} : memref<2x80xi32, #tpu.memory_space<vmem>>, vector<1x16xi32>,
        %dma_start3A_422 = arith.constant 0 : i32
        %dma_start3A_423 = arith.constant 0 : i32
        %dma_start3A_424 = tpu.memref_slice %arg7[%dma_start3A_422, %dma_start3A_423] : memref<2x80xi32, #tpu.memory_space<vmem>> -> memref<1x80xi32, #tpu.memory_space<vmem>>
        %dma_start3A_425 = tpu.memref_squeeze %dma_start3A_424 : memref<1x80xi32, #tpu.memory_space<vmem>> -> memref<80xi32, #tpu.memory_space<vmem>>
        %dma_start3A_426 = arith.constant 0 : i32
        %dma_start3A_427 = arith.constant 0 : i32
        %dma_start3A_428 = tpu.memref_slice %arg2[%dma_start3A_426, %dma_start3A_427] : memref<10112x128xf32, #tpu.memory_space<hbm>> -> memref<10112x128xf32, #tpu.memory_space<hbm>>
        tpu.enqueue_indirect_dma source(%dma_start3A_428 : memref<10112x128xf32, #tpu.memory_space<hbm>>) target(%arg9 : memref<80x128xf32, #tpu.memory_space<vmem>>) offsets(%dma_start3A_425 : memref<80xi32, #tpu.memory_space<vmem>>) semaphore(%arg12 : memref<!tpu.dma_semaphore, #tpu.memory_space<semaphore_mem>>)
      } else {
      }
      %gt3A_275 = arith.constant 0 : i32
      %gt3A_276 = arith.cmpi sgt, %add3A_272, %gt3A_275 : i32
      %add3A_277 = arith.constant 1 : i32
      %add3A_278 = arith.addi %add3A_272, %add3A_277 : i32
      %lt3A = arith.constant 125 : i32
      %lt3A_279 = arith.cmpi slt, %add3A_278, %lt3A : i32
      %and3A_280 = arith.andi %gt3A_276, %lt3A_279 : i1
      %convert_element_type3A_281 = arith.extui %and3A_280 : i1 to i32
      %cond3A_282 = arith.constant 0 : i32
      %cond3A_283 = arith.cmpi ne, %convert_element_type3A_281, %cond3A_282 : i32
      scf.if %cond3A_283 {
        %dma_wait3A_305 = arith.constant 1 : i32
        %dma_wait3A_306 = arith.constant 0 : i32
        %dma_wait3A_307 = tpu.memref_slice %arg8[%dma_wait3A_305, %dma_wait3A_306] : memref<2x80xi32, #tpu.memory_space<vmem>> -> memref<1x80xi32, #tpu.memory_space<vmem>>
        %dma_wait3A_308 = tpu.memref_squeeze %dma_wait3A_307 : memref<1x80xi32, #tpu.memory_space<vmem>> -> memref<80xi32, #tpu.memory_space<vmem>>
        %dma_wait3A_309 = arith.constant 0 : i32
        %dma_wait3A_310 = arith.constant 0 : i32
        %dma_wait3A_311 = tpu.memref_slice %arg11[%dma_wait3A_309, %dma_wait3A_310] : memref<10112x128xf32, #tpu.memory_space<vmem_shared>> -> memref<10112x128xf32, #tpu.memory_space<vmem_shared>>
        tpu.wait_indirect_dma semaphore(%arg15 : memref<!tpu.dma_semaphore, #tpu.memory_space<semaphore_mem>>) src(%arg10 : memref<80x128xf32, #tpu.memory_space<vmem>>) dst(%dma_wait3A_311 : memref<10112x128xf32, #tpu.memory_space<vmem_shared>>)
        %add3A_312 = arith.constant 1 : i32
        %add3A_313 = arith.addi %add3A_272, %add3A_312 : i32
        %get3A_314 = arith.index_cast %add3A_313 : i32 to index
        %get3A_315 = arith.constant 0 : index
        %get3A_316 = tpu.vector_load %arg6[%get3A_314, %get3A_315] {strides = array<i32>} : memref<125x80xi32, #tpu.memory_space<vmem>>, vector<1x16xi32>,
        %get3A_317 = vector.shape_cast %get3A_316 : vector<1x16xi32> to vector<16xi32>
        %shift_right_logical3A_318 = arith.constant 14 : i32
        %shift_right_logical3A_319 = vector.broadcast %shift_right_logical3A_318 : i32 to vector<16xi32>
        %shift_right_logical3A_320 = arith.shrui %get3A_317, %shift_right_logical3A_319 : vector<16xi32>
        %swap3A_321 = arith.constant 0 : i32
        %swap3A_322 = arith.index_cast %swap3A_321 : i32 to index
        %swap3A_323 = arith.constant 0 : index
        %swap3A_324 = tpu.vector_load %arg8[%swap3A_322, %swap3A_323] {strides = array<i32>} : memref<2x80xi32, #tpu.memory_space<vmem>>, vector<1x16xi32>,
        %swap3A_325 = vector.shape_cast %swap3A_324 : vector<1x16xi32> to vector<16xi32>
        %swap3A_326 = vector.shape_cast %shift_right_logical3A_320 : vector<16xi32> to vector<1x16xi32>
        tpu.vector_store %arg8[%swap3A_322, %swap3A_323], %swap3A_326 {strides = array<i32>} : memref<2x80xi32, #tpu.memory_space<vmem>>, vector<1x16xi32>,
        %and3A_327 = arith.constant 16383 : i32
        %and3A_328 = vector.broadcast %and3A_327 : i32 to vector<16xi32>
        %and3A_329 = arith.andi %get3A_317, %and3A_328 : vector<16xi32>
        %swap3A_330 = arith.constant 1 : i32
        %swap3A_331 = arith.index_cast %swap3A_330 : i32 to index
        %swap3A_332 = arith.constant 0 : index
        %swap3A_333 = tpu.vector_load %arg8[%swap3A_331, %swap3A_332] {strides = array<i32>} : memref<2x80xi32, #tpu.memory_space<vmem>>, vector<1x16xi32>,
        %swap3A_334 = vector.shape_cast %swap3A_333 : vector<1x16xi32> to vector<16xi32>
        %swap3A_335 = vector.shape_cast %and3A_329 : vector<16xi32> to vector<1x16xi32>
        tpu.vector_store %arg8[%swap3A_331, %swap3A_332], %swap3A_335 {strides = array<i32>} : memref<2x80xi32, #tpu.memory_space<vmem>>, vector<1x16xi32>,
        %get3A_336 = arith.index_cast %add3A_313 : i32 to index
        %get3A_337 = arith.constant 16 : index
        %get3A_338 = tpu.vector_load %arg6[%get3A_336, %get3A_337] {strides = array<i32>} : memref<125x80xi32, #tpu.memory_space<vmem>>, vector<1x16xi32>,
        %get3A_339 = vector.shape_cast %get3A_338 : vector<1x16xi32> to vector<16xi32>
        %shift_right_logical3A_340 = arith.constant 14 : i32
        %shift_right_logical3A_341 = vector.broadcast %shift_right_logical3A_340 : i32 to vector<16xi32>
        %shift_right_logical3A_342 = arith.shrui %get3A_339, %shift_right_logical3A_341 : vector<16xi32>
        %swap3A_343 = arith.constant 0 : i32
        %swap3A_344 = arith.index_cast %swap3A_343 : i32 to index
        %swap3A_345 = arith.constant 16 : index
        %swap3A_346 = tpu.vector_load %arg8[%swap3A_344, %swap3A_345] {strides = array<i32>} : memref<2x80xi32, #tpu.memory_space<vmem>>, vector<1x16xi32>,
        %swap3A_347 = vector.shape_cast %swap3A_346 : vector<1x16xi32> to vector<16xi32>
        %swap3A_348 = vector.shape_cast %shift_right_logical3A_342 : vector<16xi32> to vector<1x16xi32>
        tpu.vector_store %arg8[%swap3A_344, %swap3A_345], %swap3A_348 {strides = array<i32>} : memref<2x80xi32, #tpu.memory_space<vmem>>, vector<1x16xi32>,
        %and3A_349 = arith.constant 16383 : i32
        %and3A_350 = vector.broadcast %and3A_349 : i32 to vector<16xi32>
        %and3A_351 = arith.andi %get3A_339, %and3A_350 : vector<16xi32>
        %swap3A_352 = arith.constant 1 : i32
        %swap3A_353 = arith.index_cast %swap3A_352 : i32 to index
        %swap3A_354 = arith.constant 16 : index
        %swap3A_355 = tpu.vector_load %arg8[%swap3A_353, %swap3A_354] {strides = array<i32>} : memref<2x80xi32, #tpu.memory_space<vmem>>, vector<1x16xi32>,
        %swap3A_356 = vector.shape_cast %swap3A_355 : vector<1x16xi32> to vector<16xi32>
        %swap3A_357 = vector.shape_cast %and3A_351 : vector<16xi32> to vector<1x16xi32>
        tpu.vector_store %arg8[%swap3A_353, %swap3A_354], %swap3A_357 {strides = array<i32>} : memref<2x80xi32, #tpu.memory_space<vmem>>, vector<1x16xi32>,
        %get3A_358 = arith.index_cast %add3A_313 : i32 to index
        %get3A_359 = arith.constant 32 : index
        %get3A_360 = tpu.vector_load %arg6[%get3A_358, %get3A_359] {strides = array<i32>} : memref<125x80xi32, #tpu.memory_space<vmem>>, vector<1x16xi32>,
        %get3A_361 = vector.shape_cast %get3A_360 : vector<1x16xi32> to vector<16xi32>
        %shift_right_logical3A_362 = arith.constant 14 : i32
        %shift_right_logical3A_363 = vector.broadcast %shift_right_logical3A_362 : i32 to vector<16xi32>
        %shift_right_logical3A_364 = arith.shrui %get3A_361, %shift_right_logical3A_363 : vector<16xi32>
        %swap3A_365 = arith.constant 0 : i32
        %swap3A_366 = arith.index_cast %swap3A_365 : i32 to index
        %swap3A_367 = arith.constant 32 : index
        %swap3A_368 = tpu.vector_load %arg8[%swap3A_366, %swap3A_367] {strides = array<i32>} : memref<2x80xi32, #tpu.memory_space<vmem>>, vector<1x16xi32>,
        %swap3A_369 = vector.shape_cast %swap3A_368 : vector<1x16xi32> to vector<16xi32>
        %swap3A_370 = vector.shape_cast %shift_right_logical3A_364 : vector<16xi32> to vector<1x16xi32>
        tpu.vector_store %arg8[%swap3A_366, %swap3A_367], %swap3A_370 {strides = array<i32>} : memref<2x80xi32, #tpu.memory_space<vmem>>, vector<1x16xi32>,
        %and3A_371 = arith.constant 16383 : i32
        %and3A_372 = vector.broadcast %and3A_371 : i32 to vector<16xi32>
        %and3A_373 = arith.andi %get3A_361, %and3A_372 : vector<16xi32>
        %swap3A_374 = arith.constant 1 : i32
        %swap3A_375 = arith.index_cast %swap3A_374 : i32 to index
        %swap3A_376 = arith.constant 32 : index
        %swap3A_377 = tpu.vector_load %arg8[%swap3A_375, %swap3A_376] {strides = array<i32>} : memref<2x80xi32, #tpu.memory_space<vmem>>, vector<1x16xi32>,
        %swap3A_378 = vector.shape_cast %swap3A_377 : vector<1x16xi32> to vector<16xi32>
        %swap3A_379 = vector.shape_cast %and3A_373 : vector<16xi32> to vector<1x16xi32>
        tpu.vector_store %arg8[%swap3A_375, %swap3A_376], %swap3A_379 {strides = array<i32>} : memref<2x80xi32, #tpu.memory_space<vmem>>, vector<1x16xi32>,
        %get3A_380 = arith.index_cast %add3A_313 : i32 to index
        %get3A_381 = arith.constant 48 : index
        %get3A_382 = tpu.vector_load %arg6[%get3A_380, %get3A_381] {strides = array<i32>} : memref<125x80xi32, #tpu.memory_space<vmem>>, vector<1x16xi32>,
        %get3A_383 = vector.shape_cast %get3A_382 : vector<1x16xi32> to vector<16xi32>
        %shift_right_logical3A_384 = arith.constant 14 : i32
        %shift_right_logical3A_385 = vector.broadcast %shift_right_logical3A_384 : i32 to vector<16xi32>
        %shift_right_logical3A_386 = arith.shrui %get3A_383, %shift_right_logical3A_385 : vector<16xi32>
        %swap3A_387 = arith.constant 0 : i32
        %swap3A_388 = arith.index_cast %swap3A_387 : i32 to index
        %swap3A_389 = arith.constant 48 : index
        %swap3A_390 = tpu.vector_load %arg8[%swap3A_388, %swap3A_389] {strides = array<i32>} : memref<2x80xi32, #tpu.memory_space<vmem>>, vector<1x16xi32>,
        %swap3A_391 = vector.shape_cast %swap3A_390 : vector<1x16xi32> to vector<16xi32>
        %swap3A_392 = vector.shape_cast %shift_right_logical3A_386 : vector<16xi32> to vector<1x16xi32>
        tpu.vector_store %arg8[%swap3A_388, %swap3A_389], %swap3A_392 {strides = array<i32>} : memref<2x80xi32, #tpu.memory_space<vmem>>, vector<1x16xi32>,
        %and3A_393 = arith.constant 16383 : i32
        %and3A_394 = vector.broadcast %and3A_393 : i32 to vector<16xi32>
        %and3A_395 = arith.andi %get3A_383, %and3A_394 : vector<16xi32>
        %swap3A_396 = arith.constant 1 : i32
        %swap3A_397 = arith.index_cast %swap3A_396 : i32 to index
        %swap3A_398 = arith.constant 48 : index
        %swap3A_399 = tpu.vector_load %arg8[%swap3A_397, %swap3A_398] {strides = array<i32>} : memref<2x80xi32, #tpu.memory_space<vmem>>, vector<1x16xi32>,
        %swap3A_400 = vector.shape_cast %swap3A_399 : vector<1x16xi32> to vector<16xi32>
        %swap3A_401 = vector.shape_cast %and3A_395 : vector<16xi32> to vector<1x16xi32>
        tpu.vector_store %arg8[%swap3A_397, %swap3A_398], %swap3A_401 {strides = array<i32>} : memref<2x80xi32, #tpu.memory_space<vmem>>, vector<1x16xi32>,
        %get3A_402 = arith.index_cast %add3A_313 : i32 to index
        %get3A_403 = arith.constant 64 : index
        %get3A_404 = tpu.vector_load %arg6[%get3A_402, %get3A_403] {strides = array<i32>} : memref<125x80xi32, #tpu.memory_space<vmem>>, vector<1x16xi32>,
        %get3A_405 = vector.shape_cast %get3A_404 : vector<1x16xi32> to vector<16xi32>
        %shift_right_logical3A_406 = arith.constant 14 : i32
        %shift_right_logical3A_407 = vector.broadcast %shift_right_logical3A_406 : i32 to vector<16xi32>
        %shift_right_logical3A_408 = arith.shrui %get3A_405, %shift_right_logical3A_407 : vector<16xi32>
        %swap3A_409 = arith.constant 0 : i32
        %swap3A_410 = arith.index_cast %swap3A_409 : i32 to index
        %swap3A_411 = arith.constant 64 : index
        %swap3A_412 = tpu.vector_load %arg8[%swap3A_410, %swap3A_411] {strides = array<i32>} : memref<2x80xi32, #tpu.memory_space<vmem>>, vector<1x16xi32>,
        %swap3A_413 = vector.shape_cast %swap3A_412 : vector<1x16xi32> to vector<16xi32>
        %swap3A_414 = vector.shape_cast %shift_right_logical3A_408 : vector<16xi32> to vector<1x16xi32>
        tpu.vector_store %arg8[%swap3A_410, %swap3A_411], %swap3A_414 {strides = array<i32>} : memref<2x80xi32, #tpu.memory_space<vmem>>, vector<1x16xi32>,
        %and3A_415 = arith.constant 16383 : i32
        %and3A_416 = vector.broadcast %and3A_415 : i32 to vector<16xi32>
        %and3A_417 = arith.andi %get3A_405, %and3A_416 : vector<16xi32>
        %swap3A_418 = arith.constant 1 : i32
        %swap3A_419 = arith.index_cast %swap3A_418 : i32 to index
        %swap3A_420 = arith.constant 64 : index
        %swap3A_421 = tpu.vector_load %arg8[%swap3A_419, %swap3A_420] {strides = array<i32>} : memref<2x80xi32, #tpu.memory_space<vmem>>, vector<1x16xi32>,
        %swap3A_422 = vector.shape_cast %swap3A_421 : vector<1x16xi32> to vector<16xi32>
        %swap3A_423 = vector.shape_cast %and3A_417 : vector<16xi32> to vector<1x16xi32>
        tpu.vector_store %arg8[%swap3A_419, %swap3A_420], %swap3A_423 {strides = array<i32>} : memref<2x80xi32, #tpu.memory_space<vmem>>, vector<1x16xi32>,
        %dma_start3A_424 = arith.constant 0 : i32
        %dma_start3A_425 = arith.constant 0 : i32
        %dma_start3A_426 = tpu.memref_slice %arg8[%dma_start3A_424, %dma_start3A_425] : memref<2x80xi32, #tpu.memory_space<vmem>> -> memref<1x80xi32, #tpu.memory_space<vmem>>
        %dma_start3A_427 = tpu.memref_squeeze %dma_start3A_426 : memref<1x80xi32, #tpu.memory_space<vmem>> -> memref<80xi32, #tpu.memory_space<vmem>>
        %dma_start3A_428 = arith.constant 0 : i32
        %dma_start3A_429 = arith.constant 0 : i32
        %dma_start3A_430 = tpu.memref_slice %arg2[%dma_start3A_428, %dma_start3A_429] : memref<10112x128xf32, #tpu.memory_space<hbm>> -> memref<10112x128xf32, #tpu.memory_space<hbm>>
        tpu.enqueue_indirect_dma source(%dma_start3A_430 : memref<10112x128xf32, #tpu.memory_space<hbm>>) target(%arg10 : memref<80x128xf32, #tpu.memory_space<vmem>>) offsets(%dma_start3A_427 : memref<80xi32, #tpu.memory_space<vmem>>) semaphore(%arg13 : memref<!tpu.dma_semaphore, #tpu.memory_space<semaphore_mem>>)
      } else {
      }
      %dma_wait3A_284 = arith.constant 0 : i32
      %dma_wait3A_285 = arith.constant 0 : i32
      %dma_wait3A_286 = tpu.memref_slice %arg7[%dma_wait3A_284, %dma_wait3A_285] : memref<2x80xi32, #tpu.memory_space<vmem>> -> memref<1x80xi32, #tpu.memory_space<vmem>>
      %dma_wait3A_287 = tpu.memref_squeeze %dma_wait3A_286 : memref<1x80xi32, #tpu.memory_space<vmem>> -> memref<80xi32, #tpu.memory_space<vmem>>
      %dma_wait3A_288 = arith.constant 0 : i32
      %dma_wait3A_289 = arith.constant 0 : i32
      %dma_wait3A_290 = tpu.memref_slice %arg2[%dma_wait3A_288, %dma_wait3A_289] : memref<10112x128xf32, #tpu.memory_space<hbm>> -> memref<10112x128xf32, #tpu.memory_space<hbm>>
      tpu.wait_indirect_dma semaphore(%arg12 : memref<!tpu.dma_semaphore, #tpu.memory_space<semaphore_mem>>) src(%dma_wait3A_290 : memref<10112x128xf32, #tpu.memory_space<hbm>>) dst(%arg9 : memref<80x128xf32, #tpu.memory_space<vmem>>)
      %dma_start3A_291 = arith.constant 1 : i32
      %dma_start3A_292 = arith.constant 0 : i32
      %dma_start3A_293 = tpu.memref_slice %arg7[%dma_start3A_291, %dma_start3A_292] : memref<2x80xi32, #tpu.memory_space<vmem>> -> memref<1x80xi32, #tpu.memory_space<vmem>>
      %dma_start3A_294 = tpu.memref_squeeze %dma_start3A_293 : memref<1x80xi32, #tpu.memory_space<vmem>> -> memref<80xi32, #tpu.memory_space<vmem>>
      %dma_start3A_295 = arith.constant 0 : i32
      %dma_start3A_296 = arith.constant 0 : i32
      %dma_start3A_297 = tpu.memref_slice %arg11[%dma_start3A_295, %dma_start3A_296] : memref<10112x128xf32, #tpu.memory_space<vmem_shared>> -> memref<10112x128xf32, #tpu.memory_space<vmem_shared>>
      tpu.enqueue_indirect_dma source(%arg9 : memref<80x128xf32, #tpu.memory_space<vmem>>) target(%dma_start3A_297 : memref<10112x128xf32, #tpu.memory_space<vmem_shared>>) offsets(%dma_start3A_294 : memref<80xi32, #tpu.memory_space<vmem>>) semaphore(%arg14 : memref<!tpu.dma_semaphore, #tpu.memory_space<semaphore_mem>>) {add = true}
      %add3A_298 = arith.constant 1 : i32
      %add3A_299 = arith.addi %add3A_272, %add3A_298 : i32
      %lt3A_300 = arith.constant 125 : i32
      %lt3A_301 = arith.cmpi slt, %add3A_299, %lt3A_300 : i32
      %convert_element_type3A_302 = arith.extui %lt3A_301 : i1 to i32
      %cond3A_303 = arith.constant 0 : i32
      %cond3A_304 = arith.cmpi ne, %convert_element_type3A_302, %cond3A_303 : i32
      scf.if %cond3A_304 {
        %dma_wait3A_305 = arith.constant 0 : i32
        %dma_wait3A_306 = arith.constant 0 : i32
        %dma_wait3A_307 = tpu.memref_slice %arg8[%dma_wait3A_305, %dma_wait3A_306] : memref<2x80xi32, #tpu.memory_space<vmem>> -> memref<1x80xi32, #tpu.memory_space<vmem>>
        %dma_wait3A_308 = tpu.memref_squeeze %dma_wait3A_307 : memref<1x80xi32, #tpu.memory_space<vmem>> -> memref<80xi32, #tpu.memory_space<vmem>>
        %dma_wait3A_309 = arith.constant 0 : i32
        %dma_wait3A_310 = arith.constant 0 : i32
        %dma_wait3A_311 = tpu.memref_slice %arg2[%dma_wait3A_309, %dma_wait3A_310] : memref<10112x128xf32, #tpu.memory_space<hbm>> -> memref<10112x128xf32, #tpu.memory_space<hbm>>
        tpu.wait_indirect_dma semaphore(%arg13 : memref<!tpu.dma_semaphore, #tpu.memory_space<semaphore_mem>>) src(%dma_wait3A_311 : memref<10112x128xf32, #tpu.memory_space<hbm>>) dst(%arg10 : memref<80x128xf32, #tpu.memory_space<vmem>>)
        %dma_start3A_312 = arith.constant 1 : i32
        %dma_start3A_313 = arith.constant 0 : i32
        %dma_start3A_314 = tpu.memref_slice %arg8[%dma_start3A_312, %dma_start3A_313] : memref<2x80xi32, #tpu.memory_space<vmem>> -> memref<1x80xi32, #tpu.memory_space<vmem>>
        %dma_start3A_315 = tpu.memref_squeeze %dma_start3A_314 : memref<1x80xi32, #tpu.memory_space<vmem>> -> memref<80xi32, #tpu.memory_space<vmem>>
        %dma_start3A_316 = arith.constant 0 : i32
        %dma_start3A_317 = arith.constant 0 : i32
        %dma_start3A_318 = tpu.memref_slice %arg11[%dma_start3A_316, %dma_start3A_317] : memref<10112x128xf32, #tpu.memory_space<vmem_shared>> -> memref<10112x128xf32, #tpu.memory_space<vmem_shared>>
        tpu.enqueue_indirect_dma source(%arg10 : memref<80x128xf32, #tpu.memory_space<vmem>>) target(%dma_start3A_318 : memref<10112x128xf32, #tpu.memory_space<vmem_shared>>) offsets(%dma_start3A_315 : memref<80xi32, #tpu.memory_space<vmem>>) semaphore(%arg15 : memref<!tpu.dma_semaphore, #tpu.memory_space<semaphore_mem>>) {add = true}
      } else {
      }
    }
    %scan3A_252 = arith.constant 63 : i32
    %dma_wait3A_253 = arith.constant 1 : i32
    %dma_wait3A_254 = arith.constant 0 : i32
    %dma_wait3A_255 = tpu.memref_slice %arg7[%dma_wait3A_253, %dma_wait3A_254] : memref<2x80xi32, #tpu.memory_space<vmem>> -> memref<1x80xi32, #tpu.memory_space<vmem>>
    %dma_wait3A_256 = tpu.memref_squeeze %dma_wait3A_255 : memref<1x80xi32, #tpu.memory_space<vmem>> -> memref<80xi32, #tpu.memory_space<vmem>>
    %dma_wait3A_257 = arith.constant 0 : i32
    %dma_wait3A_258 = arith.constant 0 : i32
    %dma_wait3A_259 = tpu.memref_slice %arg11[%dma_wait3A_257, %dma_wait3A_258] : memref<10112x128xf32, #tpu.memory_space<vmem_shared>> -> memref<10112x128xf32, #tpu.memory_space<vmem_shared>>
    tpu.wait_indirect_dma semaphore(%arg14 : memref<!tpu.dma_semaphore, #tpu.memory_space<semaphore_mem>>) src(%arg9 : memref<80x128xf32, #tpu.memory_space<vmem>>) dst(%dma_wait3A_259 : memref<10112x128xf32, #tpu.memory_space<vmem_shared>>)
    %dma_wait3A_260 = arith.constant 1 : i32
    %dma_wait3A_261 = arith.constant 0 : i32
    %dma_wait3A_262 = tpu.memref_slice %arg8[%dma_wait3A_260, %dma_wait3A_261] : memref<2x80xi32, #tpu.memory_space<vmem>> -> memref<1x80xi32, #tpu.memory_space<vmem>>
    %dma_wait3A_263 = tpu.memref_squeeze %dma_wait3A_262 : memref<1x80xi32, #tpu.memory_space<vmem>> -> memref<80xi32, #tpu.memory_space<vmem>>
    %dma_wait3A_264 = arith.constant 0 : i32
    %dma_wait3A_265 = arith.constant 0 : i32
    %dma_wait3A_266 = tpu.memref_slice %arg11[%dma_wait3A_264, %dma_wait3A_265] : memref<10112x128xf32, #tpu.memory_space<vmem_shared>> -> memref<10112x128xf32, #tpu.memory_space<vmem_shared>>
    tpu.wait_indirect_dma semaphore(%arg15 : memref<!tpu.dma_semaphore, #tpu.memory_space<semaphore_mem>>) src(%arg10 : memref<80x128xf32, #tpu.memory_space<vmem>>) dst(%dma_wait3A_266 : memref<10112x128xf32, #tpu.memory_space<vmem_shared>>)
    %barrier3A_267 = arith.constant 0 : index
    tpu.barrier barrier_id(%barrier3A_267)
    "tpu.region"() ({
      %run_scoped3A = tpu.sem_alloc : memref<!tpu.dma_semaphore, #tpu.memory_space<semaphore_mem>>
      %dma_start3A_268 = arith.constant 0 : i32
      %dma_start3A_269 = tpu.memref_slice %arg5[%arg0, %mul3A_2, %dma_start3A_268] : memref<2x10112x128xf32, #tpu.memory_space<hbm>> -> memref<1x632x128xf32, #tpu.memory_space<hbm>>
      %dma_start3A_270 = tpu.memref_squeeze %dma_start3A_269 : memref<1x632x128xf32, #tpu.memory_space<hbm>> -> memref<632x128xf32, #tpu.memory_space<hbm>>
      %dma_start3A_271 = arith.constant 0 : i32
      %dma_start3A_272 = tpu.memref_slice %arg11[%mul3A_2, %dma_start3A_271] : memref<10112x128xf32, #tpu.memory_space<vmem_shared>> -> memref<632x128xf32, #tpu.memory_space<vmem_shared>>
      tpu.enqueue_dma source(%dma_start3A_272 : memref<632x128xf32, #tpu.memory_space<vmem_shared>>) target(%dma_start3A_270 : memref<632x128xf32, #tpu.memory_space<hbm>>) target_semaphore(%run_scoped3A : memref<!tpu.dma_semaphore, #tpu.memory_space<semaphore_mem>>)
      %dma_wait3A_273 = arith.constant 0 : i32
      %dma_wait3A_274 = tpu.memref_slice %arg5[%arg0, %mul3A_2, %dma_wait3A_273] : memref<2x10112x128xf32, #tpu.memory_space<hbm>> -> memref<1x632x128xf32, #tpu.memory_space<hbm>>
      %dma_wait3A_275 = tpu.memref_squeeze %dma_wait3A_274 : memref<1x632x128xf32, #tpu.memory_space<hbm>> -> memref<632x128xf32, #tpu.memory_space<hbm>>
      %dma_wait3A_276 = arith.constant 0 : i32
      %dma_wait3A_277 = tpu.memref_slice %arg11[%mul3A_2, %dma_wait3A_276] : memref<10112x128xf32, #tpu.memory_space<vmem_shared>> -> memref<632x128xf32, #tpu.memory_space<vmem_shared>>
      tpu.wait_dma2 semaphore(%run_scoped3A : memref<!tpu.dma_semaphore, #tpu.memory_space<semaphore_mem>>) src(%dma_wait3A_277 : memref<632x128xf32, #tpu.memory_space<vmem_shared>>) dst(%dma_wait3A_275 : memref<632x128xf32, #tpu.memory_space<hbm>>)
      tpu.yield
    }) : () -> ()
    return
  }
}

#map = affine_map<(d0, d1) -> (0, 0)>
#map1 = affine_map<(d0, d1) -> (0, 0, 0)>
module attributes {stable_mosaic.version = 14 : i64} {
  func.func @k(%arg0: i32, %arg1: i32, %arg2: memref<10112x128xf32, #tpu.memory_space<hbm>>, %arg3: memref<32x125x80xi32, #tpu.memory_space<hbm>>, %arg4: memref<10112x128xf32, #tpu.memory_space<hbm>>, %arg5: memref<2x10112x128xf32, #tpu.memory_space<hbm>>, %arg6: memref<125x80xi32, #tpu.memory_space<vmem>>, %arg7: memref<2x80xi32, #tpu.memory_space<vmem>>, %arg8: memref<2x80xi32, #tpu.memory_space<vmem>>, %arg9: memref<80x128xf32, #tpu.memory_space<vmem>>, %arg10: memref<80x128xf32, #tpu.memory_space<vmem>>, %arg11: memref<10112x128xf32, #tpu.memory_space<vmem_shared>>, %arg12: memref<!tpu.dma_semaphore, #tpu.memory_space<semaphore_mem>>, %arg13: memref<!tpu.dma_semaphore, #tpu.memory_space<semaphore_mem>>, %arg14: memref<!tpu.dma_semaphore, #tpu.memory_space<semaphore_mem>>, %arg15: memref<!tpu.dma_semaphore, #tpu.memory_space<semaphore_mem>>, %arg16: memref<!tpu.dma_semaphore, #tpu.memory_space<semaphore_mem>>) attributes {dimension_semantics = [#tpu.dimension_semantics<core_parallel>, #tpu.dimension_semantics<subcore_parallel>], iteration_bounds = array<i64: 2, 16>, scalar_prefetch = 0 : i64, scratch_operands = 11 : i64, tpu.core_type = #tpu.core_type<sc_vector_subcore>, window_params = [{transform_indices = #map}, {transform_indices = #map1}, {transform_indices = #map}, {transform_indices = #map1}]} {
    %mul3A = arith.constant 16 : i32
    %mul3A_0 = arith.muli %arg0, %mul3A : i32
    %add3A = arith.addi %mul3A_0, %arg1 : i32
    %mul3A_1 = arith.constant 632 : i32
    %mul3A_2 = arith.muli %arg1, %mul3A_1 : i32
    %dma_start3A = arith.constant 0 : i32
    %dma_start3A_3 = tpu.memref_slice %arg11[%mul3A_2, %dma_start3A] : memref<10112x128xf32, #tpu.memory_space<vmem_shared>> -> memref<632x128xf32, #tpu.memory_space<vmem_shared>>
    %dma_start3A_4 = arith.constant 0 : i32
    %dma_start3A_5 = tpu.memref_slice %arg4[%mul3A_2, %dma_start3A_4] : memref<10112x128xf32, #tpu.memory_space<hbm>> -> memref<632x128xf32, #tpu.memory_space<hbm>>
    tpu.enqueue_dma source(%dma_start3A_5 : memref<632x128xf32, #tpu.memory_space<hbm>>) target(%dma_start3A_3 : memref<632x128xf32, #tpu.memory_space<vmem_shared>>) target_semaphore(%arg16 : memref<!tpu.dma_semaphore, #tpu.memory_space<semaphore_mem>>)
    "tpu.region"() ({
      %run_scoped3A = tpu.sem_alloc : memref<!tpu.dma_semaphore, #tpu.memory_space<semaphore_mem>>
      %dma_start3A_268 = arith.constant 0 : i32
      %dma_start3A_269 = arith.constant 0 : i32
      %dma_start3A_270 = tpu.memref_slice %arg3[%add3A, %dma_start3A_268, %dma_start3A_269] : memref<32x125x80xi32, #tpu.memory_space<hbm>> -> memref<1x125x80xi32, #tpu.memory_space<hbm>>
      %dma_start3A_271 = tpu.memref_squeeze %dma_start3A_270 : memref<1x125x80xi32, #tpu.memory_space<hbm>> -> memref<125x80xi32, #tpu.memory_space<hbm>>
      %dma_start3A_272 = arith.constant 0 : i32
      %dma_start3A_273 = arith.constant 0 : i32
      %dma_start3A_274 = tpu.memref_slice %arg3[%add3A, %dma_start3A_272, %dma_start3A_273] : memref<32x125x80xi32, #tpu.memory_space<hbm>> -> memref<1x125x80xi32, #tpu.memory_space<hbm>>
      %dma_start3A_275 = tpu.memref_squeeze %dma_start3A_274 : memref<1x125x80xi32, #tpu.memory_space<hbm>> -> memref<125x80xi32, #tpu.memory_space<hbm>>
      tpu.enqueue_dma source(%dma_start3A_275 : memref<125x80xi32, #tpu.memory_space<hbm>>) target(%arg6 : memref<125x80xi32, #tpu.memory_space<vmem>>) target_semaphore(%run_scoped3A : memref<!tpu.dma_semaphore, #tpu.memory_space<semaphore_mem>>)
      %dma_wait3A_276 = arith.constant 0 : i32
      %dma_wait3A_277 = arith.constant 0 : i32
      %dma_wait3A_278 = tpu.memref_slice %arg3[%add3A, %dma_wait3A_276, %dma_wait3A_277] : memref<32x125x80xi32, #tpu.memory_space<hbm>> -> memref<1x125x80xi32, #tpu.memory_space<hbm>>
      %dma_wait3A_279 = tpu.memref_squeeze %dma_wait3A_278 : memref<1x125x80xi32, #tpu.memory_space<hbm>> -> memref<125x80xi32, #tpu.memory_space<hbm>>
      %dma_wait3A_280 = arith.constant 0 : i32
      %dma_wait3A_281 = arith.constant 0 : i32
      %dma_wait3A_282 = tpu.memref_slice %arg3[%add3A, %dma_wait3A_280, %dma_wait3A_281] : memref<32x125x80xi32, #tpu.memory_space<hbm>> -> memref<1x125x80xi32, #tpu.memory_space<hbm>>
      %dma_wait3A_283 = tpu.memref_squeeze %dma_wait3A_282 : memref<1x125x80xi32, #tpu.memory_space<hbm>> -> memref<125x80xi32, #tpu.memory_space<hbm>>
      tpu.wait_dma2 semaphore(%run_scoped3A : memref<!tpu.dma_semaphore, #tpu.memory_space<semaphore_mem>>) src(%dma_wait3A_283 : memref<125x80xi32, #tpu.memory_space<hbm>>) dst(%arg6 : memref<125x80xi32, #tpu.memory_space<vmem>>)
      tpu.yield
    }) : () -> ()
    %get3A = arith.constant 0 : i32
    %get3A_6 = arith.index_cast %get3A : i32 to index
    %get3A_7 = arith.constant 0 : index
    %get3A_8 = tpu.vector_load %arg6[%get3A_6, %get3A_7] {strides = array<i32>} : memref<125x80xi32, #tpu.memory_space<vmem>>, vector<1x16xi32>,
    %get3A_9 = vector.shape_cast %get3A_8 : vector<1x16xi32> to vector<16xi32>
    %shift_right_logical3A = arith.constant 14 : i32
    %shift_right_logical3A_10 = vector.broadcast %shift_right_logical3A : i32 to vector<16xi32>
    %shift_right_logical3A_11 = arith.shrui %get3A_9, %shift_right_logical3A_10 : vector<16xi32>
    %swap3A = arith.constant 0 : i32
    %swap3A_12 = arith.index_cast %swap3A : i32 to index
    %swap3A_13 = arith.constant 0 : index
    %swap3A_14 = tpu.vector_load %arg7[%swap3A_12, %swap3A_13] {strides = array<i32>} : memref<2x80xi32, #tpu.memory_space<vmem>>, vector<1x16xi32>,
    %swap3A_15 = vector.shape_cast %swap3A_14 : vector<1x16xi32> to vector<16xi32>
    %swap3A_16 = vector.shape_cast %shift_right_logical3A_11 : vector<16xi32> to vector<1x16xi32>
    tpu.vector_store %arg7[%swap3A_12, %swap3A_13], %swap3A_16 {strides = array<i32>} : memref<2x80xi32, #tpu.memory_space<vmem>>, vector<1x16xi32>,
    %and3A = arith.constant 16383 : i32
    %and3A_17 = vector.broadcast %and3A : i32 to vector<16xi32>
    %and3A_18 = arith.andi %get3A_9, %and3A_17 : vector<16xi32>
    %swap3A_19 = arith.constant 1 : i32
    %swap3A_20 = arith.index_cast %swap3A_19 : i32 to index
    %swap3A_21 = arith.constant 0 : index
    %swap3A_22 = tpu.vector_load %arg7[%swap3A_20, %swap3A_21] {strides = array<i32>} : memref<2x80xi32, #tpu.memory_space<vmem>>, vector<1x16xi32>,
    %swap3A_23 = vector.shape_cast %swap3A_22 : vector<1x16xi32> to vector<16xi32>
    %swap3A_24 = vector.shape_cast %and3A_18 : vector<16xi32> to vector<1x16xi32>
    tpu.vector_store %arg7[%swap3A_20, %swap3A_21], %swap3A_24 {strides = array<i32>} : memref<2x80xi32, #tpu.memory_space<vmem>>, vector<1x16xi32>,
    %get3A_25 = arith.constant 0 : i32
    %get3A_26 = arith.index_cast %get3A_25 : i32 to index
    %get3A_27 = arith.constant 16 : index
    %get3A_28 = tpu.vector_load %arg6[%get3A_26, %get3A_27] {strides = array<i32>} : memref<125x80xi32, #tpu.memory_space<vmem>>, vector<1x16xi32>,
    %get3A_29 = vector.shape_cast %get3A_28 : vector<1x16xi32> to vector<16xi32>
    %shift_right_logical3A_30 = arith.constant 14 : i32
    %shift_right_logical3A_31 = vector.broadcast %shift_right_logical3A_30 : i32 to vector<16xi32>
    %shift_right_logical3A_32 = arith.shrui %get3A_29, %shift_right_logical3A_31 : vector<16xi32>
    %swap3A_33 = arith.constant 0 : i32
    %swap3A_34 = arith.index_cast %swap3A_33 : i32 to index
    %swap3A_35 = arith.constant 16 : index
    %swap3A_36 = tpu.vector_load %arg7[%swap3A_34, %swap3A_35] {strides = array<i32>} : memref<2x80xi32, #tpu.memory_space<vmem>>, vector<1x16xi32>,
    %swap3A_37 = vector.shape_cast %swap3A_36 : vector<1x16xi32> to vector<16xi32>
    %swap3A_38 = vector.shape_cast %shift_right_logical3A_32 : vector<16xi32> to vector<1x16xi32>
    tpu.vector_store %arg7[%swap3A_34, %swap3A_35], %swap3A_38 {strides = array<i32>} : memref<2x80xi32, #tpu.memory_space<vmem>>, vector<1x16xi32>,
    %and3A_39 = arith.constant 16383 : i32
    %and3A_40 = vector.broadcast %and3A_39 : i32 to vector<16xi32>
    %and3A_41 = arith.andi %get3A_29, %and3A_40 : vector<16xi32>
    %swap3A_42 = arith.constant 1 : i32
    %swap3A_43 = arith.index_cast %swap3A_42 : i32 to index
    %swap3A_44 = arith.constant 16 : index
    %swap3A_45 = tpu.vector_load %arg7[%swap3A_43, %swap3A_44] {strides = array<i32>} : memref<2x80xi32, #tpu.memory_space<vmem>>, vector<1x16xi32>,
    %swap3A_46 = vector.shape_cast %swap3A_45 : vector<1x16xi32> to vector<16xi32>
    %swap3A_47 = vector.shape_cast %and3A_41 : vector<16xi32> to vector<1x16xi32>
    tpu.vector_store %arg7[%swap3A_43, %swap3A_44], %swap3A_47 {strides = array<i32>} : memref<2x80xi32, #tpu.memory_space<vmem>>, vector<1x16xi32>,
    %get3A_48 = arith.constant 0 : i32
    %get3A_49 = arith.index_cast %get3A_48 : i32 to index
    %get3A_50 = arith.constant 32 : index
    %get3A_51 = tpu.vector_load %arg6[%get3A_49, %get3A_50] {strides = array<i32>} : memref<125x80xi32, #tpu.memory_space<vmem>>, vector<1x16xi32>,
    %get3A_52 = vector.shape_cast %get3A_51 : vector<1x16xi32> to vector<16xi32>
    %shift_right_logical3A_53 = arith.constant 14 : i32
    %shift_right_logical3A_54 = vector.broadcast %shift_right_logical3A_53 : i32 to vector<16xi32>
    %shift_right_logical3A_55 = arith.shrui %get3A_52, %shift_right_logical3A_54 : vector<16xi32>
    %swap3A_56 = arith.constant 0 : i32
    %swap3A_57 = arith.index_cast %swap3A_56 : i32 to index
    %swap3A_58 = arith.constant 32 : index
    %swap3A_59 = tpu.vector_load %arg7[%swap3A_57, %swap3A_58] {strides = array<i32>} : memref<2x80xi32, #tpu.memory_space<vmem>>, vector<1x16xi32>,
    %swap3A_60 = vector.shape_cast %swap3A_59 : vector<1x16xi32> to vector<16xi32>
    %swap3A_61 = vector.shape_cast %shift_right_logical3A_55 : vector<16xi32> to vector<1x16xi32>
    tpu.vector_store %arg7[%swap3A_57, %swap3A_58], %swap3A_61 {strides = array<i32>} : memref<2x80xi32, #tpu.memory_space<vmem>>, vector<1x16xi32>,
    %and3A_62 = arith.constant 16383 : i32
    %and3A_63 = vector.broadcast %and3A_62 : i32 to vector<16xi32>
    %and3A_64 = arith.andi %get3A_52, %and3A_63 : vector<16xi32>
    %swap3A_65 = arith.constant 1 : i32
    %swap3A_66 = arith.index_cast %swap3A_65 : i32 to index
    %swap3A_67 = arith.constant 32 : index
    %swap3A_68 = tpu.vector_load %arg7[%swap3A_66, %swap3A_67] {strides = array<i32>} : memref<2x80xi32, #tpu.memory_space<vmem>>, vector<1x16xi32>,
    %swap3A_69 = vector.shape_cast %swap3A_68 : vector<1x16xi32> to vector<16xi32>
    %swap3A_70 = vector.shape_cast %and3A_64 : vector<16xi32> to vector<1x16xi32>
    tpu.vector_store %arg7[%swap3A_66, %swap3A_67], %swap3A_70 {strides = array<i32>} : memref<2x80xi32, #tpu.memory_space<vmem>>, vector<1x16xi32>,
    %get3A_71 = arith.constant 0 : i32
    %get3A_72 = arith.index_cast %get3A_71 : i32 to index
    %get3A_73 = arith.constant 48 : index
    %get3A_74 = tpu.vector_load %arg6[%get3A_72, %get3A_73] {strides = array<i32>} : memref<125x80xi32, #tpu.memory_space<vmem>>, vector<1x16xi32>,
    %get3A_75 = vector.shape_cast %get3A_74 : vector<1x16xi32> to vector<16xi32>
    %shift_right_logical3A_76 = arith.constant 14 : i32
    %shift_right_logical3A_77 = vector.broadcast %shift_right_logical3A_76 : i32 to vector<16xi32>
    %shift_right_logical3A_78 = arith.shrui %get3A_75, %shift_right_logical3A_77 : vector<16xi32>
    %swap3A_79 = arith.constant 0 : i32
    %swap3A_80 = arith.index_cast %swap3A_79 : i32 to index
    %swap3A_81 = arith.constant 48 : index
    %swap3A_82 = tpu.vector_load %arg7[%swap3A_80, %swap3A_81] {strides = array<i32>} : memref<2x80xi32, #tpu.memory_space<vmem>>, vector<1x16xi32>,
    %swap3A_83 = vector.shape_cast %swap3A_82 : vector<1x16xi32> to vector<16xi32>
    %swap3A_84 = vector.shape_cast %shift_right_logical3A_78 : vector<16xi32> to vector<1x16xi32>
    tpu.vector_store %arg7[%swap3A_80, %swap3A_81], %swap3A_84 {strides = array<i32>} : memref<2x80xi32, #tpu.memory_space<vmem>>, vector<1x16xi32>,
    %and3A_85 = arith.constant 16383 : i32
    %and3A_86 = vector.broadcast %and3A_85 : i32 to vector<16xi32>
    %and3A_87 = arith.andi %get3A_75, %and3A_86 : vector<16xi32>
    %swap3A_88 = arith.constant 1 : i32
    %swap3A_89 = arith.index_cast %swap3A_88 : i32 to index
    %swap3A_90 = arith.constant 48 : index
    %swap3A_91 = tpu.vector_load %arg7[%swap3A_89, %swap3A_90] {strides = array<i32>} : memref<2x80xi32, #tpu.memory_space<vmem>>, vector<1x16xi32>,
    %swap3A_92 = vector.shape_cast %swap3A_91 : vector<1x16xi32> to vector<16xi32>
    %swap3A_93 = vector.shape_cast %and3A_87 : vector<16xi32> to vector<1x16xi32>
    tpu.vector_store %arg7[%swap3A_89, %swap3A_90], %swap3A_93 {strides = array<i32>} : memref<2x80xi32, #tpu.memory_space<vmem>>, vector<1x16xi32>,
    %get3A_94 = arith.constant 0 : i32
    %get3A_95 = arith.index_cast %get3A_94 : i32 to index
    %get3A_96 = arith.constant 64 : index
    %get3A_97 = tpu.vector_load %arg6[%get3A_95, %get3A_96] {strides = array<i32>} : memref<125x80xi32, #tpu.memory_space<vmem>>, vector<1x16xi32>,
    %get3A_98 = vector.shape_cast %get3A_97 : vector<1x16xi32> to vector<16xi32>
    %shift_right_logical3A_99 = arith.constant 14 : i32
    %shift_right_logical3A_100 = vector.broadcast %shift_right_logical3A_99 : i32 to vector<16xi32>
    %shift_right_logical3A_101 = arith.shrui %get3A_98, %shift_right_logical3A_100 : vector<16xi32>
    %swap3A_102 = arith.constant 0 : i32
    %swap3A_103 = arith.index_cast %swap3A_102 : i32 to index
    %swap3A_104 = arith.constant 64 : index
    %swap3A_105 = tpu.vector_load %arg7[%swap3A_103, %swap3A_104] {strides = array<i32>} : memref<2x80xi32, #tpu.memory_space<vmem>>, vector<1x16xi32>,
    %swap3A_106 = vector.shape_cast %swap3A_105 : vector<1x16xi32> to vector<16xi32>
    %swap3A_107 = vector.shape_cast %shift_right_logical3A_101 : vector<16xi32> to vector<1x16xi32>
    tpu.vector_store %arg7[%swap3A_103, %swap3A_104], %swap3A_107 {strides = array<i32>} : memref<2x80xi32, #tpu.memory_space<vmem>>, vector<1x16xi32>,
    %and3A_108 = arith.constant 16383 : i32
    %and3A_109 = vector.broadcast %and3A_108 : i32 to vector<16xi32>
    %and3A_110 = arith.andi %get3A_98, %and3A_109 : vector<16xi32>
    %swap3A_111 = arith.constant 1 : i32
    %swap3A_112 = arith.index_cast %swap3A_111 : i32 to index
    %swap3A_113 = arith.constant 64 : index
    %swap3A_114 = tpu.vector_load %arg7[%swap3A_112, %swap3A_113] {strides = array<i32>} : memref<2x80xi32, #tpu.memory_space<vmem>>, vector<1x16xi32>,
    %swap3A_115 = vector.shape_cast %swap3A_114 : vector<1x16xi32> to vector<16xi32>
    %swap3A_116 = vector.shape_cast %and3A_110 : vector<16xi32> to vector<1x16xi32>
    tpu.vector_store %arg7[%swap3A_112, %swap3A_113], %swap3A_116 {strides = array<i32>} : memref<2x80xi32, #tpu.memory_space<vmem>>, vector<1x16xi32>,
    %dma_start3A_117 = arith.constant 0 : i32
    %dma_start3A_118 = arith.constant 0 : i32
    %dma_start3A_119 = tpu.memref_slice %arg7[%dma_start3A_117, %dma_start3A_118] : memref<2x80xi32, #tpu.memory_space<vmem>> -> memref<1x80xi32, #tpu.memory_space<vmem>>
    %dma_start3A_120 = tpu.memref_squeeze %dma_start3A_119 : memref<1x80xi32, #tpu.memory_space<vmem>> -> memref<80xi32, #tpu.memory_space<vmem>>
    %dma_start3A_121 = arith.constant 0 : i32
    %dma_start3A_122 = arith.constant 0 : i32
    %dma_start3A_123 = tpu.memref_slice %arg2[%dma_start3A_121, %dma_start3A_122] : memref<10112x128xf32, #tpu.memory_space<hbm>> -> memref<10112x128xf32, #tpu.memory_space<hbm>>
    tpu.enqueue_indirect_dma source(%dma_start3A_123 : memref<10112x128xf32, #tpu.memory_space<hbm>>) target(%arg9 : memref<80x128xf32, #tpu.memory_space<vmem>>) offsets(%dma_start3A_120 : memref<80xi32, #tpu.memory_space<vmem>>) semaphore(%arg12 : memref<!tpu.dma_semaphore, #tpu.memory_space<semaphore_mem>>)
    %get3A_124 = arith.constant 1 : i32
    %get3A_125 = arith.index_cast %get3A_124 : i32 to index
    %get3A_126 = arith.constant 0 : index
    %get3A_127 = tpu.vector_load %arg6[%get3A_125, %get3A_126] {strides = array<i32>} : memref<125x80xi32, #tpu.memory_space<vmem>>, vector<1x16xi32>,
    %get3A_128 = vector.shape_cast %get3A_127 : vector<1x16xi32> to vector<16xi32>
    %shift_right_logical3A_129 = arith.constant 14 : i32
    %shift_right_logical3A_130 = vector.broadcast %shift_right_logical3A_129 : i32 to vector<16xi32>
    %shift_right_logical3A_131 = arith.shrui %get3A_128, %shift_right_logical3A_130 : vector<16xi32>
    %swap3A_132 = arith.constant 0 : i32
    %swap3A_133 = arith.index_cast %swap3A_132 : i32 to index
    %swap3A_134 = arith.constant 0 : index
    %swap3A_135 = tpu.vector_load %arg8[%swap3A_133, %swap3A_134] {strides = array<i32>} : memref<2x80xi32, #tpu.memory_space<vmem>>, vector<1x16xi32>,
    %swap3A_136 = vector.shape_cast %swap3A_135 : vector<1x16xi32> to vector<16xi32>
    %swap3A_137 = vector.shape_cast %shift_right_logical3A_131 : vector<16xi32> to vector<1x16xi32>
    tpu.vector_store %arg8[%swap3A_133, %swap3A_134], %swap3A_137 {strides = array<i32>} : memref<2x80xi32, #tpu.memory_space<vmem>>, vector<1x16xi32>,
    %and3A_138 = arith.constant 16383 : i32
    %and3A_139 = vector.broadcast %and3A_138 : i32 to vector<16xi32>
    %and3A_140 = arith.andi %get3A_128, %and3A_139 : vector<16xi32>
    %swap3A_141 = arith.constant 1 : i32
    %swap3A_142 = arith.index_cast %swap3A_141 : i32 to index
    %swap3A_143 = arith.constant 0 : index
    %swap3A_144 = tpu.vector_load %arg8[%swap3A_142, %swap3A_143] {strides = array<i32>} : memref<2x80xi32, #tpu.memory_space<vmem>>, vector<1x16xi32>,
    %swap3A_145 = vector.shape_cast %swap3A_144 : vector<1x16xi32> to vector<16xi32>
    %swap3A_146 = vector.shape_cast %and3A_140 : vector<16xi32> to vector<1x16xi32>
    tpu.vector_store %arg8[%swap3A_142, %swap3A_143], %swap3A_146 {strides = array<i32>} : memref<2x80xi32, #tpu.memory_space<vmem>>, vector<1x16xi32>,
    %get3A_147 = arith.constant 1 : i32
    %get3A_148 = arith.index_cast %get3A_147 : i32 to index
    %get3A_149 = arith.constant 16 : index
    %get3A_150 = tpu.vector_load %arg6[%get3A_148, %get3A_149] {strides = array<i32>} : memref<125x80xi32, #tpu.memory_space<vmem>>, vector<1x16xi32>,
    %get3A_151 = vector.shape_cast %get3A_150 : vector<1x16xi32> to vector<16xi32>
    %shift_right_logical3A_152 = arith.constant 14 : i32
    %shift_right_logical3A_153 = vector.broadcast %shift_right_logical3A_152 : i32 to vector<16xi32>
    %shift_right_logical3A_154 = arith.shrui %get3A_151, %shift_right_logical3A_153 : vector<16xi32>
    %swap3A_155 = arith.constant 0 : i32
    %swap3A_156 = arith.index_cast %swap3A_155 : i32 to index
    %swap3A_157 = arith.constant 16 : index
    %swap3A_158 = tpu.vector_load %arg8[%swap3A_156, %swap3A_157] {strides = array<i32>} : memref<2x80xi32, #tpu.memory_space<vmem>>, vector<1x16xi32>,
    %swap3A_159 = vector.shape_cast %swap3A_158 : vector<1x16xi32> to vector<16xi32>
    %swap3A_160 = vector.shape_cast %shift_right_logical3A_154 : vector<16xi32> to vector<1x16xi32>
    tpu.vector_store %arg8[%swap3A_156, %swap3A_157], %swap3A_160 {strides = array<i32>} : memref<2x80xi32, #tpu.memory_space<vmem>>, vector<1x16xi32>,
    %and3A_161 = arith.constant 16383 : i32
    %and3A_162 = vector.broadcast %and3A_161 : i32 to vector<16xi32>
    %and3A_163 = arith.andi %get3A_151, %and3A_162 : vector<16xi32>
    %swap3A_164 = arith.constant 1 : i32
    %swap3A_165 = arith.index_cast %swap3A_164 : i32 to index
    %swap3A_166 = arith.constant 16 : index
    %swap3A_167 = tpu.vector_load %arg8[%swap3A_165, %swap3A_166] {strides = array<i32>} : memref<2x80xi32, #tpu.memory_space<vmem>>, vector<1x16xi32>,
    %swap3A_168 = vector.shape_cast %swap3A_167 : vector<1x16xi32> to vector<16xi32>
    %swap3A_169 = vector.shape_cast %and3A_163 : vector<16xi32> to vector<1x16xi32>
    tpu.vector_store %arg8[%swap3A_165, %swap3A_166], %swap3A_169 {strides = array<i32>} : memref<2x80xi32, #tpu.memory_space<vmem>>, vector<1x16xi32>,
    %get3A_170 = arith.constant 1 : i32
    %get3A_171 = arith.index_cast %get3A_170 : i32 to index
    %get3A_172 = arith.constant 32 : index
    %get3A_173 = tpu.vector_load %arg6[%get3A_171, %get3A_172] {strides = array<i32>} : memref<125x80xi32, #tpu.memory_space<vmem>>, vector<1x16xi32>,
    %get3A_174 = vector.shape_cast %get3A_173 : vector<1x16xi32> to vector<16xi32>
    %shift_right_logical3A_175 = arith.constant 14 : i32
    %shift_right_logical3A_176 = vector.broadcast %shift_right_logical3A_175 : i32 to vector<16xi32>
    %shift_right_logical3A_177 = arith.shrui %get3A_174, %shift_right_logical3A_176 : vector<16xi32>
    %swap3A_178 = arith.constant 0 : i32
    %swap3A_179 = arith.index_cast %swap3A_178 : i32 to index
    %swap3A_180 = arith.constant 32 : index
    %swap3A_181 = tpu.vector_load %arg8[%swap3A_179, %swap3A_180] {strides = array<i32>} : memref<2x80xi32, #tpu.memory_space<vmem>>, vector<1x16xi32>,
    %swap3A_182 = vector.shape_cast %swap3A_181 : vector<1x16xi32> to vector<16xi32>
    %swap3A_183 = vector.shape_cast %shift_right_logical3A_177 : vector<16xi32> to vector<1x16xi32>
    tpu.vector_store %arg8[%swap3A_179, %swap3A_180], %swap3A_183 {strides = array<i32>} : memref<2x80xi32, #tpu.memory_space<vmem>>, vector<1x16xi32>,
    %and3A_184 = arith.constant 16383 : i32
    %and3A_185 = vector.broadcast %and3A_184 : i32 to vector<16xi32>
    %and3A_186 = arith.andi %get3A_174, %and3A_185 : vector<16xi32>
    %swap3A_187 = arith.constant 1 : i32
    %swap3A_188 = arith.index_cast %swap3A_187 : i32 to index
    %swap3A_189 = arith.constant 32 : index
    %swap3A_190 = tpu.vector_load %arg8[%swap3A_188, %swap3A_189] {strides = array<i32>} : memref<2x80xi32, #tpu.memory_space<vmem>>, vector<1x16xi32>,
    %swap3A_191 = vector.shape_cast %swap3A_190 : vector<1x16xi32> to vector<16xi32>
    %swap3A_192 = vector.shape_cast %and3A_186 : vector<16xi32> to vector<1x16xi32>
    tpu.vector_store %arg8[%swap3A_188, %swap3A_189], %swap3A_192 {strides = array<i32>} : memref<2x80xi32, #tpu.memory_space<vmem>>, vector<1x16xi32>,
    %get3A_193 = arith.constant 1 : i32
    %get3A_194 = arith.index_cast %get3A_193 : i32 to index
    %get3A_195 = arith.constant 48 : index
    %get3A_196 = tpu.vector_load %arg6[%get3A_194, %get3A_195] {strides = array<i32>} : memref<125x80xi32, #tpu.memory_space<vmem>>, vector<1x16xi32>,
    %get3A_197 = vector.shape_cast %get3A_196 : vector<1x16xi32> to vector<16xi32>
    %shift_right_logical3A_198 = arith.constant 14 : i32
    %shift_right_logical3A_199 = vector.broadcast %shift_right_logical3A_198 : i32 to vector<16xi32>
    %shift_right_logical3A_200 = arith.shrui %get3A_197, %shift_right_logical3A_199 : vector<16xi32>
    %swap3A_201 = arith.constant 0 : i32
    %swap3A_202 = arith.index_cast %swap3A_201 : i32 to index
    %swap3A_203 = arith.constant 48 : index
    %swap3A_204 = tpu.vector_load %arg8[%swap3A_202, %swap3A_203] {strides = array<i32>} : memref<2x80xi32, #tpu.memory_space<vmem>>, vector<1x16xi32>,
    %swap3A_205 = vector.shape_cast %swap3A_204 : vector<1x16xi32> to vector<16xi32>
    %swap3A_206 = vector.shape_cast %shift_right_logical3A_200 : vector<16xi32> to vector<1x16xi32>
    tpu.vector_store %arg8[%swap3A_202, %swap3A_203], %swap3A_206 {strides = array<i32>} : memref<2x80xi32, #tpu.memory_space<vmem>>, vector<1x16xi32>,
    %and3A_207 = arith.constant 16383 : i32
    %and3A_208 = vector.broadcast %and3A_207 : i32 to vector<16xi32>
    %and3A_209 = arith.andi %get3A_197, %and3A_208 : vector<16xi32>
    %swap3A_210 = arith.constant 1 : i32
    %swap3A_211 = arith.index_cast %swap3A_210 : i32 to index
    %swap3A_212 = arith.constant 48 : index
    %swap3A_213 = tpu.vector_load %arg8[%swap3A_211, %swap3A_212] {strides = array<i32>} : memref<2x80xi32, #tpu.memory_space<vmem>>, vector<1x16xi32>,
    %swap3A_214 = vector.shape_cast %swap3A_213 : vector<1x16xi32> to vector<16xi32>
    %swap3A_215 = vector.shape_cast %and3A_209 : vector<16xi32> to vector<1x16xi32>
    tpu.vector_store %arg8[%swap3A_211, %swap3A_212], %swap3A_215 {strides = array<i32>} : memref<2x80xi32, #tpu.memory_space<vmem>>, vector<1x16xi32>,
    %get3A_216 = arith.constant 1 : i32
    %get3A_217 = arith.index_cast %get3A_216 : i32 to index
    %get3A_218 = arith.constant 64 : index
    %get3A_219 = tpu.vector_load %arg6[%get3A_217, %get3A_218] {strides = array<i32>} : memref<125x80xi32, #tpu.memory_space<vmem>>, vector<1x16xi32>,
    %get3A_220 = vector.shape_cast %get3A_219 : vector<1x16xi32> to vector<16xi32>
    %shift_right_logical3A_221 = arith.constant 14 : i32
    %shift_right_logical3A_222 = vector.broadcast %shift_right_logical3A_221 : i32 to vector<16xi32>
    %shift_right_logical3A_223 = arith.shrui %get3A_220, %shift_right_logical3A_222 : vector<16xi32>
    %swap3A_224 = arith.constant 0 : i32
    %swap3A_225 = arith.index_cast %swap3A_224 : i32 to index
    %swap3A_226 = arith.constant 64 : index
    %swap3A_227 = tpu.vector_load %arg8[%swap3A_225, %swap3A_226] {strides = array<i32>} : memref<2x80xi32, #tpu.memory_space<vmem>>, vector<1x16xi32>,
    %swap3A_228 = vector.shape_cast %swap3A_227 : vector<1x16xi32> to vector<16xi32>
    %swap3A_229 = vector.shape_cast %shift_right_logical3A_223 : vector<16xi32> to vector<1x16xi32>
    tpu.vector_store %arg8[%swap3A_225, %swap3A_226], %swap3A_229 {strides = array<i32>} : memref<2x80xi32, #tpu.memory_space<vmem>>, vector<1x16xi32>,
    %and3A_230 = arith.constant 16383 : i32
    %and3A_231 = vector.broadcast %and3A_230 : i32 to vector<16xi32>
    %and3A_232 = arith.andi %get3A_220, %and3A_231 : vector<16xi32>
    %swap3A_233 = arith.constant 1 : i32
    %swap3A_234 = arith.index_cast %swap3A_233 : i32 to index
    %swap3A_235 = arith.constant 64 : index
    %swap3A_236 = tpu.vector_load %arg8[%swap3A_234, %swap3A_235] {strides = array<i32>} : memref<2x80xi32, #tpu.memory_space<vmem>>, vector<1x16xi32>,
    %swap3A_237 = vector.shape_cast %swap3A_236 : vector<1x16xi32> to vector<16xi32>
    %swap3A_238 = vector.shape_cast %and3A_232 : vector<16xi32> to vector<1x16xi32>
    tpu.vector_store %arg8[%swap3A_234, %swap3A_235], %swap3A_238 {strides = array<i32>} : memref<2x80xi32, #tpu.memory_space<vmem>>, vector<1x16xi32>,
    %dma_start3A_239 = arith.constant 0 : i32
    %dma_start3A_240 = arith.constant 0 : i32
    %dma_start3A_241 = tpu.memref_slice %arg8[%dma_start3A_239, %dma_start3A_240] : memref<2x80xi32, #tpu.memory_space<vmem>> -> memref<1x80xi32, #tpu.memory_space<vmem>>
    %dma_start3A_242 = tpu.memref_squeeze %dma_start3A_241 : memref<1x80xi32, #tpu.memory_space<vmem>> -> memref<80xi32, #tpu.memory_space<vmem>>
    %dma_start3A_243 = arith.constant 0 : i32
    %dma_start3A_244 = arith.constant 0 : i32
    %dma_start3A_245 = tpu.memref_slice %arg2[%dma_start3A_243, %dma_start3A_244] : memref<10112x128xf32, #tpu.memory_space<hbm>> -> memref<10112x128xf32, #tpu.memory_space<hbm>>
    tpu.enqueue_indirect_dma source(%dma_start3A_245 : memref<10112x128xf32, #tpu.memory_space<hbm>>) target(%arg10 : memref<80x128xf32, #tpu.memory_space<vmem>>) offsets(%dma_start3A_242 : memref<80xi32, #tpu.memory_space<vmem>>) semaphore(%arg13 : memref<!tpu.dma_semaphore, #tpu.memory_space<semaphore_mem>>)
    %dma_wait3A = arith.constant 0 : i32
    %dma_wait3A_246 = tpu.memref_slice %arg11[%mul3A_2, %dma_wait3A] : memref<10112x128xf32, #tpu.memory_space<vmem_shared>> -> memref<632x128xf32, #tpu.memory_space<vmem_shared>>
    %dma_wait3A_247 = arith.constant 0 : i32
    %dma_wait3A_248 = tpu.memref_slice %arg4[%mul3A_2, %dma_wait3A_247] : memref<10112x128xf32, #tpu.memory_space<hbm>> -> memref<632x128xf32, #tpu.memory_space<hbm>>
    tpu.wait_dma2 semaphore(%arg16 : memref<!tpu.dma_semaphore, #tpu.memory_space<semaphore_mem>>) src(%dma_wait3A_248 : memref<632x128xf32, #tpu.memory_space<hbm>>) dst(%dma_wait3A_246 : memref<632x128xf32, #tpu.memory_space<vmem_shared>>)
    %barrier3A = arith.constant 0 : index
    tpu.barrier barrier_id(%barrier3A)
    %scan3A = arith.constant 0 : i32
    %scan3A_249 = arith.constant 63 : i32
    %scan3A_250 = arith.addi %scan3A, %scan3A_249 : i32
    %scan3A_251 = arith.constant 1 : i32
    scf.for %scan3A_268 = %scan3A to %scan3A_250 step %scan3A_251  : i32 {
      %mul3A_269 = arith.constant 2 : i32
      %mul3A_270 = arith.muli %scan3A_268, %mul3A_269 : i32
      %add3A_271 = arith.constant 0 : i32
      %add3A_272 = arith.addi %add3A_271, %mul3A_270 : i32
      %gt3A = arith.constant 0 : i32
      %gt3A_273 = arith.cmpi sgt, %add3A_272, %gt3A : i32
      %convert_element_type3A = arith.extui %gt3A_273 : i1 to i32
      %cond3A = arith.constant 0 : i32
      %cond3A_274 = arith.cmpi ne, %convert_element_type3A, %cond3A : i32
      scf.if %cond3A_274 {
        %dma_wait3A_305 = arith.constant 1 : i32
        %dma_wait3A_306 = arith.constant 0 : i32
        %dma_wait3A_307 = tpu.memref_slice %arg7[%dma_wait3A_305, %dma_wait3A_306] : memref<2x80xi32, #tpu.memory_space<vmem>> -> memref<1x80xi32, #tpu.memory_space<vmem>>
        %dma_wait3A_308 = tpu.memref_squeeze %dma_wait3A_307 : memref<1x80xi32, #tpu.memory_space<vmem>> -> memref<80xi32, #tpu.memory_space<vmem>>
        %dma_wait3A_309 = arith.constant 0 : i32
        %dma_wait3A_310 = arith.constant 0 : i32
        %dma_wait3A_311 = tpu.memref_slice %arg11[%dma_wait3A_309, %dma_wait3A_310] : memref<10112x128xf32, #tpu.memory_space<vmem_shared>> -> memref<10112x128xf32, #tpu.memory_space<vmem_shared>>
        tpu.wait_indirect_dma semaphore(%arg14 : memref<!tpu.dma_semaphore, #tpu.memory_space<semaphore_mem>>) src(%arg9 : memref<80x128xf32, #tpu.memory_space<vmem>>) dst(%dma_wait3A_311 : memref<10112x128xf32, #tpu.memory_space<vmem_shared>>)
        %get3A_312 = arith.index_cast %add3A_272 : i32 to index
        %get3A_313 = arith.constant 0 : index
        %get3A_314 = tpu.vector_load %arg6[%get3A_312, %get3A_313] {strides = array<i32>} : memref<125x80xi32, #tpu.memory_space<vmem>>, vector<1x16xi32>,
        %get3A_315 = vector.shape_cast %get3A_314 : vector<1x16xi32> to vector<16xi32>
        %shift_right_logical3A_316 = arith.constant 14 : i32
        %shift_right_logical3A_317 = vector.broadcast %shift_right_logical3A_316 : i32 to vector<16xi32>
        %shift_right_logical3A_318 = arith.shrui %get3A_315, %shift_right_logical3A_317 : vector<16xi32>
        %swap3A_319 = arith.constant 0 : i32
        %swap3A_320 = arith.index_cast %swap3A_319 : i32 to index
        %swap3A_321 = arith.constant 0 : index
        %swap3A_322 = tpu.vector_load %arg7[%swap3A_320, %swap3A_321] {strides = array<i32>} : memref<2x80xi32, #tpu.memory_space<vmem>>, vector<1x16xi32>,
        %swap3A_323 = vector.shape_cast %swap3A_322 : vector<1x16xi32> to vector<16xi32>
        %swap3A_324 = vector.shape_cast %shift_right_logical3A_318 : vector<16xi32> to vector<1x16xi32>
        tpu.vector_store %arg7[%swap3A_320, %swap3A_321], %swap3A_324 {strides = array<i32>} : memref<2x80xi32, #tpu.memory_space<vmem>>, vector<1x16xi32>,
        %and3A_325 = arith.constant 16383 : i32
        %and3A_326 = vector.broadcast %and3A_325 : i32 to vector<16xi32>
        %and3A_327 = arith.andi %get3A_315, %and3A_326 : vector<16xi32>
        %swap3A_328 = arith.constant 1 : i32
        %swap3A_329 = arith.index_cast %swap3A_328 : i32 to index
        %swap3A_330 = arith.constant 0 : index
        %swap3A_331 = tpu.vector_load %arg7[%swap3A_329, %swap3A_330] {strides = array<i32>} : memref<2x80xi32, #tpu.memory_space<vmem>>, vector<1x16xi32>,
        %swap3A_332 = vector.shape_cast %swap3A_331 : vector<1x16xi32> to vector<16xi32>
        %swap3A_333 = vector.shape_cast %and3A_327 : vector<16xi32> to vector<1x16xi32>
        tpu.vector_store %arg7[%swap3A_329, %swap3A_330], %swap3A_333 {strides = array<i32>} : memref<2x80xi32, #tpu.memory_space<vmem>>, vector<1x16xi32>,
        %get3A_334 = arith.index_cast %add3A_272 : i32 to index
        %get3A_335 = arith.constant 16 : index
        %get3A_336 = tpu.vector_load %arg6[%get3A_334, %get3A_335] {strides = array<i32>} : memref<125x80xi32, #tpu.memory_space<vmem>>, vector<1x16xi32>,
        %get3A_337 = vector.shape_cast %get3A_336 : vector<1x16xi32> to vector<16xi32>
        %shift_right_logical3A_338 = arith.constant 14 : i32
        %shift_right_logical3A_339 = vector.broadcast %shift_right_logical3A_338 : i32 to vector<16xi32>
        %shift_right_logical3A_340 = arith.shrui %get3A_337, %shift_right_logical3A_339 : vector<16xi32>
        %swap3A_341 = arith.constant 0 : i32
        %swap3A_342 = arith.index_cast %swap3A_341 : i32 to index
        %swap3A_343 = arith.constant 16 : index
        %swap3A_344 = tpu.vector_load %arg7[%swap3A_342, %swap3A_343] {strides = array<i32>} : memref<2x80xi32, #tpu.memory_space<vmem>>, vector<1x16xi32>,
        %swap3A_345 = vector.shape_cast %swap3A_344 : vector<1x16xi32> to vector<16xi32>
        %swap3A_346 = vector.shape_cast %shift_right_logical3A_340 : vector<16xi32> to vector<1x16xi32>
        tpu.vector_store %arg7[%swap3A_342, %swap3A_343], %swap3A_346 {strides = array<i32>} : memref<2x80xi32, #tpu.memory_space<vmem>>, vector<1x16xi32>,
        %and3A_347 = arith.constant 16383 : i32
        %and3A_348 = vector.broadcast %and3A_347 : i32 to vector<16xi32>
        %and3A_349 = arith.andi %get3A_337, %and3A_348 : vector<16xi32>
        %swap3A_350 = arith.constant 1 : i32
        %swap3A_351 = arith.index_cast %swap3A_350 : i32 to index
        %swap3A_352 = arith.constant 16 : index
        %swap3A_353 = tpu.vector_load %arg7[%swap3A_351, %swap3A_352] {strides = array<i32>} : memref<2x80xi32, #tpu.memory_space<vmem>>, vector<1x16xi32>,
        %swap3A_354 = vector.shape_cast %swap3A_353 : vector<1x16xi32> to vector<16xi32>
        %swap3A_355 = vector.shape_cast %and3A_349 : vector<16xi32> to vector<1x16xi32>
        tpu.vector_store %arg7[%swap3A_351, %swap3A_352], %swap3A_355 {strides = array<i32>} : memref<2x80xi32, #tpu.memory_space<vmem>>, vector<1x16xi32>,
        %get3A_356 = arith.index_cast %add3A_272 : i32 to index
        %get3A_357 = arith.constant 32 : index
        %get3A_358 = tpu.vector_load %arg6[%get3A_356, %get3A_357] {strides = array<i32>} : memref<125x80xi32, #tpu.memory_space<vmem>>, vector<1x16xi32>,
        %get3A_359 = vector.shape_cast %get3A_358 : vector<1x16xi32> to vector<16xi32>
        %shift_right_logical3A_360 = arith.constant 14 : i32
        %shift_right_logical3A_361 = vector.broadcast %shift_right_logical3A_360 : i32 to vector<16xi32>
        %shift_right_logical3A_362 = arith.shrui %get3A_359, %shift_right_logical3A_361 : vector<16xi32>
        %swap3A_363 = arith.constant 0 : i32
        %swap3A_364 = arith.index_cast %swap3A_363 : i32 to index
        %swap3A_365 = arith.constant 32 : index
        %swap3A_366 = tpu.vector_load %arg7[%swap3A_364, %swap3A_365] {strides = array<i32>} : memref<2x80xi32, #tpu.memory_space<vmem>>, vector<1x16xi32>,
        %swap3A_367 = vector.shape_cast %swap3A_366 : vector<1x16xi32> to vector<16xi32>
        %swap3A_368 = vector.shape_cast %shift_right_logical3A_362 : vector<16xi32> to vector<1x16xi32>
        tpu.vector_store %arg7[%swap3A_364, %swap3A_365], %swap3A_368 {strides = array<i32>} : memref<2x80xi32, #tpu.memory_space<vmem>>, vector<1x16xi32>,
        %and3A_369 = arith.constant 16383 : i32
        %and3A_370 = vector.broadcast %and3A_369 : i32 to vector<16xi32>
        %and3A_371 = arith.andi %get3A_359, %and3A_370 : vector<16xi32>
        %swap3A_372 = arith.constant 1 : i32
        %swap3A_373 = arith.index_cast %swap3A_372 : i32 to index
        %swap3A_374 = arith.constant 32 : index
        %swap3A_375 = tpu.vector_load %arg7[%swap3A_373, %swap3A_374] {strides = array<i32>} : memref<2x80xi32, #tpu.memory_space<vmem>>, vector<1x16xi32>,
        %swap3A_376 = vector.shape_cast %swap3A_375 : vector<1x16xi32> to vector<16xi32>
        %swap3A_377 = vector.shape_cast %and3A_371 : vector<16xi32> to vector<1x16xi32>
        tpu.vector_store %arg7[%swap3A_373, %swap3A_374], %swap3A_377 {strides = array<i32>} : memref<2x80xi32, #tpu.memory_space<vmem>>, vector<1x16xi32>,
        %get3A_378 = arith.index_cast %add3A_272 : i32 to index
        %get3A_379 = arith.constant 48 : index
        %get3A_380 = tpu.vector_load %arg6[%get3A_378, %get3A_379] {strides = array<i32>} : memref<125x80xi32, #tpu.memory_space<vmem>>, vector<1x16xi32>,
        %get3A_381 = vector.shape_cast %get3A_380 : vector<1x16xi32> to vector<16xi32>
        %shift_right_logical3A_382 = arith.constant 14 : i32
        %shift_right_logical3A_383 = vector.broadcast %shift_right_logical3A_382 : i32 to vector<16xi32>
        %shift_right_logical3A_384 = arith.shrui %get3A_381, %shift_right_logical3A_383 : vector<16xi32>
        %swap3A_385 = arith.constant 0 : i32
        %swap3A_386 = arith.index_cast %swap3A_385 : i32 to index
        %swap3A_387 = arith.constant 48 : index
        %swap3A_388 = tpu.vector_load %arg7[%swap3A_386, %swap3A_387] {strides = array<i32>} : memref<2x80xi32, #tpu.memory_space<vmem>>, vector<1x16xi32>,
        %swap3A_389 = vector.shape_cast %swap3A_388 : vector<1x16xi32> to vector<16xi32>
        %swap3A_390 = vector.shape_cast %shift_right_logical3A_384 : vector<16xi32> to vector<1x16xi32>
        tpu.vector_store %arg7[%swap3A_386, %swap3A_387], %swap3A_390 {strides = array<i32>} : memref<2x80xi32, #tpu.memory_space<vmem>>, vector<1x16xi32>,
        %and3A_391 = arith.constant 16383 : i32
        %and3A_392 = vector.broadcast %and3A_391 : i32 to vector<16xi32>
        %and3A_393 = arith.andi %get3A_381, %and3A_392 : vector<16xi32>
        %swap3A_394 = arith.constant 1 : i32
        %swap3A_395 = arith.index_cast %swap3A_394 : i32 to index
        %swap3A_396 = arith.constant 48 : index
        %swap3A_397 = tpu.vector_load %arg7[%swap3A_395, %swap3A_396] {strides = array<i32>} : memref<2x80xi32, #tpu.memory_space<vmem>>, vector<1x16xi32>,
        %swap3A_398 = vector.shape_cast %swap3A_397 : vector<1x16xi32> to vector<16xi32>
        %swap3A_399 = vector.shape_cast %and3A_393 : vector<16xi32> to vector<1x16xi32>
        tpu.vector_store %arg7[%swap3A_395, %swap3A_396], %swap3A_399 {strides = array<i32>} : memref<2x80xi32, #tpu.memory_space<vmem>>, vector<1x16xi32>,
        %get3A_400 = arith.index_cast %add3A_272 : i32 to index
        %get3A_401 = arith.constant 64 : index
        %get3A_402 = tpu.vector_load %arg6[%get3A_400, %get3A_401] {strides = array<i32>} : memref<125x80xi32, #tpu.memory_space<vmem>>, vector<1x16xi32>,
        %get3A_403 = vector.shape_cast %get3A_402 : vector<1x16xi32> to vector<16xi32>
        %shift_right_logical3A_404 = arith.constant 14 : i32
        %shift_right_logical3A_405 = vector.broadcast %shift_right_logical3A_404 : i32 to vector<16xi32>
        %shift_right_logical3A_406 = arith.shrui %get3A_403, %shift_right_logical3A_405 : vector<16xi32>
        %swap3A_407 = arith.constant 0 : i32
        %swap3A_408 = arith.index_cast %swap3A_407 : i32 to index
        %swap3A_409 = arith.constant 64 : index
        %swap3A_410 = tpu.vector_load %arg7[%swap3A_408, %swap3A_409] {strides = array<i32>} : memref<2x80xi32, #tpu.memory_space<vmem>>, vector<1x16xi32>,
        %swap3A_411 = vector.shape_cast %swap3A_410 : vector<1x16xi32> to vector<16xi32>
        %swap3A_412 = vector.shape_cast %shift_right_logical3A_406 : vector<16xi32> to vector<1x16xi32>
        tpu.vector_store %arg7[%swap3A_408, %swap3A_409], %swap3A_412 {strides = array<i32>} : memref<2x80xi32, #tpu.memory_space<vmem>>, vector<1x16xi32>,
        %and3A_413 = arith.constant 16383 : i32
        %and3A_414 = vector.broadcast %and3A_413 : i32 to vector<16xi32>
        %and3A_415 = arith.andi %get3A_403, %and3A_414 : vector<16xi32>
        %swap3A_416 = arith.constant 1 : i32
        %swap3A_417 = arith.index_cast %swap3A_416 : i32 to index
        %swap3A_418 = arith.constant 64 : index
        %swap3A_419 = tpu.vector_load %arg7[%swap3A_417, %swap3A_418] {strides = array<i32>} : memref<2x80xi32, #tpu.memory_space<vmem>>, vector<1x16xi32>,
        %swap3A_420 = vector.shape_cast %swap3A_419 : vector<1x16xi32> to vector<16xi32>
        %swap3A_421 = vector.shape_cast %and3A_415 : vector<16xi32> to vector<1x16xi32>
        tpu.vector_store %arg7[%swap3A_417, %swap3A_418], %swap3A_421 {strides = array<i32>} : memref<2x80xi32, #tpu.memory_space<vmem>>, vector<1x16xi32>,
        %dma_start3A_422 = arith.constant 0 : i32
        %dma_start3A_423 = arith.constant 0 : i32
        %dma_start3A_424 = tpu.memref_slice %arg7[%dma_start3A_422, %dma_start3A_423] : memref<2x80xi32, #tpu.memory_space<vmem>> -> memref<1x80xi32, #tpu.memory_space<vmem>>
        %dma_start3A_425 = tpu.memref_squeeze %dma_start3A_424 : memref<1x80xi32, #tpu.memory_space<vmem>> -> memref<80xi32, #tpu.memory_space<vmem>>
        %dma_start3A_426 = arith.constant 0 : i32
        %dma_start3A_427 = arith.constant 0 : i32
        %dma_start3A_428 = tpu.memref_slice %arg2[%dma_start3A_426, %dma_start3A_427] : memref<10112x128xf32, #tpu.memory_space<hbm>> -> memref<10112x128xf32, #tpu.memory_space<hbm>>
        tpu.enqueue_indirect_dma source(%dma_start3A_428 : memref<10112x128xf32, #tpu.memory_space<hbm>>) target(%arg9 : memref<80x128xf32, #tpu.memory_space<vmem>>) offsets(%dma_start3A_425 : memref<80xi32, #tpu.memory_space<vmem>>) semaphore(%arg12 : memref<!tpu.dma_semaphore, #tpu.memory_space<semaphore_mem>>)
      } else {
      }
      %gt3A_275 = arith.constant 0 : i32
      %gt3A_276 = arith.cmpi sgt, %add3A_272, %gt3A_275 : i32
      %add3A_277 = arith.constant 1 : i32
      %add3A_278 = arith.addi %add3A_272, %add3A_277 : i32
      %lt3A = arith.constant 125 : i32
      %lt3A_279 = arith.cmpi slt, %add3A_278, %lt3A : i32
      %and3A_280 = arith.andi %gt3A_276, %lt3A_279 : i1
      %convert_element_type3A_281 = arith.extui %and3A_280 : i1 to i32
      %cond3A_282 = arith.constant 0 : i32
      %cond3A_283 = arith.cmpi ne, %convert_element_type3A_281, %cond3A_282 : i32
      scf.if %cond3A_283 {
        %dma_wait3A_305 = arith.constant 1 : i32
        %dma_wait3A_306 = arith.constant 0 : i32
        %dma_wait3A_307 = tpu.memref_slice %arg8[%dma_wait3A_305, %dma_wait3A_306] : memref<2x80xi32, #tpu.memory_space<vmem>> -> memref<1x80xi32, #tpu.memory_space<vmem>>
        %dma_wait3A_308 = tpu.memref_squeeze %dma_wait3A_307 : memref<1x80xi32, #tpu.memory_space<vmem>> -> memref<80xi32, #tpu.memory_space<vmem>>
        %dma_wait3A_309 = arith.constant 0 : i32
        %dma_wait3A_310 = arith.constant 0 : i32
        %dma_wait3A_311 = tpu.memref_slice %arg11[%dma_wait3A_309, %dma_wait3A_310] : memref<10112x128xf32, #tpu.memory_space<vmem_shared>> -> memref<10112x128xf32, #tpu.memory_space<vmem_shared>>
        tpu.wait_indirect_dma semaphore(%arg15 : memref<!tpu.dma_semaphore, #tpu.memory_space<semaphore_mem>>) src(%arg10 : memref<80x128xf32, #tpu.memory_space<vmem>>) dst(%dma_wait3A_311 : memref<10112x128xf32, #tpu.memory_space<vmem_shared>>)
        %add3A_312 = arith.constant 1 : i32
        %add3A_313 = arith.addi %add3A_272, %add3A_312 : i32
        %get3A_314 = arith.index_cast %add3A_313 : i32 to index
        %get3A_315 = arith.constant 0 : index
        %get3A_316 = tpu.vector_load %arg6[%get3A_314, %get3A_315] {strides = array<i32>} : memref<125x80xi32, #tpu.memory_space<vmem>>, vector<1x16xi32>,
        %get3A_317 = vector.shape_cast %get3A_316 : vector<1x16xi32> to vector<16xi32>
        %shift_right_logical3A_318 = arith.constant 14 : i32
        %shift_right_logical3A_319 = vector.broadcast %shift_right_logical3A_318 : i32 to vector<16xi32>
        %shift_right_logical3A_320 = arith.shrui %get3A_317, %shift_right_logical3A_319 : vector<16xi32>
        %swap3A_321 = arith.constant 0 : i32
        %swap3A_322 = arith.index_cast %swap3A_321 : i32 to index
        %swap3A_323 = arith.constant 0 : index
        %swap3A_324 = tpu.vector_load %arg8[%swap3A_322, %swap3A_323] {strides = array<i32>} : memref<2x80xi32, #tpu.memory_space<vmem>>, vector<1x16xi32>,
        %swap3A_325 = vector.shape_cast %swap3A_324 : vector<1x16xi32> to vector<16xi32>
        %swap3A_326 = vector.shape_cast %shift_right_logical3A_320 : vector<16xi32> to vector<1x16xi32>
        tpu.vector_store %arg8[%swap3A_322, %swap3A_323], %swap3A_326 {strides = array<i32>} : memref<2x80xi32, #tpu.memory_space<vmem>>, vector<1x16xi32>,
        %and3A_327 = arith.constant 16383 : i32
        %and3A_328 = vector.broadcast %and3A_327 : i32 to vector<16xi32>
        %and3A_329 = arith.andi %get3A_317, %and3A_328 : vector<16xi32>
        %swap3A_330 = arith.constant 1 : i32
        %swap3A_331 = arith.index_cast %swap3A_330 : i32 to index
        %swap3A_332 = arith.constant 0 : index
        %swap3A_333 = tpu.vector_load %arg8[%swap3A_331, %swap3A_332] {strides = array<i32>} : memref<2x80xi32, #tpu.memory_space<vmem>>, vector<1x16xi32>,
        %swap3A_334 = vector.shape_cast %swap3A_333 : vector<1x16xi32> to vector<16xi32>
        %swap3A_335 = vector.shape_cast %and3A_329 : vector<16xi32> to vector<1x16xi32>
        tpu.vector_store %arg8[%swap3A_331, %swap3A_332], %swap3A_335 {strides = array<i32>} : memref<2x80xi32, #tpu.memory_space<vmem>>, vector<1x16xi32>,
        %get3A_336 = arith.index_cast %add3A_313 : i32 to index
        %get3A_337 = arith.constant 16 : index
        %get3A_338 = tpu.vector_load %arg6[%get3A_336, %get3A_337] {strides = array<i32>} : memref<125x80xi32, #tpu.memory_space<vmem>>, vector<1x16xi32>,
        %get3A_339 = vector.shape_cast %get3A_338 : vector<1x16xi32> to vector<16xi32>
        %shift_right_logical3A_340 = arith.constant 14 : i32
        %shift_right_logical3A_341 = vector.broadcast %shift_right_logical3A_340 : i32 to vector<16xi32>
        %shift_right_logical3A_342 = arith.shrui %get3A_339, %shift_right_logical3A_341 : vector<16xi32>
        %swap3A_343 = arith.constant 0 : i32
        %swap3A_344 = arith.index_cast %swap3A_343 : i32 to index
        %swap3A_345 = arith.constant 16 : index
        %swap3A_346 = tpu.vector_load %arg8[%swap3A_344, %swap3A_345] {strides = array<i32>} : memref<2x80xi32, #tpu.memory_space<vmem>>, vector<1x16xi32>,
        %swap3A_347 = vector.shape_cast %swap3A_346 : vector<1x16xi32> to vector<16xi32>
        %swap3A_348 = vector.shape_cast %shift_right_logical3A_342 : vector<16xi32> to vector<1x16xi32>
        tpu.vector_store %arg8[%swap3A_344, %swap3A_345], %swap3A_348 {strides = array<i32>} : memref<2x80xi32, #tpu.memory_space<vmem>>, vector<1x16xi32>,
        %and3A_349 = arith.constant 16383 : i32
        %and3A_350 = vector.broadcast %and3A_349 : i32 to vector<16xi32>
        %and3A_351 = arith.andi %get3A_339, %and3A_350 : vector<16xi32>
        %swap3A_352 = arith.constant 1 : i32
        %swap3A_353 = arith.index_cast %swap3A_352 : i32 to index
        %swap3A_354 = arith.constant 16 : index
        %swap3A_355 = tpu.vector_load %arg8[%swap3A_353, %swap3A_354] {strides = array<i32>} : memref<2x80xi32, #tpu.memory_space<vmem>>, vector<1x16xi32>,
        %swap3A_356 = vector.shape_cast %swap3A_355 : vector<1x16xi32> to vector<16xi32>
        %swap3A_357 = vector.shape_cast %and3A_351 : vector<16xi32> to vector<1x16xi32>
        tpu.vector_store %arg8[%swap3A_353, %swap3A_354], %swap3A_357 {strides = array<i32>} : memref<2x80xi32, #tpu.memory_space<vmem>>, vector<1x16xi32>,
        %get3A_358 = arith.index_cast %add3A_313 : i32 to index
        %get3A_359 = arith.constant 32 : index
        %get3A_360 = tpu.vector_load %arg6[%get3A_358, %get3A_359] {strides = array<i32>} : memref<125x80xi32, #tpu.memory_space<vmem>>, vector<1x16xi32>,
        %get3A_361 = vector.shape_cast %get3A_360 : vector<1x16xi32> to vector<16xi32>
        %shift_right_logical3A_362 = arith.constant 14 : i32
        %shift_right_logical3A_363 = vector.broadcast %shift_right_logical3A_362 : i32 to vector<16xi32>
        %shift_right_logical3A_364 = arith.shrui %get3A_361, %shift_right_logical3A_363 : vector<16xi32>
        %swap3A_365 = arith.constant 0 : i32
        %swap3A_366 = arith.index_cast %swap3A_365 : i32 to index
        %swap3A_367 = arith.constant 32 : index
        %swap3A_368 = tpu.vector_load %arg8[%swap3A_366, %swap3A_367] {strides = array<i32>} : memref<2x80xi32, #tpu.memory_space<vmem>>, vector<1x16xi32>,
        %swap3A_369 = vector.shape_cast %swap3A_368 : vector<1x16xi32> to vector<16xi32>
        %swap3A_370 = vector.shape_cast %shift_right_logical3A_364 : vector<16xi32> to vector<1x16xi32>
        tpu.vector_store %arg8[%swap3A_366, %swap3A_367], %swap3A_370 {strides = array<i32>} : memref<2x80xi32, #tpu.memory_space<vmem>>, vector<1x16xi32>,
        %and3A_371 = arith.constant 16383 : i32
        %and3A_372 = vector.broadcast %and3A_371 : i32 to vector<16xi32>
        %and3A_373 = arith.andi %get3A_361, %and3A_372 : vector<16xi32>
        %swap3A_374 = arith.constant 1 : i32
        %swap3A_375 = arith.index_cast %swap3A_374 : i32 to index
        %swap3A_376 = arith.constant 32 : index
        %swap3A_377 = tpu.vector_load %arg8[%swap3A_375, %swap3A_376] {strides = array<i32>} : memref<2x80xi32, #tpu.memory_space<vmem>>, vector<1x16xi32>,
        %swap3A_378 = vector.shape_cast %swap3A_377 : vector<1x16xi32> to vector<16xi32>
        %swap3A_379 = vector.shape_cast %and3A_373 : vector<16xi32> to vector<1x16xi32>
        tpu.vector_store %arg8[%swap3A_375, %swap3A_376], %swap3A_379 {strides = array<i32>} : memref<2x80xi32, #tpu.memory_space<vmem>>, vector<1x16xi32>,
        %get3A_380 = arith.index_cast %add3A_313 : i32 to index
        %get3A_381 = arith.constant 48 : index
        %get3A_382 = tpu.vector_load %arg6[%get3A_380, %get3A_381] {strides = array<i32>} : memref<125x80xi32, #tpu.memory_space<vmem>>, vector<1x16xi32>,
        %get3A_383 = vector.shape_cast %get3A_382 : vector<1x16xi32> to vector<16xi32>
        %shift_right_logical3A_384 = arith.constant 14 : i32
        %shift_right_logical3A_385 = vector.broadcast %shift_right_logical3A_384 : i32 to vector<16xi32>
        %shift_right_logical3A_386 = arith.shrui %get3A_383, %shift_right_logical3A_385 : vector<16xi32>
        %swap3A_387 = arith.constant 0 : i32
        %swap3A_388 = arith.index_cast %swap3A_387 : i32 to index
        %swap3A_389 = arith.constant 48 : index
        %swap3A_390 = tpu.vector_load %arg8[%swap3A_388, %swap3A_389] {strides = array<i32>} : memref<2x80xi32, #tpu.memory_space<vmem>>, vector<1x16xi32>,
        %swap3A_391 = vector.shape_cast %swap3A_390 : vector<1x16xi32> to vector<16xi32>
        %swap3A_392 = vector.shape_cast %shift_right_logical3A_386 : vector<16xi32> to vector<1x16xi32>
        tpu.vector_store %arg8[%swap3A_388, %swap3A_389], %swap3A_392 {strides = array<i32>} : memref<2x80xi32, #tpu.memory_space<vmem>>, vector<1x16xi32>,
        %and3A_393 = arith.constant 16383 : i32
        %and3A_394 = vector.broadcast %and3A_393 : i32 to vector<16xi32>
        %and3A_395 = arith.andi %get3A_383, %and3A_394 : vector<16xi32>
        %swap3A_396 = arith.constant 1 : i32
        %swap3A_397 = arith.index_cast %swap3A_396 : i32 to index
        %swap3A_398 = arith.constant 48 : index
        %swap3A_399 = tpu.vector_load %arg8[%swap3A_397, %swap3A_398] {strides = array<i32>} : memref<2x80xi32, #tpu.memory_space<vmem>>, vector<1x16xi32>,
        %swap3A_400 = vector.shape_cast %swap3A_399 : vector<1x16xi32> to vector<16xi32>
        %swap3A_401 = vector.shape_cast %and3A_395 : vector<16xi32> to vector<1x16xi32>
        tpu.vector_store %arg8[%swap3A_397, %swap3A_398], %swap3A_401 {strides = array<i32>} : memref<2x80xi32, #tpu.memory_space<vmem>>, vector<1x16xi32>,
        %get3A_402 = arith.index_cast %add3A_313 : i32 to index
        %get3A_403 = arith.constant 64 : index
        %get3A_404 = tpu.vector_load %arg6[%get3A_402, %get3A_403] {strides = array<i32>} : memref<125x80xi32, #tpu.memory_space<vmem>>, vector<1x16xi32>,
        %get3A_405 = vector.shape_cast %get3A_404 : vector<1x16xi32> to vector<16xi32>
        %shift_right_logical3A_406 = arith.constant 14 : i32
        %shift_right_logical3A_407 = vector.broadcast %shift_right_logical3A_406 : i32 to vector<16xi32>
        %shift_right_logical3A_408 = arith.shrui %get3A_405, %shift_right_logical3A_407 : vector<16xi32>
        %swap3A_409 = arith.constant 0 : i32
        %swap3A_410 = arith.index_cast %swap3A_409 : i32 to index
        %swap3A_411 = arith.constant 64 : index
        %swap3A_412 = tpu.vector_load %arg8[%swap3A_410, %swap3A_411] {strides = array<i32>} : memref<2x80xi32, #tpu.memory_space<vmem>>, vector<1x16xi32>,
        %swap3A_413 = vector.shape_cast %swap3A_412 : vector<1x16xi32> to vector<16xi32>
        %swap3A_414 = vector.shape_cast %shift_right_logical3A_408 : vector<16xi32> to vector<1x16xi32>
        tpu.vector_store %arg8[%swap3A_410, %swap3A_411], %swap3A_414 {strides = array<i32>} : memref<2x80xi32, #tpu.memory_space<vmem>>, vector<1x16xi32>,
        %and3A_415 = arith.constant 16383 : i32
        %and3A_416 = vector.broadcast %and3A_415 : i32 to vector<16xi32>
        %and3A_417 = arith.andi %get3A_405, %and3A_416 : vector<16xi32>
        %swap3A_418 = arith.constant 1 : i32
        %swap3A_419 = arith.index_cast %swap3A_418 : i32 to index
        %swap3A_420 = arith.constant 64 : index
        %swap3A_421 = tpu.vector_load %arg8[%swap3A_419, %swap3A_420] {strides = array<i32>} : memref<2x80xi32, #tpu.memory_space<vmem>>, vector<1x16xi32>,
        %swap3A_422 = vector.shape_cast %swap3A_421 : vector<1x16xi32> to vector<16xi32>
        %swap3A_423 = vector.shape_cast %and3A_417 : vector<16xi32> to vector<1x16xi32>
        tpu.vector_store %arg8[%swap3A_419, %swap3A_420], %swap3A_423 {strides = array<i32>} : memref<2x80xi32, #tpu.memory_space<vmem>>, vector<1x16xi32>,
        %dma_start3A_424 = arith.constant 0 : i32
        %dma_start3A_425 = arith.constant 0 : i32
        %dma_start3A_426 = tpu.memref_slice %arg8[%dma_start3A_424, %dma_start3A_425] : memref<2x80xi32, #tpu.memory_space<vmem>> -> memref<1x80xi32, #tpu.memory_space<vmem>>
        %dma_start3A_427 = tpu.memref_squeeze %dma_start3A_426 : memref<1x80xi32, #tpu.memory_space<vmem>> -> memref<80xi32, #tpu.memory_space<vmem>>
        %dma_start3A_428 = arith.constant 0 : i32
        %dma_start3A_429 = arith.constant 0 : i32
        %dma_start3A_430 = tpu.memref_slice %arg2[%dma_start3A_428, %dma_start3A_429] : memref<10112x128xf32, #tpu.memory_space<hbm>> -> memref<10112x128xf32, #tpu.memory_space<hbm>>
        tpu.enqueue_indirect_dma source(%dma_start3A_430 : memref<10112x128xf32, #tpu.memory_space<hbm>>) target(%arg10 : memref<80x128xf32, #tpu.memory_space<vmem>>) offsets(%dma_start3A_427 : memref<80xi32, #tpu.memory_space<vmem>>) semaphore(%arg13 : memref<!tpu.dma_semaphore, #tpu.memory_space<semaphore_mem>>)
      } else {
      }
      %dma_wait3A_284 = arith.constant 0 : i32
      %dma_wait3A_285 = arith.constant 0 : i32
      %dma_wait3A_286 = tpu.memref_slice %arg7[%dma_wait3A_284, %dma_wait3A_285] : memref<2x80xi32, #tpu.memory_space<vmem>> -> memref<1x80xi32, #tpu.memory_space<vmem>>
      %dma_wait3A_287 = tpu.memref_squeeze %dma_wait3A_286 : memref<1x80xi32, #tpu.memory_space<vmem>> -> memref<80xi32, #tpu.memory_space<vmem>>
      %dma_wait3A_288 = arith.constant 0 : i32
      %dma_wait3A_289 = arith.constant 0 : i32
      %dma_wait3A_290 = tpu.memref_slice %arg2[%dma_wait3A_288, %dma_wait3A_289] : memref<10112x128xf32, #tpu.memory_space<hbm>> -> memref<10112x128xf32, #tpu.memory_space<hbm>>
      tpu.wait_indirect_dma semaphore(%arg12 : memref<!tpu.dma_semaphore, #tpu.memory_space<semaphore_mem>>) src(%dma_wait3A_290 : memref<10112x128xf32, #tpu.memory_space<hbm>>) dst(%arg9 : memref<80x128xf32, #tpu.memory_space<vmem>>)
      %dma_start3A_291 = arith.constant 1 : i32
      %dma_start3A_292 = arith.constant 0 : i32
      %dma_start3A_293 = tpu.memref_slice %arg7[%dma_start3A_291, %dma_start3A_292] : memref<2x80xi32, #tpu.memory_space<vmem>> -> memref<1x80xi32, #tpu.memory_space<vmem>>
      %dma_start3A_294 = tpu.memref_squeeze %dma_start3A_293 : memref<1x80xi32, #tpu.memory_space<vmem>> -> memref<80xi32, #tpu.memory_space<vmem>>
      %dma_start3A_295 = arith.constant 0 : i32
      %dma_start3A_296 = arith.constant 0 : i32
      %dma_start3A_297 = tpu.memref_slice %arg11[%dma_start3A_295, %dma_start3A_296] : memref<10112x128xf32, #tpu.memory_space<vmem_shared>> -> memref<10112x128xf32, #tpu.memory_space<vmem_shared>>
      tpu.enqueue_indirect_dma source(%arg9 : memref<80x128xf32, #tpu.memory_space<vmem>>) target(%dma_start3A_297 : memref<10112x128xf32, #tpu.memory_space<vmem_shared>>) offsets(%dma_start3A_294 : memref<80xi32, #tpu.memory_space<vmem>>) semaphore(%arg14 : memref<!tpu.dma_semaphore, #tpu.memory_space<semaphore_mem>>) {add = true}
      %add3A_298 = arith.constant 1 : i32
      %add3A_299 = arith.addi %add3A_272, %add3A_298 : i32
      %lt3A_300 = arith.constant 125 : i32
      %lt3A_301 = arith.cmpi slt, %add3A_299, %lt3A_300 : i32
      %convert_element_type3A_302 = arith.extui %lt3A_301 : i1 to i32
      %cond3A_303 = arith.constant 0 : i32
      %cond3A_304 = arith.cmpi ne, %convert_element_type3A_302, %cond3A_303 : i32
      scf.if %cond3A_304 {
        %dma_wait3A_305 = arith.constant 0 : i32
        %dma_wait3A_306 = arith.constant 0 : i32
        %dma_wait3A_307 = tpu.memref_slice %arg8[%dma_wait3A_305, %dma_wait3A_306] : memref<2x80xi32, #tpu.memory_space<vmem>> -> memref<1x80xi32, #tpu.memory_space<vmem>>
        %dma_wait3A_308 = tpu.memref_squeeze %dma_wait3A_307 : memref<1x80xi32, #tpu.memory_space<vmem>> -> memref<80xi32, #tpu.memory_space<vmem>>
        %dma_wait3A_309 = arith.constant 0 : i32
        %dma_wait3A_310 = arith.constant 0 : i32
        %dma_wait3A_311 = tpu.memref_slice %arg2[%dma_wait3A_309, %dma_wait3A_310] : memref<10112x128xf32, #tpu.memory_space<hbm>> -> memref<10112x128xf32, #tpu.memory_space<hbm>>
        tpu.wait_indirect_dma semaphore(%arg13 : memref<!tpu.dma_semaphore, #tpu.memory_space<semaphore_mem>>) src(%dma_wait3A_311 : memref<10112x128xf32, #tpu.memory_space<hbm>>) dst(%arg10 : memref<80x128xf32, #tpu.memory_space<vmem>>)
        %dma_start3A_312 = arith.constant 1 : i32
        %dma_start3A_313 = arith.constant 0 : i32
        %dma_start3A_314 = tpu.memref_slice %arg8[%dma_start3A_312, %dma_start3A_313] : memref<2x80xi32, #tpu.memory_space<vmem>> -> memref<1x80xi32, #tpu.memory_space<vmem>>
        %dma_start3A_315 = tpu.memref_squeeze %dma_start3A_314 : memref<1x80xi32, #tpu.memory_space<vmem>> -> memref<80xi32, #tpu.memory_space<vmem>>
        %dma_start3A_316 = arith.constant 0 : i32
        %dma_start3A_317 = arith.constant 0 : i32
        %dma_start3A_318 = tpu.memref_slice %arg11[%dma_start3A_316, %dma_start3A_317] : memref<10112x128xf32, #tpu.memory_space<vmem_shared>> -> memref<10112x128xf32, #tpu.memory_space<vmem_shared>>
        tpu.enqueue_indirect_dma source(%arg10 : memref<80x128xf32, #tpu.memory_space<vmem>>) target(%dma_start3A_318 : memref<10112x128xf32, #tpu.memory_space<vmem_shared>>) offsets(%dma_start3A_315 : memref<80xi32, #tpu.memory_space<vmem>>) semaphore(%arg15 : memref<!tpu.dma_semaphore, #tpu.memory_space<semaphore_mem>>) {add = true}
      } else {
      }
    }
    %scan3A_252 = arith.constant 63 : i32
    %dma_wait3A_253 = arith.constant 1 : i32
    %dma_wait3A_254 = arith.constant 0 : i32
    %dma_wait3A_255 = tpu.memref_slice %arg7[%dma_wait3A_253, %dma_wait3A_254] : memref<2x80xi32, #tpu.memory_space<vmem>> -> memref<1x80xi32, #tpu.memory_space<vmem>>
    %dma_wait3A_256 = tpu.memref_squeeze %dma_wait3A_255 : memref<1x80xi32, #tpu.memory_space<vmem>> -> memref<80xi32, #tpu.memory_space<vmem>>
    %dma_wait3A_257 = arith.constant 0 : i32
    %dma_wait3A_258 = arith.constant 0 : i32
    %dma_wait3A_259 = tpu.memref_slice %arg11[%dma_wait3A_257, %dma_wait3A_258] : memref<10112x128xf32, #tpu.memory_space<vmem_shared>> -> memref<10112x128xf32, #tpu.memory_space<vmem_shared>>
    tpu.wait_indirect_dma semaphore(%arg14 : memref<!tpu.dma_semaphore, #tpu.memory_space<semaphore_mem>>) src(%arg9 : memref<80x128xf32, #tpu.memory_space<vmem>>) dst(%dma_wait3A_259 : memref<10112x128xf32, #tpu.memory_space<vmem_shared>>)
    %dma_wait3A_260 = arith.constant 1 : i32
    %dma_wait3A_261 = arith.constant 0 : i32
    %dma_wait3A_262 = tpu.memref_slice %arg8[%dma_wait3A_260, %dma_wait3A_261] : memref<2x80xi32, #tpu.memory_space<vmem>> -> memref<1x80xi32, #tpu.memory_space<vmem>>
    %dma_wait3A_263 = tpu.memref_squeeze %dma_wait3A_262 : memref<1x80xi32, #tpu.memory_space<vmem>> -> memref<80xi32, #tpu.memory_space<vmem>>
    %dma_wait3A_264 = arith.constant 0 : i32
    %dma_wait3A_265 = arith.constant 0 : i32
    %dma_wait3A_266 = tpu.memref_slice %arg11[%dma_wait3A_264, %dma_wait3A_265] : memref<10112x128xf32, #tpu.memory_space<vmem_shared>> -> memref<10112x128xf32, #tpu.memory_space<vmem_shared>>
    tpu.wait_indirect_dma semaphore(%arg15 : memref<!tpu.dma_semaphore, #tpu.memory_space<semaphore_mem>>) src(%arg10 : memref<80x128xf32, #tpu.memory_space<vmem>>) dst(%dma_wait3A_266 : memref<10112x128xf32, #tpu.memory_space<vmem_shared>>)
    %barrier3A_267 = arith.constant 0 : index
    tpu.barrier barrier_id(%barrier3A_267)
    "tpu.region"() ({
      %run_scoped3A = tpu.sem_alloc : memref<!tpu.dma_semaphore, #tpu.memory_space<semaphore_mem>>
      %dma_start3A_268 = arith.constant 0 : i32
      %dma_start3A_269 = tpu.memref_slice %arg5[%arg0, %mul3A_2, %dma_start3A_268] : memref<2x10112x128xf32, #tpu.memory_space<hbm>> -> memref<1x632x128xf32, #tpu.memory_space<hbm>>
      %dma_start3A_270 = tpu.memref_squeeze %dma_start3A_269 : memref<1x632x128xf32, #tpu.memory_space<hbm>> -> memref<632x128xf32, #tpu.memory_space<hbm>>
      %dma_start3A_271 = arith.constant 0 : i32
      %dma_start3A_272 = tpu.memref_slice %arg11[%mul3A_2, %dma_start3A_271] : memref<10112x128xf32, #tpu.memory_space<vmem_shared>> -> memref<632x128xf32, #tpu.memory_space<vmem_shared>>
      tpu.enqueue_dma source(%dma_start3A_272 : memref<632x128xf32, #tpu.memory_space<vmem_shared>>) target(%dma_start3A_270 : memref<632x128xf32, #tpu.memory_space<hbm>>) target_semaphore(%run_scoped3A : memref<!tpu.dma_semaphore, #tpu.memory_space<semaphore_mem>>)
      %dma_wait3A_273 = arith.constant 0 : i32
      %dma_wait3A_274 = tpu.memref_slice %arg5[%arg0, %mul3A_2, %dma_wait3A_273] : memref<2x10112x128xf32, #tpu.memory_space<hbm>> -> memref<1x632x128xf32, #tpu.memory_space<hbm>>
      %dma_wait3A_275 = tpu.memref_squeeze %dma_wait3A_274 : memref<1x632x128xf32, #tpu.memory_space<hbm>> -> memref<632x128xf32, #tpu.memory_space<hbm>>
      %dma_wait3A_276 = arith.constant 0 : i32
      %dma_wait3A_277 = tpu.memref_slice %arg11[%mul3A_2, %dma_wait3A_276] : memref<10112x128xf32, #tpu.memory_space<vmem_shared>> -> memref<632x128xf32, #tpu.memory_space<vmem_shared>>
      tpu.wait_dma2 semaphore(%run_scoped3A : memref<!tpu.dma_semaphore, #tpu.memory_space<semaphore_mem>>) src(%dma_wait3A_277 : memref<632x128xf32, #tpu.memory_space<vmem_shared>>) dst(%dma_wait3A_275 : memref<632x128xf32, #tpu.memory_space<hbm>>)
      tpu.yield
    }) : () -> ()
    return
  }
}

module attributes {stable_mosaic.version = 14 : i64} {
  func.func @_layer1_body(%arg0: i32, %arg1: memref<2x1264x128xf32, #tpu.memory_space<vmem>>, %arg2: memref<1264x32xf32, #tpu.memory_space<vmem>>, %arg3: memref<1264x128xf32, #tpu.memory_space<vmem>>, %arg4: memref<128x128xf32, #tpu.memory_space<vmem>>, %arg5: memref<128x128xf32, #tpu.memory_space<vmem>>, %arg6: memref<128xf32, #tpu.memory_space<vmem>>, %arg7: memref<1264x128xf32, #tpu.memory_space<vmem>>, %arg8: memref<1264x1xf32, #tpu.memory_space<vmem>>) attributes {dimension_semantics = [#tpu.dimension_semantics<arbitrary>], iteration_bounds = array<i64: 8>, scalar_prefetch = 0 : i64, scratch_operands = 0 : i64, tpu.core_type = #tpu.core_type<tc>, window_params = [{transform_indices = @transform_0, window_bounds = array<i64: 2, 1264, 128>}, {transform_indices = @transform_1, window_bounds = array<i64: 1264, 32>}, {transform_indices = @transform_2, window_bounds = array<i64: 1264, 128>}, {pipeline_mode = #tpu.pipeline_mode<synchronous>, transform_indices = @transform_3, window_bounds = array<i64: 128, 128>}, {pipeline_mode = #tpu.pipeline_mode<synchronous>, transform_indices = @transform_4, window_bounds = array<i64: 128, 128>}, {pipeline_mode = #tpu.pipeline_mode<synchronous>, transform_indices = @transform_5, window_bounds = array<i64: 128>}, {transform_indices = @transform_6, window_bounds = array<i64: 1264, 128>}, {transform_indices = @transform_7, window_bounds = array<i64: 1264, 1>}]} {
    %get3A = arith.constant 0 : index
    %get3A_0 = arith.constant 0 : index
    %get3A_1 = vector.load %arg2[%get3A, %get3A_0] : memref<1264x32xf32, #tpu.memory_space<vmem>>, vector<1264x32xf32>
    %reduce_sum3A = arith.constant dense<0.000000e+00> : vector<1264xf32>
    %reduce_sum3A_2 = vector.multi_reduction <add>, %get3A_1, %reduce_sum3A [1] : vector<1264x32xf32> to vector<1264xf32>
    %max3A = arith.constant 1.000000e+00 : f32
    %max3A_3 = vector.broadcast %max3A : f32 to vector<1264xf32>
    %max3A_4 = arith.maximumf %reduce_sum3A_2, %max3A_3 : vector<1264xf32>
    %broadcast_in_dim3A = vector.shape_cast %max3A_4 : vector<1264xf32> to vector<1264x1xf32>
    %get3A_5 = arith.constant 0 : index
    %get3A_6 = arith.constant 0 : index
    %get3A_7 = arith.constant 0 : index
    %get3A_8 = vector.load %arg1[%get3A_5, %get3A_6, %get3A_7] : memref<2x1264x128xf32, #tpu.memory_space<vmem>>, vector<1x1264x128xf32>
    %get3A_9 = vector.shape_cast %get3A_8 : vector<1x1264x128xf32> to vector<1264x128xf32>
    %get3A_10 = arith.constant 1 : index
    %get3A_11 = arith.constant 0 : index
    %get3A_12 = arith.constant 0 : index
    %get3A_13 = vector.load %arg1[%get3A_10, %get3A_11, %get3A_12] : memref<2x1264x128xf32, #tpu.memory_space<vmem>>, vector<1x1264x128xf32>
    %get3A_14 = vector.shape_cast %get3A_13 : vector<1x1264x128xf32> to vector<1264x128xf32>
    %add3A = arith.addf %get3A_9, %get3A_14 : vector<1264x128xf32>
    %div3A = vector.broadcast %broadcast_in_dim3A : vector<1264x1xf32> to vector<1264x128xf32>
    %div3A_15 = arith.divf %add3A, %div3A : vector<1264x128xf32>
    %get3A_16 = arith.constant 0 : index
    %get3A_17 = arith.constant 0 : index
    %get3A_18 = vector.load %arg4[%get3A_16, %get3A_17] : memref<128x128xf32, #tpu.memory_space<vmem>>, vector<128x128xf32>
    %dot_general3A = arith.constant dense<0.000000e+00> : vector<1264x128xf32>
    %dot_general3A_19 = tpu.matmul %div3A_15, %get3A_18, %dot_general3A {dimension_numbers = #tpu.dot_dimension_numbers<[1], [0], [0], [1], [0, 0, 1, 1], [], []>, transpose_lhs_hint = false} : vector<1264x128xf32>, vector<128x128xf32>, vector<1264x128xf32> -> vector<1264x128xf32>
    %get3A_20 = arith.constant 0 : index
    %get3A_21 = arith.constant 0 : index
    %get3A_22 = vector.load %arg3[%get3A_20, %get3A_21] : memref<1264x128xf32, #tpu.memory_space<vmem>>, vector<1264x128xf32>
    %get3A_23 = arith.constant 0 : index
    %get3A_24 = arith.constant 0 : index
    %get3A_25 = vector.load %arg5[%get3A_23, %get3A_24] : memref<128x128xf32, #tpu.memory_space<vmem>>, vector<128x128xf32>
    %dot_general3A_26 = arith.constant dense<0.000000e+00> : vector<1264x128xf32>
    %dot_general3A_27 = tpu.matmul %get3A_22, %get3A_25, %dot_general3A_26 {dimension_numbers = #tpu.dot_dimension_numbers<[1], [0], [0], [1], [0, 0, 1, 1], [], []>, transpose_lhs_hint = false} : vector<1264x128xf32>, vector<128x128xf32>, vector<1264x128xf32> -> vector<1264x128xf32>
    %add3A_28 = arith.addf %dot_general3A_19, %dot_general3A_27 : vector<1264x128xf32>
    %get3A_29 = arith.constant 0 : index
    %get3A_30 = vector.load %arg6[%get3A_29] : memref<128xf32, #tpu.memory_space<vmem>>, vector<128xf32>
    %broadcast_in_dim3A_31 = vector.shape_cast %get3A_30 : vector<128xf32> to vector<1x128xf32>
    %add3A_32 = vector.broadcast %broadcast_in_dim3A_31 : vector<1x128xf32> to vector<1264x128xf32>
    %add3A_33 = arith.addf %add3A_28, %add3A_32 : vector<1264x128xf32>
    %max3A_34 = arith.constant 0.000000e+00 : f32
    %max3A_35 = vector.broadcast %max3A_34 : f32 to vector<1264x128xf32>
    %max3A_36 = arith.maximumf %add3A_33, %max3A_35 : vector<1264x128xf32>
    %swap3A = arith.constant 0 : index
    %swap3A_37 = arith.constant 0 : index
    %swap3A_38 = vector.load %arg7[%swap3A, %swap3A_37] : memref<1264x128xf32, #tpu.memory_space<vmem>>, vector<1264x128xf32>
    tpu.vector_store %arg7[%swap3A, %swap3A_37], %max3A_36 {strides = array<i32>} : memref<1264x128xf32, #tpu.memory_space<vmem>>, vector<1264x128xf32>,
    %swap3A_39 = arith.constant 0 : index
    %swap3A_40 = arith.constant 0 : index
    %swap3A_41 = vector.load %arg8[%swap3A_39, %swap3A_40] : memref<1264x1xf32, #tpu.memory_space<vmem>>, vector<1264x1xf32>
    tpu.vector_store %arg8[%swap3A_39, %swap3A_40], %broadcast_in_dim3A {strides = array<i32>} : memref<1264x1xf32, #tpu.memory_space<vmem>>, vector<1264x1xf32>,
    return
  }
  func.func @transform_0(%arg0: i32) -> (i32, i32, i32) {
    %c0_i32 = arith.constant 0 : i32
    %c0_i32_0 = arith.constant 0 : i32
    %c0_i32_1 = arith.constant 0 : i32
    return %c0_i32, %arg0, %c0_i32_0 : i32, i32, i32
  }
  func.func @transform_1(%arg0: i32) -> (i32, i32) {
    %c0_i32 = arith.constant 0 : i32
    %c0_i32_0 = arith.constant 0 : i32
    return %arg0, %c0_i32 : i32, i32
  }
  func.func @transform_2(%arg0: i32) -> (i32, i32) {
    %c0_i32 = arith.constant 0 : i32
    %c0_i32_0 = arith.constant 0 : i32
    return %arg0, %c0_i32 : i32, i32
  }
  func.func @transform_3(%arg0: i32) -> (i32, i32) {
    %c0_i32 = arith.constant 0 : i32
    %c0_i32_0 = arith.constant 0 : i32
    %c0_i32_1 = arith.constant 0 : i32
    return %c0_i32, %c0_i32_0 : i32, i32
  }
  func.func @transform_4(%arg0: i32) -> (i32, i32) {
    %c0_i32 = arith.constant 0 : i32
    %c0_i32_0 = arith.constant 0 : i32
    %c0_i32_1 = arith.constant 0 : i32
    return %c0_i32, %c0_i32_0 : i32, i32
  }
  func.func @transform_5(%arg0: i32) -> i32 {
    %c0_i32 = arith.constant 0 : i32
    %c0_i32_0 = arith.constant 0 : i32
    return %c0_i32 : i32
  }
  func.func @transform_6(%arg0: i32) -> (i32, i32) {
    %c0_i32 = arith.constant 0 : i32
    %c0_i32_0 = arith.constant 0 : i32
    return %arg0, %c0_i32 : i32, i32
  }
  func.func @transform_7(%arg0: i32) -> (i32, i32) {
    %c0_i32 = arith.constant 0 : i32
    %c0_i32_0 = arith.constant 0 : i32
    return %arg0, %c0_i32 : i32, i32
  }
}

module attributes {stable_mosaic.version = 14 : i64} {
  func.func @_layerN_body(%arg0: i32, %arg1: memref<2x1264x128xf32, #tpu.memory_space<vmem>>, %arg2: memref<1264x1xf32, #tpu.memory_space<vmem>>, %arg3: memref<1264x128xf32, #tpu.memory_space<vmem>>, %arg4: memref<128x128xf32, #tpu.memory_space<vmem>>, %arg5: memref<128x128xf32, #tpu.memory_space<vmem>>, %arg6: memref<128xf32, #tpu.memory_space<vmem>>, %arg7: memref<1264x128xf32, #tpu.memory_space<vmem>>) attributes {dimension_semantics = [#tpu.dimension_semantics<arbitrary>], iteration_bounds = array<i64: 8>, scalar_prefetch = 0 : i64, scratch_operands = 0 : i64, tpu.core_type = #tpu.core_type<tc>, window_params = [{transform_indices = @transform_0, window_bounds = array<i64: 2, 1264, 128>}, {transform_indices = @transform_1, window_bounds = array<i64: 1264, 1>}, {transform_indices = @transform_2, window_bounds = array<i64: 1264, 128>}, {pipeline_mode = #tpu.pipeline_mode<synchronous>, transform_indices = @transform_3, window_bounds = array<i64: 128, 128>}, {pipeline_mode = #tpu.pipeline_mode<synchronous>, transform_indices = @transform_4, window_bounds = array<i64: 128, 128>}, {pipeline_mode = #tpu.pipeline_mode<synchronous>, transform_indices = @transform_5, window_bounds = array<i64: 128>}, {transform_indices = @transform_6, window_bounds = array<i64: 1264, 128>}]} {
    %get3A = arith.constant 0 : index
    %get3A_0 = arith.constant 0 : index
    %get3A_1 = arith.constant 0 : index
    %get3A_2 = vector.load %arg1[%get3A, %get3A_0, %get3A_1] : memref<2x1264x128xf32, #tpu.memory_space<vmem>>, vector<1x1264x128xf32>
    %get3A_3 = vector.shape_cast %get3A_2 : vector<1x1264x128xf32> to vector<1264x128xf32>
    %get3A_4 = arith.constant 1 : index
    %get3A_5 = arith.constant 0 : index
    %get3A_6 = arith.constant 0 : index
    %get3A_7 = vector.load %arg1[%get3A_4, %get3A_5, %get3A_6] : memref<2x1264x128xf32, #tpu.memory_space<vmem>>, vector<1x1264x128xf32>
    %get3A_8 = vector.shape_cast %get3A_7 : vector<1x1264x128xf32> to vector<1264x128xf32>
    %add3A = arith.addf %get3A_3, %get3A_8 : vector<1264x128xf32>
    %get3A_9 = arith.constant 0 : index
    %get3A_10 = arith.constant 0 : index
    %get3A_11 = vector.load %arg2[%get3A_9, %get3A_10] : memref<1264x1xf32, #tpu.memory_space<vmem>>, vector<1264x1xf32>
    %div3A = vector.broadcast %get3A_11 : vector<1264x1xf32> to vector<1264x128xf32>
    %div3A_12 = arith.divf %add3A, %div3A : vector<1264x128xf32>
    %get3A_13 = arith.constant 0 : index
    %get3A_14 = arith.constant 0 : index
    %get3A_15 = vector.load %arg4[%get3A_13, %get3A_14] : memref<128x128xf32, #tpu.memory_space<vmem>>, vector<128x128xf32>
    %dot_general3A = arith.constant dense<0.000000e+00> : vector<1264x128xf32>
    %dot_general3A_16 = tpu.matmul %div3A_12, %get3A_15, %dot_general3A {dimension_numbers = #tpu.dot_dimension_numbers<[1], [0], [0], [1], [0, 0, 1, 1], [], []>, transpose_lhs_hint = false} : vector<1264x128xf32>, vector<128x128xf32>, vector<1264x128xf32> -> vector<1264x128xf32>
    %get3A_17 = arith.constant 0 : index
    %get3A_18 = arith.constant 0 : index
    %get3A_19 = vector.load %arg3[%get3A_17, %get3A_18] : memref<1264x128xf32, #tpu.memory_space<vmem>>, vector<1264x128xf32>
    %get3A_20 = arith.constant 0 : index
    %get3A_21 = arith.constant 0 : index
    %get3A_22 = vector.load %arg5[%get3A_20, %get3A_21] : memref<128x128xf32, #tpu.memory_space<vmem>>, vector<128x128xf32>
    %dot_general3A_23 = arith.constant dense<0.000000e+00> : vector<1264x128xf32>
    %dot_general3A_24 = tpu.matmul %get3A_19, %get3A_22, %dot_general3A_23 {dimension_numbers = #tpu.dot_dimension_numbers<[1], [0], [0], [1], [0, 0, 1, 1], [], []>, transpose_lhs_hint = false} : vector<1264x128xf32>, vector<128x128xf32>, vector<1264x128xf32> -> vector<1264x128xf32>
    %add3A_25 = arith.addf %dot_general3A_16, %dot_general3A_24 : vector<1264x128xf32>
    %get3A_26 = arith.constant 0 : index
    %get3A_27 = vector.load %arg6[%get3A_26] : memref<128xf32, #tpu.memory_space<vmem>>, vector<128xf32>
    %broadcast_in_dim3A = vector.shape_cast %get3A_27 : vector<128xf32> to vector<1x128xf32>
    %add3A_28 = vector.broadcast %broadcast_in_dim3A : vector<1x128xf32> to vector<1264x128xf32>
    %add3A_29 = arith.addf %add3A_25, %add3A_28 : vector<1264x128xf32>
    %max3A = arith.constant 0.000000e+00 : f32
    %max3A_30 = vector.broadcast %max3A : f32 to vector<1264x128xf32>
    %max3A_31 = arith.maximumf %add3A_29, %max3A_30 : vector<1264x128xf32>
    %swap3A = arith.constant 0 : index
    %swap3A_32 = arith.constant 0 : index
    %swap3A_33 = vector.load %arg7[%swap3A, %swap3A_32] : memref<1264x128xf32, #tpu.memory_space<vmem>>, vector<1264x128xf32>
    tpu.vector_store %arg7[%swap3A, %swap3A_32], %max3A_31 {strides = array<i32>} : memref<1264x128xf32, #tpu.memory_space<vmem>>, vector<1264x128xf32>,
    return
  }
  func.func @transform_0(%arg0: i32) -> (i32, i32, i32) {
    %c0_i32 = arith.constant 0 : i32
    %c0_i32_0 = arith.constant 0 : i32
    %c0_i32_1 = arith.constant 0 : i32
    return %c0_i32, %arg0, %c0_i32_0 : i32, i32, i32
  }
  func.func @transform_1(%arg0: i32) -> (i32, i32) {
    %c0_i32 = arith.constant 0 : i32
    %c0_i32_0 = arith.constant 0 : i32
    return %arg0, %c0_i32 : i32, i32
  }
  func.func @transform_2(%arg0: i32) -> (i32, i32) {
    %c0_i32 = arith.constant 0 : i32
    %c0_i32_0 = arith.constant 0 : i32
    return %arg0, %c0_i32 : i32, i32
  }
  func.func @transform_3(%arg0: i32) -> (i32, i32) {
    %c0_i32 = arith.constant 0 : i32
    %c0_i32_0 = arith.constant 0 : i32
    %c0_i32_1 = arith.constant 0 : i32
    return %c0_i32, %c0_i32_0 : i32, i32
  }
  func.func @transform_4(%arg0: i32) -> (i32, i32) {
    %c0_i32 = arith.constant 0 : i32
    %c0_i32_0 = arith.constant 0 : i32
    %c0_i32_1 = arith.constant 0 : i32
    return %c0_i32, %c0_i32_0 : i32, i32
  }
  func.func @transform_5(%arg0: i32) -> i32 {
    %c0_i32 = arith.constant 0 : i32
    %c0_i32_0 = arith.constant 0 : i32
    return %c0_i32 : i32
  }
  func.func @transform_6(%arg0: i32) -> (i32, i32) {
    %c0_i32 = arith.constant 0 : i32
    %c0_i32_0 = arith.constant 0 : i32
    return %arg0, %c0_i32 : i32, i32
  }
}

module attributes {stable_mosaic.version = 14 : i64} {
  func.func @_layerN_body(%arg0: i32, %arg1: memref<2x1264x128xf32, #tpu.memory_space<vmem>>, %arg2: memref<1264x1xf32, #tpu.memory_space<vmem>>, %arg3: memref<1264x128xf32, #tpu.memory_space<vmem>>, %arg4: memref<128x64xf32, #tpu.memory_space<vmem>>, %arg5: memref<128x64xf32, #tpu.memory_space<vmem>>, %arg6: memref<64xf32, #tpu.memory_space<vmem>>, %arg7: memref<1264x64xf32, #tpu.memory_space<vmem>>) attributes {dimension_semantics = [#tpu.dimension_semantics<arbitrary>], iteration_bounds = array<i64: 8>, scalar_prefetch = 0 : i64, scratch_operands = 0 : i64, tpu.core_type = #tpu.core_type<tc>, window_params = [{transform_indices = @transform_0, window_bounds = array<i64: 2, 1264, 128>}, {transform_indices = @transform_1, window_bounds = array<i64: 1264, 1>}, {transform_indices = @transform_2, window_bounds = array<i64: 1264, 128>}, {pipeline_mode = #tpu.pipeline_mode<synchronous>, transform_indices = @transform_3, window_bounds = array<i64: 128, 64>}, {pipeline_mode = #tpu.pipeline_mode<synchronous>, transform_indices = @transform_4, window_bounds = array<i64: 128, 64>}, {pipeline_mode = #tpu.pipeline_mode<synchronous>, transform_indices = @transform_5, window_bounds = array<i64: 64>}, {transform_indices = @transform_6, window_bounds = array<i64: 1264, 64>}]} {
    %get3A = arith.constant 0 : index
    %get3A_0 = arith.constant 0 : index
    %get3A_1 = arith.constant 0 : index
    %get3A_2 = vector.load %arg1[%get3A, %get3A_0, %get3A_1] : memref<2x1264x128xf32, #tpu.memory_space<vmem>>, vector<1x1264x128xf32>
    %get3A_3 = vector.shape_cast %get3A_2 : vector<1x1264x128xf32> to vector<1264x128xf32>
    %get3A_4 = arith.constant 1 : index
    %get3A_5 = arith.constant 0 : index
    %get3A_6 = arith.constant 0 : index
    %get3A_7 = vector.load %arg1[%get3A_4, %get3A_5, %get3A_6] : memref<2x1264x128xf32, #tpu.memory_space<vmem>>, vector<1x1264x128xf32>
    %get3A_8 = vector.shape_cast %get3A_7 : vector<1x1264x128xf32> to vector<1264x128xf32>
    %add3A = arith.addf %get3A_3, %get3A_8 : vector<1264x128xf32>
    %get3A_9 = arith.constant 0 : index
    %get3A_10 = arith.constant 0 : index
    %get3A_11 = vector.load %arg2[%get3A_9, %get3A_10] : memref<1264x1xf32, #tpu.memory_space<vmem>>, vector<1264x1xf32>
    %div3A = vector.broadcast %get3A_11 : vector<1264x1xf32> to vector<1264x128xf32>
    %div3A_12 = arith.divf %add3A, %div3A : vector<1264x128xf32>
    %get3A_13 = arith.constant 0 : index
    %get3A_14 = arith.constant 0 : index
    %get3A_15 = vector.load %arg4[%get3A_13, %get3A_14] : memref<128x64xf32, #tpu.memory_space<vmem>>, vector<128x64xf32>
    %dot_general3A = arith.constant dense<0.000000e+00> : vector<1264x64xf32>
    %dot_general3A_16 = tpu.matmul %div3A_12, %get3A_15, %dot_general3A {dimension_numbers = #tpu.dot_dimension_numbers<[1], [0], [0], [1], [0, 0, 1, 1], [], []>, transpose_lhs_hint = false} : vector<1264x128xf32>, vector<128x64xf32>, vector<1264x64xf32> -> vector<1264x64xf32>
    %get3A_17 = arith.constant 0 : index
    %get3A_18 = arith.constant 0 : index
    %get3A_19 = vector.load %arg3[%get3A_17, %get3A_18] : memref<1264x128xf32, #tpu.memory_space<vmem>>, vector<1264x128xf32>
    %get3A_20 = arith.constant 0 : index
    %get3A_21 = arith.constant 0 : index
    %get3A_22 = vector.load %arg5[%get3A_20, %get3A_21] : memref<128x64xf32, #tpu.memory_space<vmem>>, vector<128x64xf32>
    %dot_general3A_23 = arith.constant dense<0.000000e+00> : vector<1264x64xf32>
    %dot_general3A_24 = tpu.matmul %get3A_19, %get3A_22, %dot_general3A_23 {dimension_numbers = #tpu.dot_dimension_numbers<[1], [0], [0], [1], [0, 0, 1, 1], [], []>, transpose_lhs_hint = false} : vector<1264x128xf32>, vector<128x64xf32>, vector<1264x64xf32> -> vector<1264x64xf32>
    %add3A_25 = arith.addf %dot_general3A_16, %dot_general3A_24 : vector<1264x64xf32>
    %get3A_26 = arith.constant 0 : index
    %get3A_27 = vector.load %arg6[%get3A_26] : memref<64xf32, #tpu.memory_space<vmem>>, vector<64xf32>
    %broadcast_in_dim3A = vector.shape_cast %get3A_27 : vector<64xf32> to vector<1x64xf32>
    %add3A_28 = vector.broadcast %broadcast_in_dim3A : vector<1x64xf32> to vector<1264x64xf32>
    %add3A_29 = arith.addf %add3A_25, %add3A_28 : vector<1264x64xf32>
    %logistic3A = arith.negf %add3A_29 : vector<1264x64xf32>
    %logistic3A_30 = math.exp %logistic3A : vector<1264x64xf32>
    %logistic3A_31 = arith.constant 1.000000e+00 : f32
    %logistic3A_32 = vector.broadcast %logistic3A_31 : f32 to vector<1264x64xf32>
    %logistic3A_33 = arith.addf %logistic3A_32, %logistic3A_30 : vector<1264x64xf32>
    %logistic3A_34 = arith.divf %logistic3A_32, %logistic3A_33 : vector<1264x64xf32>
    %swap3A = arith.constant 0 : index
    %swap3A_35 = arith.constant 0 : index
    %swap3A_36 = vector.load %arg7[%swap3A, %swap3A_35] : memref<1264x64xf32, #tpu.memory_space<vmem>>, vector<1264x64xf32>
    tpu.vector_store %arg7[%swap3A, %swap3A_35], %logistic3A_34 {strides = array<i32>} : memref<1264x64xf32, #tpu.memory_space<vmem>>, vector<1264x64xf32>,
    return
  }
  func.func @transform_0(%arg0: i32) -> (i32, i32, i32) {
    %c0_i32 = arith.constant 0 : i32
    %c0_i32_0 = arith.constant 0 : i32
    %c0_i32_1 = arith.constant 0 : i32
    return %c0_i32, %arg0, %c0_i32_0 : i32, i32, i32
  }
  func.func @transform_1(%arg0: i32) -> (i32, i32) {
    %c0_i32 = arith.constant 0 : i32
    %c0_i32_0 = arith.constant 0 : i32
    return %arg0, %c0_i32 : i32, i32
  }
  func.func @transform_2(%arg0: i32) -> (i32, i32) {
    %c0_i32 = arith.constant 0 : i32
    %c0_i32_0 = arith.constant 0 : i32
    return %arg0, %c0_i32 : i32, i32
  }
  func.func @transform_3(%arg0: i32) -> (i32, i32) {
    %c0_i32 = arith.constant 0 : i32
    %c0_i32_0 = arith.constant 0 : i32
    %c0_i32_1 = arith.constant 0 : i32
    return %c0_i32, %c0_i32_0 : i32, i32
  }
  func.func @transform_4(%arg0: i32) -> (i32, i32) {
    %c0_i32 = arith.constant 0 : i32
    %c0_i32_0 = arith.constant 0 : i32
    %c0_i32_1 = arith.constant 0 : i32
    return %c0_i32, %c0_i32_0 : i32, i32
  }
  func.func @transform_5(%arg0: i32) -> i32 {
    %c0_i32 = arith.constant 0 : i32
    %c0_i32_0 = arith.constant 0 : i32
    return %c0_i32 : i32
  }
  func.func @transform_6(%arg0: i32) -> (i32, i32) {
    %c0_i32 = arith.constant 0 : i32
    %c0_i32_0 = arith.constant 0 : i32
    return %arg0, %c0_i32 : i32, i32
  }
}

</mosaic_0001>

<sc_bundles>
// kernel: kernel.12.cloned.1.call-start
scs
__scs_entry_jumppad:
0x0: {  	(pc) =	sbr.rel $0x88, $3  }
0x1: {  	(tag) =	ssettag $0x0;
	lr =	simm.s32 $0x1  }
0x2: {  	[smem:$0x3F96] =	sst lr;
	_ =	strace $0xD0000000  }
0x3: {  	_ = 	snop  }
0x4: {  	_ = 	snop  }
0x5: {  	_ = 	snop  }
0x6: {  	_ = 	snop  }
0x7: {  	_ = 	snop  }
__scs_overlays_trampoline_lowered:
0x8: {  	[smem:$0x3FA5] =	sst s0  }
0x9: {  	[smem:$0x3FA6] =	sst s1  }
0xa: {  	[smem:$0x3FA7] =	sst s2  }
0xb: {  	[smem:$0x3FA8] =	sst s3  }
0xc: {  	[smem:$0x3FA9] =	sst s4  }
0xd: {  	[smem:$0x3FAA] =	sst s5  }
0xe: {  	[smem:$0x3FAB] =	sst s6  }
0xf: {  	[smem:$0x3FAC] =	sst s7  }
0x10: {  	[smem:$0x3FAD] =	sst s8  }
0x11: {  	[smem:$0x3FAE] =	sst s9;
	s0 =	simm.s32 @!p0 $0x0  }
0x12: {  	s1 =	sld [smem:$0x3F94];
	s0 =	simm.s32 @p0 $0x1  }
0x13: {  	[smem:$0x3FAF] =	sst s0;
	s0 =	simm.s32 @!p1 $0x0  }
0x14: {  	s2 =	sld [smem:$0x3F93];
	s0 =	simm.s32 @p1 $0x1  }
0x15: {  	[smem:$0x3FB0] =	sst s0;
	s0 =	simm.s32 @!p2 $0x0  }
0x16: {  	s3 =	sld [smem:$0x3FDB];
	s0 =	simm.s32 @p2 $0x1  }
0x17: {  	s4 =	simm.s32 $0x1BF5;
	[smem:$0x3FB2] =	sst s0  }
0x18: {  	s0 =	sld [smem:$0x3F95];
	_ =	swait.ge [sflag:s4], $0x0  }
0x19: {  	s7 =	sld [smem:$0x3F96]  }
0x1a: {  	s8 =	sadd.s32 $0xFFFFE003, lr  }
0x1b: {  	s9 =	sadd.s32 $0xFFFFFEF7, lr;
	s5 =	simm.s32 $0xFFFFFFFF;
	p2 =	slt.u32 s8, $0xFFFFF086  }
0x1c: {  	p1 =	slt.u32 s9, $0xF7A;
	s5 =	simm.s32 @!p2 $0x0  }
0x1d: {  	s5 =	simm.s32 @p1 $0x1;
	p0 =	seq.s32 s7, s2  }
0x1e: {  	s7 =	smul.u32 @!p0 $0xF7A, s2;
	p2 =	seq.s32 @!p0 s5, $0x0  }
0x1f: {  	s9 =	smul.u32 $0xF7A, s1;
	s8 =	simm.s32 @!p0 $0x1BF5;
	p2 =	por !p2, p0  }
0x20: {  	[sflag:s8] =	ssyncset.s32 @!p0 $0xFFFFF086;
	s6 =	sadd.s32 @!p0 s3, s7;
	s7 =	simm.s32 @!p0 $0x108  }
0x21: {  	s3 =	sadd.s32 s3, s9;
	s6 =	sadd.s32 @!p0 $0x88, s6;
	s7 =	simm.s32 @p2 $0x1082  }
0x22: {  	[simem:s7], [sflag:s8] =	dma.local @!p0 [hbm:s6], $0xF7A  }
0x23: {  	s9 =	sor.u32 $0xD0000000, s2;
	s6 =	simm.s32 $0x108;
	_ =	swait.ge @!p0 [sflag:s8], $0x0  }
0x24: {  	s3 =	sadd.s32 $0x88, s3;
	s6 =	simm.s32 @!p1 $0x1082;
	[sflag:s4] =	ssyncset.s32 $0xFFFFF086  }
0x25: {  	[simem:s6], [sflag:s4] =	dma.local [hbm:s3], $0xF7A  }
0x26: {  	[smem:$0x3F96] =	sst s1;
	(tag) =	ssettag s2;
	_ =	strace s9  }
0x27: {  	s1 =	sld [smem:$0x3FA6]  }
0x28: {  	s2 =	sld [smem:$0x3FA7]  }
0x29: {  	s4 =	sld [smem:$0x3FA9]  }
0x2a: {  	p0 =	seq.s32 s5, $0x0;
	s5 =	sld [smem:$0x3FAA]  }
0x2b: {  	s6 =	sld [smem:$0x3FAB]  }
0x2c: {  	s7 =	sld [smem:$0x3FAC]  }
0x2d: {  	s3 =	simm.s32 $0x108;
	s8 =	sld [smem:$0x3FAD]  }
0x2e: {  	s3 =	simm.s32 @!p0 $0x1082;
	s9 =	sld [smem:$0x3FAE]  }
0x2f: {  	lr =	sadd.s32 s0, s3;
	s0 =	sld [smem:$0x3FA5]  }
0x30: {  	s3 =	sld [smem:$0x3FA8]  }
0x31: {  	[smem:$0x3FB1] =	sst s10  }
0x32: {  	s10 =	sld [smem:$0x3FAF];
	_ =	sdelay $0x3  }
0x33: {  	p0 =	seq.s32 s10, $0x1;
	s10 =	sld [smem:$0x3FB1];
	_ =	sdelay $0x3  }
0x34: {  	[smem:$0x3FB1] =	sst s10  }
0x35: {  	s10 =	sld [smem:$0x3FB0];
	_ =	sdelay $0x3  }
0x36: {  	p1 =	seq.s32 s10, $0x1;
	s10 =	sld [smem:$0x3FB1];
	_ =	sdelay $0x3  }
0x37: {  	[smem:$0x3FB1] =	sst s10  }
0x38: {  	s10 =	sld [smem:$0x3FB2]  }
0x39: {  	_ = 	snop;
	(pc) =	sbr.ind lr, $3  }
0x3a: {  	_ = 	snop  }
0x3b: {  	_ = 	snop  }
0x3c: {  	p2 =	seq.s32 s10, $0x1;
	s10 =	sld [smem:$0x3FB1]  }
0x3d: {  	_ =	shalt  }
0x3e: {  	_ =	shalt  }
0x3f: {  	_ =	shalt  }
0x40: {  	_ =	shalt  }
0x41: {  	_ =	shalt  }
0x42: {  	_ =	shalt  }
0x43: {  	_ =	shalt  }
0x44: {  	_ =	shalt  }
0x45: {  	_ =	shalt  }
0x46: {  	_ =	shalt  }
0x47: {  	_ =	shalt  }
0x48: {  	_ =	shalt  }
0x49: {  	_ =	shalt  }
0x4a: {  	_ =	shalt  }
0x4b: {  	_ =	shalt  }
0x4c: {  	_ =	shalt  }
0x4d: {  	_ =	shalt  }
0x4e: {  	_ =	shalt  }
0x4f: {  	_ =	shalt  }
0x50: {  	_ =	shalt  }
0x51: {  	_ =	shalt  }
0x52: {  	_ =	shalt  }
0x53: {  	_ =	shalt  }
0x54: {  	_ =	shalt  }
0x55: {  	_ =	shalt  }
0x56: {  	_ =	shalt  }
0x57: {  	_ =	shalt  }
0x58: {  	_ =	shalt  }
0x59: {  	_ =	shalt  }
0x5a: {  	_ =	shalt  }
0x5b: {  	_ =	shalt  }
0x5c: {  	_ =	shalt  }
0x5d: {  	_ =	shalt  }
0x5e: {  	_ =	shalt  }
0x5f: {  	_ =	shalt  }
0x60: {  	_ =	shalt  }
0x61: {  	_ =	shalt  }
0x62: {  	_ =	shalt  }
0x63: {  	_ =	shalt  }
0x64: {  	_ =	shalt  }
0x65: {  	_ =	shalt  }
0x66: {  	_ =	shalt  }
0x67: {  	_ =	shalt  }
0x68: {  	_ =	shalt  }
0x69: {  	_ =	shalt  }
0x6a: {  	_ =	shalt  }
0x6b: {  	_ =	shalt  }
0x6c: {  	_ =	shalt  }
0x6d: {  	_ =	shalt  }
0x6e: {  	_ =	shalt  }
0x6f: {  	_ =	shalt  }
0x70: {  	_ =	shalt  }
0x71: {  	_ =	shalt  }
0x72: {  	_ =	shalt  }
0x73: {  	_ =	shalt  }
0x74: {  	_ =	shalt  }
0x75: {  	_ =	shalt  }
0x76: {  	_ =	shalt  }
0x77: {  	_ =	shalt  }
0x78: {  	_ =	shalt  }
0x79: {  	_ =	shalt  }
0x7a: {  	_ =	shalt  }
0x7b: {  	_ =	shalt  }
0x7c: {  	_ =	shalt  }
0x7d: {  	_ =	shalt  }
0x7e: {  	_ =	shalt  }
0x7f: {  	_ =	shalt  }
0x80: {  	_ =	shalt  }
0x81: {  	_ =	shalt  }
0x82: {  	_ =	shalt  }
0x83: {  	_ =	shalt  }
0x84: {  	_ =	shalt  }
0x85: {  	_ =	shalt  }
0x86: {  	_ =	shalt  }
0x87: {  	_ =	shalt  }
.Lfunc_end0:
.L_simem_size_0:
called_computation.1_lowered:
.L_overlay_start_0:
0x88: {  	s2 =	sld [smem:$0x3FD9]  }
0x89: {  	s3 =	sld [smem:$0x3FFE];
	_ =	sdelay $0x1  }
0x8a: {  	s1 =	srdreg.scid  }
0x8b: {  	s0 =	sand.u32 $0x1, s1  }
0x8c: {  	s17 =	sshll.u32 s0, $0xA;
	s2 =	sadd.s32 s3, s2  }
0x8d: {  	s2 =	sadd.s32 s2, s17  }
0x8e: {  	[smem:$0x3FBD] =	sst s2  }
0x8f: {  	_ = 	snop  }
0x90: {  	s18 =	sld [smem:$0x3FD0];
	(tm) =	ssettm $0x1  }
0x91: {  	s19 =	sld [smem:$0x3FFB];
	_ =	sdelay $0x3  }
0x92: {  	_ =	strace s19  }
0x93: {  	s2 =	sld [smem:$0x3FFC];
	_ =	sdelay $0x3  }
0x94: {  	_ =	strace s2  }
0x95: {  	s2 =	sld [smem:$0x3FFD];
	_ =	sdelay $0x3  }
0x96: {  	_ =	strace s2  }
0x97: {  	_ =	strace $0x8FFFFFFF  }
0x98: {  	s20 =	sld [smem:$0x3FDB];
	_ =	sdelay $0x1  }
0x99: {  	s4 =	simm.s32 $_scs_section_size  }
0x9a: {  	s5 =	simm.s32 $_size__tile_overlayer_lowered;
	s6 =	simm.s32 $_tile_overlayer_lowered  }
0x9b: {  	s7 =	simm.s32 $0x1BFF;
	s21 =	sshll.u32 s6, $0x1;
	s4 =	sadd.s32 s4, s20  }
0x9c: {  	s22 =	simm.s32 $0x0;
	s5 =	sshll.u32 s5, $0x1;
	s6 =	sadd.s32 s21, s4  }
0x9d: {  	[timem:s22], [sflag:s7] =	dma.local [hbm:s6], s5  }
0x9e: {  	_ =	swait.ge [sflag:s7], s5  }
0x9f: {  	s5 =	ssub.s32 $0x0, s5;
	[sflag:s7] =	ssyncset.done $0x0  }
0xa0: {  	[sflag:s7] =	ssyncadd.s32 s5;
	_ =	sdelay $0x1  }
0xa1: {  	s23 =	simm.s32 $0x1B8B  }
0xa2: {  	_ =	swait.ge [sflag:s23], $0x1  }
0xa3: {  	[sflag:s23] =	ssyncset.done $0x0  }
0xa4: {  	[sflag:s23] =	ssyncadd.s32 $0xFFFFFFFF  }
0xa5: {  	s5 =	sld [smem:$0x0]  }
0xa6: {  	s6 =	sand.u32 $0xFFFFFFFE, s1  }
0xa7: {  	p0 =	sne.s32 s1, s6  }
0xa8: {  	s6 =	sshll.u32 @p0 s6, $0xE  }
0xa9: {  	s6 =	sadd.s32 @p0 $0x11B8D, s6;
	s7 =	sshll.u32 @p0 s5, $0x11  }
0xaa: {  	s6 =	sor.u32 @p0 s7, s6  }
0xab: {  	[sflag:s6] =	ssyncadd.remote.s32 @p0 $0x1;
	_ =	sdelay $0x1  }
0xac: {  	s6 =	simm.s32 @p0 $0x1B8D  }
0xad: {  	_ =	swait.eq @p0 [sflag:s6], $0x1  }
0xae: {  	[sflag:s6] =	ssyncadd.s32 @p0 $0xFFFFFFFF  }
0xaf: {  	s7 =	sshll.u32 @!p0 s1, $0xE  }
0xb0: {  	s7 =	sor.u32 @!p0 $0x4000, s7;
	s6 =	simm.s32 @!p0 $0x1B8D  }
0xb1: {  	s5 =	sshll.u32 @!p0 s5, $0x11;
	s7 =	sadd.s32 @!p0 $0x11B8D, s7;
	_ =	swait.eq @!p0 [sflag:s6], $0x1  }
0xb2: {  	s5 =	sor.u32 @!p0 s5, s7;
	[sflag:s6] =	ssyncadd.s32 @!p0 $0xFFFFFFFF  }
0xb3: {  	s25 =	simm.s32 $0x1B8E;
	s24 =	sld [smem:$0x3FFE];
	[sflag:s5] =	ssyncadd.remote.s32 @!p0 $0x1  }
0xb4: {  	s26 =	simm.s32 $execute0_lowered;
	[smem:$0x3FD2] =	sst s25  }
0xb5: {  	s6 =	sshll.u32 s26, $0x1;
	_ =	strace $0x80000049;
	[dreg:$0x1] =	wrdreg $0xFFFFFFFF  }
0xb6: {  	s28 =	simm.s32 $_size_execute0_lowered;
	s4 =	sadd.s32 s4, s6;
	[dreg:$0x0] =	wrdreg $0x0  }
0xb7: {  	s6 =	sshll.u32 s28, $0x1;
	[dreg:$0x2] =	wrdreg s4  }
0xb8: {  	[dreg:$0x3] =	wrdreg s6  }
0xb9: {  	[dreg:$0x4] =	wrdreg $0xC0  }
0xba: {  	_ =	task [dreg:s22], $0x5FFFF  }
0xbb: {  	[dreg:$0x1] =	wrdreg $0xFFFFFFFF  }
0xbc: {  	[dreg:$0x0] =	wrdreg $0x60  }
0xbd: {  	[dreg:$0x2] =	wrdreg s24  }
0xbe: {  	[dreg:$0x3] =	wrdreg s18  }
0xbf: {  	[dreg:$0x4] =	wrdreg $0x92000  }
0xc0: {  	[dreg:$0x5] =	wrdreg $0xA  }
0xc1: {  	_ =	task.clear_ibuf [dreg:s22], $0x6FFFF;
	_ =	strace $0x90000049  }
0xc2: {  	s29 =	simm.s32 $0xA;
	_ =	strace $0x8000004B  }
0xc3: {  	_ =	swait.ge [sflag:s29], $0x1  }
0xc4: {  	[sflag:s29] =	ssyncadd.s32 $0xFFFFFFFF  }
0xc5: {  	_ =	strace $0x9000004B  }
0xc6: {  	_ =	sfence  }
0xc7: {  	s30 =	sld [smem:$0x0];
	_ =	sdelay $0x2  }
0xc8: {  	s31 =	sshll.u32 s1, $0xD;
	s1 =	sshrl.u32 s1, $0x2  }
0xc9: {  	s4 =	sand.u32 $0x4000, s31;
	s1 =	sadd.s32 s1, s30  }
0xca: {  	s0 =	sor.u32 s4, s0;
	s1 =	sshll.u32 s1, $0x11  }
0xcb: {  	s0 =	sor.u32 s1, s0  }
0xcc: {  	s0 =	sadd.s32 $0x8F2B, s0  }
0xcd: {  	[sflag:s0] =	ssyncadd.remote.s32 $0x1  }
0xce: {  	_ =	sfence.sel $0xFFFF  }
0xcf: {  	[dreg:$0x0] =	wrdreg $0xFFFFFFFF;
	(pc) =	sbr.abs _section_cstart, $3  }
0xd0: {  	[dreg:$0x1] =	wrdreg $0xFFFFFFFF  }
0xd1: {  	_ =	task.clear_ibuf [dreg:s22], $0x2FFFF;
	_ =	strace $0x9FFFFFFF  }
0xd2: {  	(tm) =	ssettm $0x7FFFFFFF  }
0xd3: {  	_ =	shalt  }
tec
execute0_lowered:
.L_overlay_start_1:
0x0: {  	(tag) =	ssettag $0x1  }
0x1: {  	s5 =	rddreg [dreg:$0x0]  }
0x2: {  	s6 =	rddreg [dreg:$0x1]  }
0x3: {  	s2 =	rddreg [dreg:$0x2]  }
0x4: {  	s0 =	rddreg [dreg:$0x3];
	s1 =	stileid.u32  }
0x5: {  	s4 =	srdreg.scid;
	s3 =	simm.s32 $0x0;
	s13 =	simm.s32 $0x4000  }
0x6: {  	s14 =	simm.s32 $0x4200;
	s15 =	simm.s32 $0x4100;
	s16 =	simm.s32 $0x6A00  }
0x7: {  	s17 =	simm.s32 $0x5;
	s18 =	simm.s32 $0x1;
	s19 =	simm.s32 $0x4080  }
0x8: {  	s20 =	simm.s32 $0x2;
	s21 =	simm.s32 $0x4180;
	s22 =	simm.s32 $0x3  }
0x9: {  	s7 =	smul.u32 $0x13C00, s1;
	s8 =	sand.u32 $0x1, s4;
	[smem:$0x7FF] =	sst s3  }
0xa: {  	s4 =	sadd.s32 $0x17A00, s5;
	s23 =	smul.u32 $0x4F000, s1;
	s29 =	sshll.u32 s1, $0xB  }
0xb: {  	s9 =	smul.u32 $0x13C000, s8;
	_ =	strace $0x8000004A;
	s11 =	ssub.s32 $0x2, s8  }
0xc: {  	s30 =	sshll.u32 s8, $0xF;
	s31 =	sadd.s32 s6, s29;
	s10 =	sshrl.u32 s7, $0x3  }
0xd: {  	s24 =	sshrl.u32 s11, $0x1;
	s25 =	sshrl.u32 s23, $0x2;
	s23 =	simm.s32 $0x4  }
0xe: {  	s7 =	sadd.s32 s7, s9;
	s10 =	sadd.s32 s10, s5;
	s26 =	ssub.s32 s11, s24  }
.Ltmp0:
0xf: {  	s28 =	sadd.s32 s25, s2;
	s24 =	sshll.u32 s1, $0x6;
	(pc) =	sbr.rel .LBB2_1-.Ltmp0, $4  }
0x10: {  	s11 =	simm.s32 $0x6;
	s25 =	simm.s32 $0x0;
	s7 =	sshrl.u32 s7, $0x3  }
0x11: {  	s6 =	sor.u32 $0x1C05, s24;
	s9 =	smax.u32 s26, $0x1;
	s24 =	sor.u32 $0x1C06, s24  }
0x12: {  	s12 =	sadd.s32 s7, s5;
	s5 =	sadd.s32 $0x3F200, s10;
	s7 =	sadd.s32 s30, s31  }
0x13: {  	s10 =	sshrl.u32 s28, $0x3;
	s8 =	sadd.s32 $0x66A00, s12;
	s12 =	simm.s32 $0x50  }
.LBB2_8:
0x14: {  	_ =	swait.ge [sflag:s22], $0x2800  }
0x15: {  	[sflag:s22] =	ssyncset.done $0x0  }
0x16: {  	[sflag:s22] =	ssyncadd.s32 $0xFFFFD800  }
0x17: {  	_ =	swait.ge [sflag:s23], $0x2800  }
0x18: {  	s25 =	sadd.s32 $0x1, s25;
	[sflag:s23] =	ssyncset.done $0x0  }
0x19: {  	p0 =	sne.s32 s25, s9;
	[sflag:s23] =	ssyncadd.s32 $0xFFFFD800  }
.Ltmp1:
0x1a: {  	[bflag:$0x0] =	sbarrier.arrive $0xFFFF;
	(pc) =	sbr.rel @!p0 .LBB2_9-.Ltmp1, $4  }
0x1b: {  	[hbm:s8], [sflag:s24] =	dma.local [spmem:s10], $0x2780  }
0x1c: {  	_ =	swait.ge [sflag:s11], $0x2780  }
0x1d: {  	[sflag:s11] =	ssyncset.done $0x0  }
0x1e: {  	[sflag:s11] =	ssyncadd.s32 $0xFFFFD880  }
.LBB2_1:
0x1f: {  	[spmem:s10], [sflag:s6] =	dma.local [hbm:s5], $0x2780  }
0x20: {  	[tilespmem:s3], [sflag:$0x6] =	stream.linear.gather [hbm4b:s7+s3], $0x3E80, $0x38;
	[tilespmem:$0x1CE00] =	vst v63  }
0x21: {  	_ =	swait.ge [sflag:s11], $0x3E80  }
0x22: {  	[sflag:s11] =	ssyncset.done $0x0  }
0x23: {  	[sflag:s11] =	ssyncadd.s32 $0xFFFFC180  }
0x24: {  	v0 =	vld [tilespmem:$0x0];
	_ =	sdelay $0x1  }
0x25: {  	v1 =	vld [tilespmem:$0x10];
	_ =	sdelay $0x1  }
0x26: {  	v2 =	vld [tilespmem:$0x20]  }
0x27: {  	v3 =	vshrl.u32 v0, $0xE  }
0x28: {  	v40 =	vld [tilespmem:$0x30];
	v0 =	vand.u32 $0x3FFF, v0;
	[tilespmem:$0x4000] =	vst v3  }
0x29: {  	v41 =	vshrl.u32 v1, $0xE;
	[tilespmem:$0x4080] =	vst v0  }
0x2a: {  	v43 =	vld [tilespmem:$0x40];
	v42 =	vand.u32 $0x3FFF, v1;
	[tilespmem:$0x4010] =	vst v41  }
0x2b: {  	v44 =	vshrl.u32 v2, $0xE;
	[tilespmem:$0x4090] =	vst v42  }
0x2c: {  	v45 =	vand.u32 $0x3FFF, v2;
	[tilespmem:$0x4020] =	vst v44  }
0x2d: {  	v46 =	vshrl.u32 v40, $0xE;
	[tilespmem:$0x40A0] =	vst v45  }
0x2e: {  	v47 =	vand.u32 $0x3FFF, v40;
	[tilespmem:$0x4030] =	vst v46  }
0x2f: {  	v48 =	vshrl.u32 v43, $0xE;
	[tilespmem:$0x40B0] =	vst v47  }
0x30: {  	v49 =	vand.u32 $0x3FFF, v43;
	[tilespmem:$0x4040] =	vst v48  }
0x31: {  	[tilespmem:$0x40C0] =	vst v49  }
0x32: {  	[tilespmem:s14], [sflag:$0x1] =	stream.indirect.gather [hbm4b:s4+s12], $0x80, s13, s12, $0xb8;
	[tilespmem:$0x1CE00] =	vst v63  }
0x33: {  	v50 =	vld [tilespmem:$0x80];
	_ =	sdelay $0x1  }
0x34: {  	v51 =	vld [tilespmem:$0x90];
	_ =	sdelay $0x1  }
0x35: {  	v52 =	vld [tilespmem:$0xA0]  }
0x36: {  	v53 =	vshrl.u32 v50, $0xE  }
0x37: {  	v54 =	vld [tilespmem:$0xB0];
	v0 =	vand.u32 $0x3FFF, v50;
	[tilespmem:$0x4100] =	vst v53  }
0x38: {  	v55 =	vshrl.u32 v51, $0xE;
	[tilespmem:$0x4180] =	vst v0  }
0x39: {  	v57 =	vld [tilespmem:$0xC0];
	v56 =	vand.u32 $0x3FFF, v51;
	[tilespmem:$0x4110] =	vst v55  }
0x3a: {  	v58 =	vshrl.u32 v52, $0xE;
	[tilespmem:$0x4190] =	vst v56  }
0x3b: {  	v59 =	vand.u32 $0x3FFF, v52;
	[tilespmem:$0x4120] =	vst v58  }
0x3c: {  	v60 =	vshrl.u32 v54, $0xE;
	[tilespmem:$0x41A0] =	vst v59  }
0x3d: {  	v61 =	vand.u32 $0x3FFF, v54;
	[tilespmem:$0x4130] =	vst v60  }
0x3e: {  	v62 =	vshrl.u32 v57, $0xE;
	[tilespmem:$0x41B0] =	vst v61  }
0x3f: {  	v63 =	vand.u32 $0x3FFF, v57;
	[tilespmem:$0x4140] =	vst v62  }
0x40: {  	[tilespmem:$0x41C0] =	vst v63  }
0x41: {  	[tilespmem:s16], [sflag:$0x2] =	stream.indirect.gather [hbm4b:s4+s12], $0x80, s15, s12, $0xb8;
	[tilespmem:$0x1CE00] =	vst v63  }
.Ltmp2:
0x42: {  	_ =	swait.ge [sflag:s17], $0x2780;
	(pc) =	sbr.rel .LBB2_2-.Ltmp2, $4  }
0x43: {  	[sflag:s17] =	ssyncset.done $0x0  }
0x44: {  	[sflag:s17] =	ssyncadd.s32 $0xFFFFD880  }
0x45: {  	[bflag:$0x0] =	sbarrier.arrive $0xFFFF  }
0x46: {  	s26 =	simm.s32 $0x80;
	s28 =	simm.s32 $0x1  }
.LBB2_4:
0x47: {  	_ =	swait.ge [sflag:s23], $0x2800  }
0x48: {  	[sflag:s23] =	ssyncset.done $0x0  }
0x49: {  	[sflag:s23] =	ssyncadd.s32 $0xFFFFD800  }
0x4a: {  	v0 =	vld [tilespmem:s26+$0x0];
	_ =	sdelay $0x4  }
0x4b: {  	v1 =	vshrl.u32 v0, $0xE  }
0x4c: {  	v0 =	vand.u32 $0x3FFF, v0;
	[tilespmem:$0x4100] =	vst v1  }
0x4d: {  	[tilespmem:$0x4180] =	vst v0  }
0x4e: {  	v0 =	vld [tilespmem:s26+$0x10];
	_ =	sdelay $0x4  }
0x4f: {  	v60 =	vshrl.u32 v0, $0xE  }
0x50: {  	v0 =	vand.u32 $0x3FFF, v0;
	[tilespmem:$0x4110] =	vst v60  }
0x51: {  	[tilespmem:$0x4190] =	vst v0  }
0x52: {  	v0 =	vld [tilespmem:s26+$0x20];
	_ =	sdelay $0x4  }
0x53: {  	v61 =	vshrl.u32 v0, $0xE  }
0x54: {  	v0 =	vand.u32 $0x3FFF, v0;
	[tilespmem:$0x4120] =	vst v61  }
0x55: {  	[tilespmem:$0x41A0] =	vst v0  }
0x56: {  	v0 =	vld [tilespmem:s26+$0x30];
	_ =	sdelay $0x4  }
0x57: {  	v62 =	vshrl.u32 v0, $0xE  }
0x58: {  	v0 =	vand.u32 $0x3FFF, v0;
	[tilespmem:$0x4130] =	vst v62  }
0x59: {  	[tilespmem:$0x41B0] =	vst v0  }
0x5a: {  	v0 =	vld [tilespmem:s26+$0x40];
	_ =	sdelay $0x4  }
0x5b: {  	v63 =	vshrl.u32 v0, $0xE  }
0x5c: {  	v0 =	vand.u32 $0x3FFF, v0;
	[tilespmem:$0x4140] =	vst v63  }
0x5d: {  	[tilespmem:$0x41C0] =	vst v0  }
0x5e: {  	[tilespmem:s16], [sflag:$0x2] =	stream.indirect.gather [hbm4b:s4+s12], $0x80, s15, s12, $0xb8;
	[tilespmem:$0x1CE00] =	vst v63  }
.LBB2_5:
0x5f: {  	_ =	swait.ge [sflag:s18], $0x2800  }
0x60: {  	[sflag:s18] =	ssyncset.done $0x0  }
0x61: {  	[sflag:s18] =	ssyncadd.s32 $0xFFFFD800  }
0x62: {  	[spmem:s2] =	stream.indirect.scatter.add.f32 [tilespmem:s14], [sflag:$0x3], $0x80, s19, s12, $0xb8;
	[tilespmem:$0x1CE00] =	vst v63  }
0x63: {  	_ =	swait.ge [sflag:s20], $0x2800  }
0x64: {  	[sflag:s20] =	ssyncset.done $0x0  }
0x65: {  	[sflag:s20] =	ssyncadd.s32 $0xFFFFD800  }
0x66: {  	[spmem:s2] =	stream.indirect.scatter.add.f32 [tilespmem:s16], [sflag:$0x4], $0x80, s21, s12, $0xb8;
	[tilespmem:$0x1CE00] =	vst v63  }
.LBB2_7:
0x67: {  	s28 =	sadd.s32 $0x2, s28  }
0x68: {  	p0 =	sne.s32 s28, $0x7F  }
.Ltmp3:
0x69: {  	_ = 	snop;
	(pc) =	sbr.rel @!p0 .LBB2_8-.Ltmp3, $2  }
0x6a: {  	_ =	sdelay $0x2  }
0x6b: {  	s26 =	sadd.s32 $0x100, s26  }
.LBB2_2:
0x6c: {  	p0 =	seq.s32 s28, $0x1  }
.Ltmp4:
0x6d: {  	_ = 	snop;
	(pc) =	sbr.rel @p0 .LBB2_5-.Ltmp4, $1  }
0x6e: {  	_ =	sdelay $0x3  }
0x6f: {  	_ =	swait.ge [sflag:s22], $0x2800  }
0x70: {  	[sflag:s22] =	ssyncset.done $0x0  }
0x71: {  	[sflag:s22] =	ssyncadd.s32 $0xFFFFD800  }
0x72: {  	v0 =	vld [tilespmem:s26+$0xFFFFFF80];
	_ =	sdelay $0x4  }
0x73: {  	v1 =	vshrl.u32 v0, $0xE  }
0x74: {  	v0 =	vand.u32 $0x3FFF, v0;
	[tilespmem:$0x4000] =	vst v1  }
0x75: {  	[tilespmem:$0x4080] =	vst v0  }
0x76: {  	v0 =	vld [tilespmem:s26+$0xFFFFFF90];
	_ =	sdelay $0x4  }
0x77: {  	v60 =	vshrl.u32 v0, $0xE  }
0x78: {  	v0 =	vand.u32 $0x3FFF, v0;
	[tilespmem:$0x4010] =	vst v60  }
0x79: {  	[tilespmem:$0x4090] =	vst v0  }
0x7a: {  	v0 =	vld [tilespmem:s26+$0xFFFFFFA0];
	_ =	sdelay $0x4  }
0x7b: {  	v61 =	vshrl.u32 v0, $0xE  }
0x7c: {  	v0 =	vand.u32 $0x3FFF, v0;
	[tilespmem:$0x4020] =	vst v61  }
0x7d: {  	[tilespmem:$0x40A0] =	vst v0  }
0x7e: {  	v0 =	vld [tilespmem:s26+$0xFFFFFFB0];
	_ =	sdelay $0x4  }
0x7f: {  	v62 =	vshrl.u32 v0, $0xE  }
0x80: {  	v0 =	vand.u32 $0x3FFF, v0;
	[tilespmem:$0x4030] =	vst v62  }
0x81: {  	[tilespmem:$0x40B0] =	vst v0  }
0x82: {  	v0 =	vld [tilespmem:s26+$0xFFFFFFC0];
	_ =	sdelay $0x2  }
0x83: {  	p0 =	sgt.u32 s28, $0x7C  }
.Ltmp5:
0x84: {  	_ = 	snop;
	(pc) =	sbr.rel @!p0 .LBB2_4-.Ltmp5, $4  }
0x85: {  	v63 =	vshrl.u32 v0, $0xE  }
0x86: {  	v0 =	vand.u32 $0x3FFF, v0;
	[tilespmem:$0x4040] =	vst v63  }
0x87: {  	[tilespmem:$0x40C0] =	vst v0  }
0x88: {  	[tilespmem:s14], [sflag:$0x1] =	stream.indirect.gather [hbm4b:s4+s12], $0x80, s13, s12, $0xb8;
	[tilespmem:$0x1CE00] =	vst v63  }
.Ltmp6:
0x89: {  	(pc) =	sbr.rel .LBB2_7-.Ltmp6, $4  }
0x8a: {  	_ =	swait.ge [sflag:s18], $0x2800  }
0x8b: {  	[sflag:s18] =	ssyncset.done $0x0  }
0x8c: {  	[sflag:s18] =	ssyncadd.s32 $0xFFFFD800  }
0x8d: {  	[spmem:s2] =	stream.indirect.scatter.add.f32 [tilespmem:s14], [sflag:$0x3], $0x80, s19, s12, $0xb8;
	[tilespmem:$0x1CE00] =	vst v63  }
.LBB2_9:
0x8e: {  	_ =	sfence.sel $0x180000  }
0x8f: {  	[bflag:$0x0] =	sbarrier.arrive $0xFFFF  }
0x90: {  	p0 =	sne.s32 s1, $0x0;
	_ =	strace $0x9000004A  }
0x91: {  	s0 =	sadd.s32 @!p0 $0x100000, s0;
	[bflag:$0x2] =	sbarrier.arrive $0xFFFF  }
0x92: {  	[sflag:s0] =	ssyncadd.tile.s32 @!p0 $0x1;
	_ =	shalt  }
.Lfunc_end2:
_tile_overlayer_lowered:
.L_overlay_start_2:
0x93: {  	(tag) =	ssettag $0x2  }
0x94: {  	s0 =	rddreg [dreg:$0x0];
	s2 =	stileid.u32  }
0x95: {  	s1 =	rddreg [dreg:$0x1];
	p0 =	sne.s32 s2, $0x0  }
0x96: {  	s3 =	rddreg [dreg:$0x2];
	[bflag:$0x3] =	sbarrier.arrive $0xFFFF;
	s2 =	simm.s32 @!p0 $0x1C06  }
0x97: {  	[timem:s3], [sflag:s2] =	dma.local @!p0 [hbm:s0], s1  }
0x98: {  	s0 =	simm.s32 @!p0 $0x6  }
0x99: {  	_ =	swait.ge @!p0 [sflag:s0], s1  }
0x9a: {  	s1 =	ssub.s32 @!p0 $0x0, s1;
	[sflag:s0] =	ssyncset.done @!p0 $0x0  }
0x9b: {  	[sflag:s0] =	ssyncadd.s32 @!p0 s1  }
0x9c: {  	[bflag:$0x3] =	sbarrier.arrive $0xFFFF  }
0x9d: {  	_ =	shalt  }

// kernel: kernel.15.cloned.1.call-start
scs
__scs_entry_jumppad:
0x0: {  	(pc) =	sbr.rel $0x88, $3  }
0x1: {  	(tag) =	ssettag $0x0;
	lr =	simm.s32 $0x1  }
0x2: {  	[smem:$0x3F96] =	sst lr;
	_ =	strace $0xD0000000  }
0x3: {  	_ = 	snop  }
0x4: {  	_ = 	snop  }
0x5: {  	_ = 	snop  }
0x6: {  	_ = 	snop  }
0x7: {  	_ = 	snop  }
__scs_overlays_trampoline_lowered:
0x8: {  	[smem:$0x3FA5] =	sst s0  }
0x9: {  	[smem:$0x3FA6] =	sst s1  }
0xa: {  	[smem:$0x3FA7] =	sst s2  }
0xb: {  	[smem:$0x3FA8] =	sst s3  }
0xc: {  	[smem:$0x3FA9] =	sst s4  }
0xd: {  	[smem:$0x3FAA] =	sst s5  }
0xe: {  	[smem:$0x3FAB] =	sst s6  }
0xf: {  	[smem:$0x3FAC] =	sst s7  }
0x10: {  	[smem:$0x3FAD] =	sst s8  }
0x11: {  	[smem:$0x3FAE] =	sst s9;
	s0 =	simm.s32 @!p0 $0x0  }
0x12: {  	s1 =	sld [smem:$0x3F94];
	s0 =	simm.s32 @p0 $0x1  }
0x13: {  	[smem:$0x3FAF] =	sst s0;
	s0 =	simm.s32 @!p1 $0x0  }
0x14: {  	s2 =	sld [smem:$0x3F93];
	s0 =	simm.s32 @p1 $0x1  }
0x15: {  	[smem:$0x3FB0] =	sst s0;
	s0 =	simm.s32 @!p2 $0x0  }
0x16: {  	s3 =	sld [smem:$0x3FDB];
	s0 =	simm.s32 @p2 $0x1  }
0x17: {  	s4 =	simm.s32 $0x1BF5;
	[smem:$0x3FB2] =	sst s0  }
0x18: {  	s0 =	sld [smem:$0x3F95];
	_ =	swait.ge [sflag:s4], $0x0  }
0x19: {  	s7 =	sld [smem:$0x3F96]  }
0x1a: {  	s8 =	sadd.s32 $0xFFFFE003, lr  }
0x1b: {  	s9 =	sadd.s32 $0xFFFFFEF7, lr;
	s5 =	simm.s32 $0xFFFFFFFF;
	p2 =	slt.u32 s8, $0xFFFFF086  }
0x1c: {  	p1 =	slt.u32 s9, $0xF7A;
	s5 =	simm.s32 @!p2 $0x0  }
0x1d: {  	s5 =	simm.s32 @p1 $0x1;
	p0 =	seq.s32 s7, s2  }
0x1e: {  	s7 =	smul.u32 @!p0 $0xF7A, s2;
	p2 =	seq.s32 @!p0 s5, $0x0  }
0x1f: {  	s9 =	smul.u32 $0xF7A, s1;
	s8 =	simm.s32 @!p0 $0x1BF5;
	p2 =	por !p2, p0  }
0x20: {  	[sflag:s8] =	ssyncset.s32 @!p0 $0xFFFFF086;
	s6 =	sadd.s32 @!p0 s3, s7;
	s7 =	simm.s32 @!p0 $0x108  }
0x21: {  	s3 =	sadd.s32 s3, s9;
	s6 =	sadd.s32 @!p0 $0x88, s6;
	s7 =	simm.s32 @p2 $0x1082  }
0x22: {  	[simem:s7], [sflag:s8] =	dma.local @!p0 [hbm:s6], $0xF7A  }
0x23: {  	s9 =	sor.u32 $0xD0000000, s2;
	s6 =	simm.s32 $0x108;
	_ =	swait.ge @!p0 [sflag:s8], $0x0  }
0x24: {  	s3 =	sadd.s32 $0x88, s3;
	s6 =	simm.s32 @!p1 $0x1082;
	[sflag:s4] =	ssyncset.s32 $0xFFFFF086  }
0x25: {  	[simem:s6], [sflag:s4] =	dma.local [hbm:s3], $0xF7A  }
0x26: {  	[smem:$0x3F96] =	sst s1;
	(tag) =	ssettag s2;
	_ =	strace s9  }
0x27: {  	s1 =	sld [smem:$0x3FA6]  }
0x28: {  	s2 =	sld [smem:$0x3FA7]  }
0x29: {  	s4 =	sld [smem:$0x3FA9]  }
0x2a: {  	p0 =	seq.s32 s5, $0x0;
	s5 =	sld [smem:$0x3FAA]  }
0x2b: {  	s6 =	sld [smem:$0x3FAB]  }
0x2c: {  	s7 =	sld [smem:$0x3FAC]  }
0x2d: {  	s3 =	simm.s32 $0x108;
	s8 =	sld [smem:$0x3FAD]  }
0x2e: {  	s3 =	simm.s32 @!p0 $0x1082;
	s9 =	sld [smem:$0x3FAE]  }
0x2f: {  	lr =	sadd.s32 s0, s3;
	s0 =	sld [smem:$0x3FA5]  }
0x30: {  	s3 =	sld [smem:$0x3FA8]  }
0x31: {  	[smem:$0x3FB1] =	sst s10  }
0x32: {  	s10 =	sld [smem:$0x3FAF];
	_ =	sdelay $0x3  }
0x33: {  	p0 =	seq.s32 s10, $0x1;
	s10 =	sld [smem:$0x3FB1];
	_ =	sdelay $0x3  }
0x34: {  	[smem:$0x3FB1] =	sst s10  }
0x35: {  	s10 =	sld [smem:$0x3FB0];
	_ =	sdelay $0x3  }
0x36: {  	p1 =	seq.s32 s10, $0x1;
	s10 =	sld [smem:$0x3FB1];
	_ =	sdelay $0x3  }
0x37: {  	[smem:$0x3FB1] =	sst s10  }
0x38: {  	s10 =	sld [smem:$0x3FB2]  }
0x39: {  	_ = 	snop;
	(pc) =	sbr.ind lr, $3  }
0x3a: {  	_ = 	snop  }
0x3b: {  	_ = 	snop  }
0x3c: {  	p2 =	seq.s32 s10, $0x1;
	s10 =	sld [smem:$0x3FB1]  }
0x3d: {  	_ =	shalt  }
0x3e: {  	_ =	shalt  }
0x3f: {  	_ =	shalt  }
0x40: {  	_ =	shalt  }
0x41: {  	_ =	shalt  }
0x42: {  	_ =	shalt  }
0x43: {  	_ =	shalt  }
0x44: {  	_ =	shalt  }
0x45: {  	_ =	shalt  }
0x46: {  	_ =	shalt  }
0x47: {  	_ =	shalt  }
0x48: {  	_ =	shalt  }
0x49: {  	_ =	shalt  }
0x4a: {  	_ =	shalt  }
0x4b: {  	_ =	shalt  }
0x4c: {  	_ =	shalt  }
0x4d: {  	_ =	shalt  }
0x4e: {  	_ =	shalt  }
0x4f: {  	_ =	shalt  }
0x50: {  	_ =	shalt  }
0x51: {  	_ =	shalt  }
0x52: {  	_ =	shalt  }
0x53: {  	_ =	shalt  }
0x54: {  	_ =	shalt  }
0x55: {  	_ =	shalt  }
0x56: {  	_ =	shalt  }
0x57: {  	_ =	shalt  }
0x58: {  	_ =	shalt  }
0x59: {  	_ =	shalt  }
0x5a: {  	_ =	shalt  }
0x5b: {  	_ =	shalt  }
0x5c: {  	_ =	shalt  }
0x5d: {  	_ =	shalt  }
0x5e: {  	_ =	shalt  }
0x5f: {  	_ =	shalt  }
0x60: {  	_ =	shalt  }
0x61: {  	_ =	shalt  }
0x62: {  	_ =	shalt  }
0x63: {  	_ =	shalt  }
0x64: {  	_ =	shalt  }
0x65: {  	_ =	shalt  }
0x66: {  	_ =	shalt  }
0x67: {  	_ =	shalt  }
0x68: {  	_ =	shalt  }
0x69: {  	_ =	shalt  }
0x6a: {  	_ =	shalt  }
0x6b: {  	_ =	shalt  }
0x6c: {  	_ =	shalt  }
0x6d: {  	_ =	shalt  }
0x6e: {  	_ =	shalt  }
0x6f: {  	_ =	shalt  }
0x70: {  	_ =	shalt  }
0x71: {  	_ =	shalt  }
0x72: {  	_ =	shalt  }
0x73: {  	_ =	shalt  }
0x74: {  	_ =	shalt  }
0x75: {  	_ =	shalt  }
0x76: {  	_ =	shalt  }
0x77: {  	_ =	shalt  }
0x78: {  	_ =	shalt  }
0x79: {  	_ =	shalt  }
0x7a: {  	_ =	shalt  }
0x7b: {  	_ =	shalt  }
0x7c: {  	_ =	shalt  }
0x7d: {  	_ =	shalt  }
0x7e: {  	_ =	shalt  }
0x7f: {  	_ =	shalt  }
0x80: {  	_ =	shalt  }
0x81: {  	_ =	shalt  }
0x82: {  	_ =	shalt  }
0x83: {  	_ =	shalt  }
0x84: {  	_ =	shalt  }
0x85: {  	_ =	shalt  }
0x86: {  	_ =	shalt  }
0x87: {  	_ =	shalt  }
.Lfunc_end0:
.L_simem_size_0:
called_computation.2_lowered:
.L_overlay_start_0:
0x88: {  	s2 =	sld [smem:$0x3FD9]  }
0x89: {  	s3 =	sld [smem:$0x3FFE];
	_ =	sdelay $0x1  }
0x8a: {  	s1 =	srdreg.scid  }
0x8b: {  	s0 =	sand.u32 $0x1, s1  }
0x8c: {  	s17 =	sshll.u32 s0, $0xA;
	s2 =	sadd.s32 s3, s2  }
0x8d: {  	s2 =	sadd.s32 s2, s17  }
0x8e: {  	[smem:$0x3FBD] =	sst s2  }
0x8f: {  	_ = 	snop  }
0x90: {  	s2 =	sld [smem:$0x3FD0];
	(tm) =	ssettm $0x1  }
0x91: {  	s18 =	sld [smem:$0x3FFB];
	_ =	sdelay $0x3  }
0x92: {  	_ =	strace s18  }
0x93: {  	s3 =	sld [smem:$0x3FFC];
	_ =	sdelay $0x3  }
0x94: {  	_ =	strace s3  }
0x95: {  	s3 =	sld [smem:$0x3FFD];
	_ =	sdelay $0x3  }
0x96: {  	_ =	strace s3  }
0x97: {  	_ =	strace $0x8FFFFFFF  }
0x98: {  	s19 =	sld [smem:$0x3FDB];
	_ =	sdelay $0x1  }
0x99: {  	s4 =	simm.s32 $_scs_section_size  }
0x9a: {  	s5 =	simm.s32 $_size__tile_overlayer_lowered;
	s6 =	simm.s32 $_tile_overlayer_lowered  }
0x9b: {  	s22 =	simm.s32 $0x1BFF;
	s21 =	sshll.u32 s6, $0x1;
	s3 =	sadd.s32 s4, s19  }
0x9c: {  	s7 =	simm.s32 $0x0;
	s20 =	sshll.u32 s5, $0x1;
	s5 =	sadd.s32 s21, s3  }
0x9d: {  	[timem:s7], [sflag:s22] =	dma.local [hbm:s5], s20  }
0x9e: {  	_ =	swait.ge [sflag:s22], s20  }
0x9f: {  	s4 =	ssub.s32 $0x0, s20;
	[sflag:s22] =	ssyncset.done $0x0  }
0xa0: {  	[sflag:s22] =	ssyncadd.s32 s4;
	_ =	sdelay $0x1  }
0xa1: {  	s23 =	simm.s32 $0x1B8B  }
0xa2: {  	_ =	swait.ge [sflag:s23], $0x1  }
0xa3: {  	[sflag:s23] =	ssyncset.done $0x0  }
0xa4: {  	s25 =	simm.s32 $0x1B8E;
	s24 =	sld [smem:$0x3FFE];
	[sflag:s23] =	ssyncadd.s32 $0xFFFFFFFF  }
0xa5: {  	s26 =	simm.s32 $execute0_lowered;
	[smem:$0x3FD2] =	sst s25  }
0xa6: {  	s5 =	sshll.u32 s26, $0x1;
	_ =	strace $0x8000004C;
	[dreg:$0x1] =	wrdreg $0xFFFFFFFF  }
0xa7: {  	s28 =	simm.s32 $_size_execute0_lowered;
	s3 =	sadd.s32 s3, s5;
	[dreg:$0x0] =	wrdreg $0x0  }
0xa8: {  	s5 =	sshll.u32 s28, $0x1;
	[dreg:$0x2] =	wrdreg s3  }
0xa9: {  	[dreg:$0x3] =	wrdreg s5  }
0xaa: {  	[dreg:$0x4] =	wrdreg $0xC0  }
0xab: {  	_ =	task [dreg:s7], $0x5FFFF  }
0xac: {  	[dreg:$0x1] =	wrdreg $0xFFFFFFFF  }
0xad: {  	[dreg:$0x0] =	wrdreg $0x60  }
0xae: {  	[dreg:$0x2] =	wrdreg s24  }
0xaf: {  	[dreg:$0x3] =	wrdreg s2  }
0xb0: {  	[dreg:$0x4] =	wrdreg $0x92000  }
0xb1: {  	[dreg:$0x5] =	wrdreg $0x9  }
0xb2: {  	_ =	task.clear_ibuf [dreg:s7], $0x6FFFF;
	_ =	strace $0x9000004C  }
0xb3: {  	s29 =	simm.s32 $0x9;
	_ =	strace $0x8000004E  }
0xb4: {  	_ =	swait.ge [sflag:s29], $0x1  }
0xb5: {  	[sflag:s29] =	ssyncadd.s32 $0xFFFFFFFF  }
0xb6: {  	_ =	strace $0x9000004E  }
0xb7: {  	_ =	sfence  }
0xb8: {  	s30 =	sld [smem:$0x0];
	_ =	sdelay $0x2  }
0xb9: {  	s31 =	sshll.u32 s1, $0xD;
	s1 =	sshrl.u32 s1, $0x2  }
0xba: {  	s3 =	sand.u32 $0x4000, s31;
	s1 =	sadd.s32 s1, s30  }
0xbb: {  	s0 =	sor.u32 s3, s0;
	s1 =	sshll.u32 s1, $0x11  }
0xbc: {  	s0 =	sor.u32 s1, s0  }
0xbd: {  	s0 =	sadd.s32 $0x8F2B, s0  }
0xbe: {  	[sflag:s0] =	ssyncadd.remote.s32 $0x1  }
0xbf: {  	_ =	sfence.sel $0xFFFF  }
0xc0: {  	[dreg:$0x0] =	wrdreg $0xFFFFFFFF;
	(pc) =	sbr.abs _section_cstart, $3  }
0xc1: {  	[dreg:$0x1] =	wrdreg $0xFFFFFFFF  }
0xc2: {  	_ =	task.clear_ibuf [dreg:s7], $0x2FFFF;
	_ =	strace $0x9FFFFFFF  }
0xc3: {  	(tm) =	ssettm $0x7FFFFFFF  }
tec
execute0_lowered:
.L_overlay_start_1:
0x0: {  	(tag) =	ssettag $0x1  }
0x1: {  	s5 =	rddreg [dreg:$0x0]  }
0x2: {  	s6 =	rddreg [dreg:$0x1]  }
0x3: {  	s2 =	rddreg [dreg:$0x2]  }
0x4: {  	s0 =	rddreg [dreg:$0x3];
	s1 =	stileid.u32  }
0x5: {  	s4 =	srdreg.scid;
	s3 =	simm.s32 $0x0;
	s13 =	simm.s32 $0x4000  }
0x6: {  	s14 =	simm.s32 $0x4200;
	s15 =	simm.s32 $0x4100;
	s16 =	simm.s32 $0x6A00  }
0x7: {  	s17 =	simm.s32 $0x5;
	s18 =	simm.s32 $0x1;
	s19 =	simm.s32 $0x4080  }
0x8: {  	s20 =	simm.s32 $0x2;
	s21 =	simm.s32 $0x4180;
	s22 =	simm.s32 $0x3  }
0x9: {  	s7 =	smul.u32 $0x13C00, s1;
	s8 =	sand.u32 $0x1, s4;
	[smem:$0x7FF] =	sst s3  }
0xa: {  	s4 =	sadd.s32 $0x3E00, s5;
	s23 =	smul.u32 $0x4F000, s1;
	s29 =	sshll.u32 s1, $0xB  }
0xb: {  	s9 =	smul.u32 $0x13C000, s8;
	_ =	strace $0x8000004D;
	s11 =	ssub.s32 $0x2, s8  }
0xc: {  	s30 =	sshll.u32 s8, $0xF;
	s31 =	sadd.s32 s6, s29;
	s10 =	sshrl.u32 s7, $0x3  }
0xd: {  	s24 =	sshrl.u32 s11, $0x1;
	s25 =	sshrl.u32 s23, $0x2;
	s23 =	simm.s32 $0x4  }
0xe: {  	s7 =	sadd.s32 s7, s9;
	s10 =	sadd.s32 s10, s5;
	s26 =	ssub.s32 s11, s24  }
.Ltmp0:
0xf: {  	s28 =	sadd.s32 s25, s2;
	s24 =	sshll.u32 s1, $0x6;
	(pc) =	sbr.rel .LBB2_1-.Ltmp0, $4  }
0x10: {  	s11 =	simm.s32 $0x6;
	s25 =	simm.s32 $0x0;
	s7 =	sshrl.u32 s7, $0x3  }
0x11: {  	s6 =	sor.u32 $0x1C05, s24;
	s9 =	smax.u32 s26, $0x1;
	s24 =	sor.u32 $0x1C06, s24  }
0x12: {  	s12 =	sadd.s32 s7, s5;
	s5 =	sadd.s32 $0x3F200, s10;
	s7 =	sadd.s32 s30, s31  }
0x13: {  	s10 =	sshrl.u32 s28, $0x3;
	s8 =	sadd.s32 $0x66A00, s12;
	s12 =	simm.s32 $0x50  }
.LBB2_8:
0x14: {  	_ =	swait.ge [sflag:s22], $0x2800  }
0x15: {  	[sflag:s22] =	ssyncset.done $0x0  }
0x16: {  	[sflag:s22] =	ssyncadd.s32 $0xFFFFD800  }
0x17: {  	_ =	swait.ge [sflag:s23], $0x2800  }
0x18: {  	s25 =	sadd.s32 $0x1, s25;
	[sflag:s23] =	ssyncset.done $0x0  }
0x19: {  	p0 =	sne.s32 s25, s9;
	[sflag:s23] =	ssyncadd.s32 $0xFFFFD800  }
.Ltmp1:
0x1a: {  	[bflag:$0x0] =	sbarrier.arrive $0xFFFF;
	(pc) =	sbr.rel @!p0 .LBB2_9-.Ltmp1, $4  }
0x1b: {  	[hbm:s8], [sflag:s24] =	dma.local [spmem:s10], $0x2780  }
0x1c: {  	_ =	swait.ge [sflag:s11], $0x2780  }
0x1d: {  	[sflag:s11] =	ssyncset.done $0x0  }
0x1e: {  	[sflag:s11] =	ssyncadd.s32 $0xFFFFD880  }
.LBB2_1:
0x1f: {  	[spmem:s10], [sflag:s6] =	dma.local [hbm:s5], $0x2780  }
0x20: {  	[tilespmem:s3], [sflag:$0x6] =	stream.linear.gather [hbm4b:s7+s3], $0x3E80, $0x38;
	[tilespmem:$0x1CE00] =	vst v63  }
0x21: {  	_ =	swait.ge [sflag:s11], $0x3E80  }
0x22: {  	[sflag:s11] =	ssyncset.done $0x0  }
0x23: {  	[sflag:s11] =	ssyncadd.s32 $0xFFFFC180  }
0x24: {  	v0 =	vld [tilespmem:$0x0];
	_ =	sdelay $0x1  }
0x25: {  	v1 =	vld [tilespmem:$0x10];
	_ =	sdelay $0x1  }
0x26: {  	v2 =	vld [tilespmem:$0x20]  }
0x27: {  	v3 =	vshrl.u32 v0, $0xE  }
0x28: {  	v40 =	vld [tilespmem:$0x30];
	v0 =	vand.u32 $0x3FFF, v0;
	[tilespmem:$0x4000] =	vst v3  }
0x29: {  	v41 =	vshrl.u32 v1, $0xE;
	[tilespmem:$0x4080] =	vst v0  }
0x2a: {  	v43 =	vld [tilespmem:$0x40];
	v42 =	vand.u32 $0x3FFF, v1;
	[tilespmem:$0x4010] =	vst v41  }
0x2b: {  	v44 =	vshrl.u32 v2, $0xE;
	[tilespmem:$0x4090] =	vst v42  }
0x2c: {  	v45 =	vand.u32 $0x3FFF, v2;
	[tilespmem:$0x4020] =	vst v44  }
0x2d: {  	v46 =	vshrl.u32 v40, $0xE;
	[tilespmem:$0x40A0] =	vst v45  }
0x2e: {  	v47 =	vand.u32 $0x3FFF, v40;
	[tilespmem:$0x4030] =	vst v46  }
0x2f: {  	v48 =	vshrl.u32 v43, $0xE;
	[tilespmem:$0x40B0] =	vst v47  }
0x30: {  	v49 =	vand.u32 $0x3FFF, v43;
	[tilespmem:$0x4040] =	vst v48  }
0x31: {  	[tilespmem:$0x40C0] =	vst v49  }
0x32: {  	[tilespmem:s14], [sflag:$0x1] =	stream.indirect.gather [hbm4b:s4+s12], $0x80, s13, s12, $0xb8;
	[tilespmem:$0x1CE00] =	vst v63  }
0x33: {  	v50 =	vld [tilespmem:$0x80];
	_ =	sdelay $0x1  }
0x34: {  	v51 =	vld [tilespmem:$0x90];
	_ =	sdelay $0x1  }
0x35: {  	v52 =	vld [tilespmem:$0xA0]  }
0x36: {  	v53 =	vshrl.u32 v50, $0xE  }
0x37: {  	v54 =	vld [tilespmem:$0xB0];
	v0 =	vand.u32 $0x3FFF, v50;
	[tilespmem:$0x4100] =	vst v53  }
0x38: {  	v55 =	vshrl.u32 v51, $0xE;
	[tilespmem:$0x4180] =	vst v0  }
0x39: {  	v57 =	vld [tilespmem:$0xC0];
	v56 =	vand.u32 $0x3FFF, v51;
	[tilespmem:$0x4110] =	vst v55  }
0x3a: {  	v58 =	vshrl.u32 v52, $0xE;
	[tilespmem:$0x4190] =	vst v56  }
0x3b: {  	v59 =	vand.u32 $0x3FFF, v52;
	[tilespmem:$0x4120] =	vst v58  }
0x3c: {  	v60 =	vshrl.u32 v54, $0xE;
	[tilespmem:$0x41A0] =	vst v59  }
0x3d: {  	v61 =	vand.u32 $0x3FFF, v54;
	[tilespmem:$0x4130] =	vst v60  }
0x3e: {  	v62 =	vshrl.u32 v57, $0xE;
	[tilespmem:$0x41B0] =	vst v61  }
0x3f: {  	v63 =	vand.u32 $0x3FFF, v57;
	[tilespmem:$0x4140] =	vst v62  }
0x40: {  	[tilespmem:$0x41C0] =	vst v63  }
0x41: {  	[tilespmem:s16], [sflag:$0x2] =	stream.indirect.gather [hbm4b:s4+s12], $0x80, s15, s12, $0xb8;
	[tilespmem:$0x1CE00] =	vst v63  }
.Ltmp2:
0x42: {  	_ =	swait.ge [sflag:s17], $0x2780;
	(pc) =	sbr.rel .LBB2_2-.Ltmp2, $4  }
0x43: {  	[sflag:s17] =	ssyncset.done $0x0  }
0x44: {  	[sflag:s17] =	ssyncadd.s32 $0xFFFFD880  }
0x45: {  	[bflag:$0x0] =	sbarrier.arrive $0xFFFF  }
0x46: {  	s26 =	simm.s32 $0x80;
	s28 =	simm.s32 $0x1  }
.LBB2_4:
0x47: {  	_ =	swait.ge [sflag:s23], $0x2800  }
0x48: {  	[sflag:s23] =	ssyncset.done $0x0  }
0x49: {  	[sflag:s23] =	ssyncadd.s32 $0xFFFFD800  }
0x4a: {  	v0 =	vld [tilespmem:s26+$0x0];
	_ =	sdelay $0x4  }
0x4b: {  	v1 =	vshrl.u32 v0, $0xE  }
0x4c: {  	v0 =	vand.u32 $0x3FFF, v0;
	[tilespmem:$0x4100] =	vst v1  }
0x4d: {  	[tilespmem:$0x4180] =	vst v0  }
0x4e: {  	v0 =	vld [tilespmem:s26+$0x10];
	_ =	sdelay $0x4  }
0x4f: {  	v60 =	vshrl.u32 v0, $0xE  }
0x50: {  	v0 =	vand.u32 $0x3FFF, v0;
	[tilespmem:$0x4110] =	vst v60  }
0x51: {  	[tilespmem:$0x4190] =	vst v0  }
0x52: {  	v0 =	vld [tilespmem:s26+$0x20];
	_ =	sdelay $0x4  }
0x53: {  	v61 =	vshrl.u32 v0, $0xE  }
0x54: {  	v0 =	vand.u32 $0x3FFF, v0;
	[tilespmem:$0x4120] =	vst v61  }
0x55: {  	[tilespmem:$0x41A0] =	vst v0  }
0x56: {  	v0 =	vld [tilespmem:s26+$0x30];
	_ =	sdelay $0x4  }
0x57: {  	v62 =	vshrl.u32 v0, $0xE  }
0x58: {  	v0 =	vand.u32 $0x3FFF, v0;
	[tilespmem:$0x4130] =	vst v62  }
0x59: {  	[tilespmem:$0x41B0] =	vst v0  }
0x5a: {  	v0 =	vld [tilespmem:s26+$0x40];
	_ =	sdelay $0x4  }
0x5b: {  	v63 =	vshrl.u32 v0, $0xE  }
0x5c: {  	v0 =	vand.u32 $0x3FFF, v0;
	[tilespmem:$0x4140] =	vst v63  }
0x5d: {  	[tilespmem:$0x41C0] =	vst v0  }
0x5e: {  	[tilespmem:s16], [sflag:$0x2] =	stream.indirect.gather [hbm4b:s4+s12], $0x80, s15, s12, $0xb8;
	[tilespmem:$0x1CE00] =	vst v63  }
.LBB2_5:
0x5f: {  	_ =	swait.ge [sflag:s18], $0x2800  }
0x60: {  	[sflag:s18] =	ssyncset.done $0x0  }
0x61: {  	[sflag:s18] =	ssyncadd.s32 $0xFFFFD800  }
0x62: {  	[spmem:s2] =	stream.indirect.scatter.add.f32 [tilespmem:s14], [sflag:$0x3], $0x80, s19, s12, $0xb8;
	[tilespmem:$0x1CE00] =	vst v63  }
0x63: {  	_ =	swait.ge [sflag:s20], $0x2800  }
0x64: {  	[sflag:s20] =	ssyncset.done $0x0  }
0x65: {  	[sflag:s20] =	ssyncadd.s32 $0xFFFFD800  }
0x66: {  	[spmem:s2] =	stream.indirect.scatter.add.f32 [tilespmem:s16], [sflag:$0x4], $0x80, s21, s12, $0xb8;
	[tilespmem:$0x1CE00] =	vst v63  }
.LBB2_7:
0x67: {  	s28 =	sadd.s32 $0x2, s28  }
0x68: {  	p0 =	sne.s32 s28, $0x7F  }
.Ltmp3:
0x69: {  	_ = 	snop;
	(pc) =	sbr.rel @!p0 .LBB2_8-.Ltmp3, $2  }
0x6a: {  	_ =	sdelay $0x2  }
0x6b: {  	s26 =	sadd.s32 $0x100, s26  }
.LBB2_2:
0x6c: {  	p0 =	seq.s32 s28, $0x1  }
.Ltmp4:
0x6d: {  	_ = 	snop;
	(pc) =	sbr.rel @p0 .LBB2_5-.Ltmp4, $1  }
0x6e: {  	_ =	sdelay $0x3  }
0x6f: {  	_ =	swait.ge [sflag:s22], $0x2800  }
0x70: {  	[sflag:s22] =	ssyncset.done $0x0  }
0x71: {  	[sflag:s22] =	ssyncadd.s32 $0xFFFFD800  }
0x72: {  	v0 =	vld [tilespmem:s26+$0xFFFFFF80];
	_ =	sdelay $0x4  }
0x73: {  	v1 =	vshrl.u32 v0, $0xE  }
0x74: {  	v0 =	vand.u32 $0x3FFF, v0;
	[tilespmem:$0x4000] =	vst v1  }
0x75: {  	[tilespmem:$0x4080] =	vst v0  }
0x76: {  	v0 =	vld [tilespmem:s26+$0xFFFFFF90];
	_ =	sdelay $0x4  }
0x77: {  	v60 =	vshrl.u32 v0, $0xE  }
0x78: {  	v0 =	vand.u32 $0x3FFF, v0;
	[tilespmem:$0x4010] =	vst v60  }
0x79: {  	[tilespmem:$0x4090] =	vst v0  }
0x7a: {  	v0 =	vld [tilespmem:s26+$0xFFFFFFA0];
	_ =	sdelay $0x4  }
0x7b: {  	v61 =	vshrl.u32 v0, $0xE  }
0x7c: {  	v0 =	vand.u32 $0x3FFF, v0;
	[tilespmem:$0x4020] =	vst v61  }
0x7d: {  	[tilespmem:$0x40A0] =	vst v0  }
0x7e: {  	v0 =	vld [tilespmem:s26+$0xFFFFFFB0];
	_ =	sdelay $0x4  }
0x7f: {  	v62 =	vshrl.u32 v0, $0xE  }
0x80: {  	v0 =	vand.u32 $0x3FFF, v0;
	[tilespmem:$0x4030] =	vst v62  }
0x81: {  	[tilespmem:$0x40B0] =	vst v0  }
0x82: {  	v0 =	vld [tilespmem:s26+$0xFFFFFFC0];
	_ =	sdelay $0x2  }
0x83: {  	p0 =	sgt.u32 s28, $0x7C  }
.Ltmp5:
0x84: {  	_ = 	snop;
	(pc) =	sbr.rel @!p0 .LBB2_4-.Ltmp5, $4  }
0x85: {  	v63 =	vshrl.u32 v0, $0xE  }
0x86: {  	v0 =	vand.u32 $0x3FFF, v0;
	[tilespmem:$0x4040] =	vst v63  }
0x87: {  	[tilespmem:$0x40C0] =	vst v0  }
0x88: {  	[tilespmem:s14], [sflag:$0x1] =	stream.indirect.gather [hbm4b:s4+s12], $0x80, s13, s12, $0xb8;
	[tilespmem:$0x1CE00] =	vst v63  }
.Ltmp6:
0x89: {  	(pc) =	sbr.rel .LBB2_7-.Ltmp6, $4  }
0x8a: {  	_ =	swait.ge [sflag:s18], $0x2800  }
0x8b: {  	[sflag:s18] =	ssyncset.done $0x0  }
0x8c: {  	[sflag:s18] =	ssyncadd.s32 $0xFFFFD800  }
0x8d: {  	[spmem:s2] =	stream.indirect.scatter.add.f32 [tilespmem:s14], [sflag:$0x3], $0x80, s19, s12, $0xb8;
	[tilespmem:$0x1CE00] =	vst v63  }
.LBB2_9:
0x8e: {  	_ =	sfence.sel $0x180000  }
0x8f: {  	[bflag:$0x0] =	sbarrier.arrive $0xFFFF  }
0x90: {  	p0 =	sne.s32 s1, $0x0;
	_ =	strace $0x9000004D  }
0x91: {  	s0 =	sadd.s32 @!p0 $0x100000, s0;
	[bflag:$0x2] =	sbarrier.arrive $0xFFFF  }
0x92: {  	[sflag:s0] =	ssyncadd.tile.s32 @!p0 $0x1;
	_ =	shalt  }
.Lfunc_end2:
_tile_overlayer_lowered:
.L_overlay_start_2:
0x93: {  	(tag) =	ssettag $0x2  }
0x94: {  	s0 =	rddreg [dreg:$0x0];
	s2 =	stileid.u32  }
0x95: {  	s1 =	rddreg [dreg:$0x1];
	p0 =	sne.s32 s2, $0x0  }
0x96: {  	s3 =	rddreg [dreg:$0x2];
	[bflag:$0x3] =	sbarrier.arrive $0xFFFF;
	s2 =	simm.s32 @!p0 $0x1C06  }
0x97: {  	[timem:s3], [sflag:s2] =	dma.local @!p0 [hbm:s0], s1  }
0x98: {  	s0 =	simm.s32 @!p0 $0x6  }
0x99: {  	_ =	swait.ge @!p0 [sflag:s0], s1  }
0x9a: {  	s1 =	ssub.s32 @!p0 $0x0, s1;
	[sflag:s0] =	ssyncset.done @!p0 $0x0  }
0x9b: {  	[sflag:s0] =	ssyncadd.s32 @!p0 s1  }
0x9c: {  	[bflag:$0x3] =	sbarrier.arrive $0xFFFF  }
0x9d: {  	_ =	shalt  }

// kernel: kernel.18.cloned.1.call-start
scs
__scs_entry_jumppad:
0x0: {  	(pc) =	sbr.rel $0x88, $3  }
0x1: {  	(tag) =	ssettag $0x0;
	lr =	simm.s32 $0x1  }
0x2: {  	[smem:$0x3F96] =	sst lr;
	_ =	strace $0xD0000000  }
0x3: {  	_ = 	snop  }
0x4: {  	_ = 	snop  }
0x5: {  	_ = 	snop  }
0x6: {  	_ = 	snop  }
0x7: {  	_ = 	snop  }
__scs_overlays_trampoline_lowered:
0x8: {  	[smem:$0x3FA5] =	sst s0  }
0x9: {  	[smem:$0x3FA6] =	sst s1  }
0xa: {  	[smem:$0x3FA7] =	sst s2  }
0xb: {  	[smem:$0x3FA8] =	sst s3  }
0xc: {  	[smem:$0x3FA9] =	sst s4  }
0xd: {  	[smem:$0x3FAA] =	sst s5  }
0xe: {  	[smem:$0x3FAB] =	sst s6  }
0xf: {  	[smem:$0x3FAC] =	sst s7  }
0x10: {  	[smem:$0x3FAD] =	sst s8  }
0x11: {  	[smem:$0x3FAE] =	sst s9;
	s0 =	simm.s32 @!p0 $0x0  }
0x12: {  	s1 =	sld [smem:$0x3F94];
	s0 =	simm.s32 @p0 $0x1  }
0x13: {  	[smem:$0x3FAF] =	sst s0;
	s0 =	simm.s32 @!p1 $0x0  }
0x14: {  	s2 =	sld [smem:$0x3F93];
	s0 =	simm.s32 @p1 $0x1  }
0x15: {  	[smem:$0x3FB0] =	sst s0;
	s0 =	simm.s32 @!p2 $0x0  }
0x16: {  	s3 =	sld [smem:$0x3FDB];
	s0 =	simm.s32 @p2 $0x1  }
0x17: {  	s4 =	simm.s32 $0x1BF5;
	[smem:$0x3FB2] =	sst s0  }
0x18: {  	s0 =	sld [smem:$0x3F95];
	_ =	swait.ge [sflag:s4], $0x0  }
0x19: {  	s7 =	sld [smem:$0x3F96]  }
0x1a: {  	s8 =	sadd.s32 $0xFFFFE003, lr  }
0x1b: {  	s9 =	sadd.s32 $0xFFFFFEF7, lr;
	s5 =	simm.s32 $0xFFFFFFFF;
	p2 =	slt.u32 s8, $0xFFFFF086  }
0x1c: {  	p1 =	slt.u32 s9, $0xF7A;
	s5 =	simm.s32 @!p2 $0x0  }
0x1d: {  	s5 =	simm.s32 @p1 $0x1;
	p0 =	seq.s32 s7, s2  }
0x1e: {  	s7 =	smul.u32 @!p0 $0xF7A, s2;
	p2 =	seq.s32 @!p0 s5, $0x0  }
0x1f: {  	s9 =	smul.u32 $0xF7A, s1;
	s8 =	simm.s32 @!p0 $0x1BF5;
	p2 =	por !p2, p0  }
0x20: {  	[sflag:s8] =	ssyncset.s32 @!p0 $0xFFFFF086;
	s6 =	sadd.s32 @!p0 s3, s7;
	s7 =	simm.s32 @!p0 $0x108  }
0x21: {  	s3 =	sadd.s32 s3, s9;
	s6 =	sadd.s32 @!p0 $0x88, s6;
	s7 =	simm.s32 @p2 $0x1082  }
0x22: {  	[simem:s7], [sflag:s8] =	dma.local @!p0 [hbm:s6], $0xF7A  }
0x23: {  	s9 =	sor.u32 $0xD0000000, s2;
	s6 =	simm.s32 $0x108;
	_ =	swait.ge @!p0 [sflag:s8], $0x0  }
0x24: {  	s3 =	sadd.s32 $0x88, s3;
	s6 =	simm.s32 @!p1 $0x1082;
	[sflag:s4] =	ssyncset.s32 $0xFFFFF086  }
0x25: {  	[simem:s6], [sflag:s4] =	dma.local [hbm:s3], $0xF7A  }
0x26: {  	[smem:$0x3F96] =	sst s1;
	(tag) =	ssettag s2;
	_ =	strace s9  }
0x27: {  	s1 =	sld [smem:$0x3FA6]  }
0x28: {  	s2 =	sld [smem:$0x3FA7]  }
0x29: {  	s4 =	sld [smem:$0x3FA9]  }
0x2a: {  	p0 =	seq.s32 s5, $0x0;
	s5 =	sld [smem:$0x3FAA]  }
0x2b: {  	s6 =	sld [smem:$0x3FAB]  }
0x2c: {  	s7 =	sld [smem:$0x3FAC]  }
0x2d: {  	s3 =	simm.s32 $0x108;
	s8 =	sld [smem:$0x3FAD]  }
0x2e: {  	s3 =	simm.s32 @!p0 $0x1082;
	s9 =	sld [smem:$0x3FAE]  }
0x2f: {  	lr =	sadd.s32 s0, s3;
	s0 =	sld [smem:$0x3FA5]  }
0x30: {  	s3 =	sld [smem:$0x3FA8]  }
0x31: {  	[smem:$0x3FB1] =	sst s10  }
0x32: {  	s10 =	sld [smem:$0x3FAF];
	_ =	sdelay $0x3  }
0x33: {  	p0 =	seq.s32 s10, $0x1;
	s10 =	sld [smem:$0x3FB1];
	_ =	sdelay $0x3  }
0x34: {  	[smem:$0x3FB1] =	sst s10  }
0x35: {  	s10 =	sld [smem:$0x3FB0];
	_ =	sdelay $0x3  }
0x36: {  	p1 =	seq.s32 s10, $0x1;
	s10 =	sld [smem:$0x3FB1];
	_ =	sdelay $0x3  }
0x37: {  	[smem:$0x3FB1] =	sst s10  }
0x38: {  	s10 =	sld [smem:$0x3FB2]  }
0x39: {  	_ = 	snop;
	(pc) =	sbr.ind lr, $3  }
0x3a: {  	_ = 	snop  }
0x3b: {  	_ = 	snop  }
0x3c: {  	p2 =	seq.s32 s10, $0x1;
	s10 =	sld [smem:$0x3FB1]  }
0x3d: {  	_ =	shalt  }
0x3e: {  	_ =	shalt  }
0x3f: {  	_ =	shalt  }
0x40: {  	_ =	shalt  }
0x41: {  	_ =	shalt  }
0x42: {  	_ =	shalt  }
0x43: {  	_ =	shalt  }
0x44: {  	_ =	shalt  }
0x45: {  	_ =	shalt  }
0x46: {  	_ =	shalt  }
0x47: {  	_ =	shalt  }
0x48: {  	_ =	shalt  }
0x49: {  	_ =	shalt  }
0x4a: {  	_ =	shalt  }
0x4b: {  	_ =	shalt  }
0x4c: {  	_ =	shalt  }
0x4d: {  	_ =	shalt  }
0x4e: {  	_ =	shalt  }
0x4f: {  	_ =	shalt  }
0x50: {  	_ =	shalt  }
0x51: {  	_ =	shalt  }
0x52: {  	_ =	shalt  }
0x53: {  	_ =	shalt  }
0x54: {  	_ =	shalt  }
0x55: {  	_ =	shalt  }
0x56: {  	_ =	shalt  }
0x57: {  	_ =	shalt  }
0x58: {  	_ =	shalt  }
0x59: {  	_ =	shalt  }
0x5a: {  	_ =	shalt  }
0x5b: {  	_ =	shalt  }
0x5c: {  	_ =	shalt  }
0x5d: {  	_ =	shalt  }
0x5e: {  	_ =	shalt  }
0x5f: {  	_ =	shalt  }
0x60: {  	_ =	shalt  }
0x61: {  	_ =	shalt  }
0x62: {  	_ =	shalt  }
0x63: {  	_ =	shalt  }
0x64: {  	_ =	shalt  }
0x65: {  	_ =	shalt  }
0x66: {  	_ =	shalt  }
0x67: {  	_ =	shalt  }
0x68: {  	_ =	shalt  }
0x69: {  	_ =	shalt  }
0x6a: {  	_ =	shalt  }
0x6b: {  	_ =	shalt  }
0x6c: {  	_ =	shalt  }
0x6d: {  	_ =	shalt  }
0x6e: {  	_ =	shalt  }
0x6f: {  	_ =	shalt  }
0x70: {  	_ =	shalt  }
0x71: {  	_ =	shalt  }
0x72: {  	_ =	shalt  }
0x73: {  	_ =	shalt  }
0x74: {  	_ =	shalt  }
0x75: {  	_ =	shalt  }
0x76: {  	_ =	shalt  }
0x77: {  	_ =	shalt  }
0x78: {  	_ =	shalt  }
0x79: {  	_ =	shalt  }
0x7a: {  	_ =	shalt  }
0x7b: {  	_ =	shalt  }
0x7c: {  	_ =	shalt  }
0x7d: {  	_ =	shalt  }
0x7e: {  	_ =	shalt  }
0x7f: {  	_ =	shalt  }
0x80: {  	_ =	shalt  }
0x81: {  	_ =	shalt  }
0x82: {  	_ =	shalt  }
0x83: {  	_ =	shalt  }
0x84: {  	_ =	shalt  }
0x85: {  	_ =	shalt  }
0x86: {  	_ =	shalt  }
0x87: {  	_ =	shalt  }
.Lfunc_end0:
.L_simem_size_0:
called_computation.3_lowered:
.L_overlay_start_0:
0x88: {  	s2 =	sld [smem:$0x3FD9]  }
0x89: {  	s3 =	sld [smem:$0x3FFE];
	_ =	sdelay $0x1  }
0x8a: {  	s1 =	srdreg.scid  }
0x8b: {  	s0 =	sand.u32 $0x1, s1  }
0x8c: {  	s17 =	sshll.u32 s0, $0xA;
	s2 =	sadd.s32 s3, s2  }
0x8d: {  	s2 =	sadd.s32 s2, s17  }
0x8e: {  	[smem:$0x3FBD] =	sst s2  }
0x8f: {  	_ = 	snop  }
0x90: {  	s2 =	sld [smem:$0x3FD0];
	(tm) =	ssettm $0x1  }
0x91: {  	s18 =	sld [smem:$0x3FFB];
	_ =	sdelay $0x3  }
0x92: {  	_ =	strace s18  }
0x93: {  	s3 =	sld [smem:$0x3FFC];
	_ =	sdelay $0x3  }
0x94: {  	_ =	strace s3  }
0x95: {  	s3 =	sld [smem:$0x3FFD];
	_ =	sdelay $0x3  }
0x96: {  	_ =	strace s3  }
0x97: {  	_ =	strace $0x8FFFFFFF  }
0x98: {  	s19 =	sld [smem:$0x3FDB];
	_ =	sdelay $0x1  }
0x99: {  	s4 =	simm.s32 $_scs_section_size  }
0x9a: {  	s5 =	simm.s32 $_size__tile_overlayer_lowered;
	s6 =	simm.s32 $_tile_overlayer_lowered  }
0x9b: {  	s22 =	simm.s32 $0x1BFF;
	s21 =	sshll.u32 s6, $0x1;
	s3 =	sadd.s32 s4, s19  }
0x9c: {  	s7 =	simm.s32 $0x0;
	s20 =	sshll.u32 s5, $0x1;
	s5 =	sadd.s32 s21, s3  }
0x9d: {  	[timem:s7], [sflag:s22] =	dma.local [hbm:s5], s20  }
0x9e: {  	_ =	swait.ge [sflag:s22], s20  }
0x9f: {  	s4 =	ssub.s32 $0x0, s20;
	[sflag:s22] =	ssyncset.done $0x0  }
0xa0: {  	[sflag:s22] =	ssyncadd.s32 s4;
	_ =	sdelay $0x1  }
0xa1: {  	s23 =	simm.s32 $0x1B8B  }
0xa2: {  	_ =	swait.ge [sflag:s23], $0x1  }
0xa3: {  	[sflag:s23] =	ssyncset.done $0x0  }
0xa4: {  	s25 =	simm.s32 $0x1B8E;
	s24 =	sld [smem:$0x3FFE];
	[sflag:s23] =	ssyncadd.s32 $0xFFFFFFFF  }
0xa5: {  	s26 =	simm.s32 $execute0_lowered;
	[smem:$0x3FD2] =	sst s25  }
0xa6: {  	s5 =	sshll.u32 s26, $0x1;
	_ =	strace $0x8000004F;
	[dreg:$0x1] =	wrdreg $0xFFFFFFFF  }
0xa7: {  	s28 =	simm.s32 $_size_execute0_lowered;
	s3 =	sadd.s32 s3, s5;
	[dreg:$0x0] =	wrdreg $0x0  }
0xa8: {  	s5 =	sshll.u32 s28, $0x1;
	[dreg:$0x2] =	wrdreg s3  }
0xa9: {  	[dreg:$0x3] =	wrdreg s5  }
0xaa: {  	[dreg:$0x4] =	wrdreg $0xC0  }
0xab: {  	_ =	task [dreg:s7], $0x5FFFF  }
0xac: {  	[dreg:$0x1] =	wrdreg $0xFFFFFFFF  }
0xad: {  	[dreg:$0x0] =	wrdreg $0x60  }
0xae: {  	[dreg:$0x2] =	wrdreg s24  }
0xaf: {  	[dreg:$0x3] =	wrdreg s2  }
0xb0: {  	[dreg:$0x4] =	wrdreg $0x92000  }
0xb1: {  	[dreg:$0x5] =	wrdreg $0x9  }
0xb2: {  	_ =	task.clear_ibuf [dreg:s7], $0x6FFFF;
	_ =	strace $0x9000004F  }
0xb3: {  	s29 =	simm.s32 $0x9;
	_ =	strace $0x80000051  }
0xb4: {  	_ =	swait.ge [sflag:s29], $0x1  }
0xb5: {  	[sflag:s29] =	ssyncadd.s32 $0xFFFFFFFF  }
0xb6: {  	_ =	strace $0x90000051  }
0xb7: {  	_ =	sfence  }
0xb8: {  	s30 =	sld [smem:$0x0];
	_ =	sdelay $0x2  }
0xb9: {  	s31 =	sshll.u32 s1, $0xD;
	s1 =	sshrl.u32 s1, $0x2  }
0xba: {  	s3 =	sand.u32 $0x4000, s31;
	s1 =	sadd.s32 s1, s30  }
0xbb: {  	s0 =	sor.u32 s3, s0;
	s1 =	sshll.u32 s1, $0x11  }
0xbc: {  	s0 =	sor.u32 s1, s0  }
0xbd: {  	s0 =	sadd.s32 $0x8F2B, s0  }
0xbe: {  	[sflag:s0] =	ssyncadd.remote.s32 $0x1  }
0xbf: {  	_ =	sfence.sel $0xFFFF  }
0xc0: {  	[dreg:$0x0] =	wrdreg $0xFFFFFFFF;
	(pc) =	sbr.abs _section_cstart, $3  }
0xc1: {  	[dreg:$0x1] =	wrdreg $0xFFFFFFFF  }
0xc2: {  	_ =	task.clear_ibuf [dreg:s7], $0x2FFFF;
	_ =	strace $0x9FFFFFFF  }
0xc3: {  	(tm) =	ssettm $0x7FFFFFFF  }
tec
execute0_lowered:
.L_overlay_start_1:
0x0: {  	(tag) =	ssettag $0x1  }
0x1: {  	s5 =	rddreg [dreg:$0x0]  }
0x2: {  	s6 =	rddreg [dreg:$0x1]  }
0x3: {  	s2 =	rddreg [dreg:$0x2]  }
0x4: {  	s0 =	rddreg [dreg:$0x3];
	s1 =	stileid.u32  }
0x5: {  	s4 =	srdreg.scid;
	s3 =	simm.s32 $0x0;
	s13 =	simm.s32 $0x4000  }
0x6: {  	s14 =	simm.s32 $0x4200;
	s15 =	simm.s32 $0x4100;
	s16 =	simm.s32 $0x6A00  }
0x7: {  	s17 =	simm.s32 $0x5;
	s18 =	simm.s32 $0x1;
	s19 =	simm.s32 $0x4080  }
0x8: {  	s20 =	simm.s32 $0x2;
	s21 =	simm.s32 $0x4180;
	s22 =	simm.s32 $0x3  }
0x9: {  	s7 =	smul.u32 $0x13C00, s1;
	s8 =	sand.u32 $0x1, s4;
	[smem:$0x7FF] =	sst s3  }
0xa: {  	s4 =	sadd.s32 $0x3E00, s5;
	s23 =	smul.u32 $0x4F000, s1;
	s29 =	sshll.u32 s1, $0xB  }
0xb: {  	s9 =	smul.u32 $0x13C000, s8;
	_ =	strace $0x80000050;
	s11 =	ssub.s32 $0x2, s8  }
0xc: {  	s30 =	sshll.u32 s8, $0xF;
	s31 =	sadd.s32 s6, s29;
	s10 =	sshrl.u32 s7, $0x3  }
0xd: {  	s24 =	sshrl.u32 s11, $0x1;
	s25 =	sshrl.u32 s23, $0x2;
	s23 =	simm.s32 $0x4  }
0xe: {  	s7 =	sadd.s32 s7, s9;
	s10 =	sadd.s32 s10, s5;
	s26 =	ssub.s32 s11, s24  }
.Ltmp0:
0xf: {  	s28 =	sadd.s32 s25, s2;
	s24 =	sshll.u32 s1, $0x6;
	(pc) =	sbr.rel .LBB2_1-.Ltmp0, $4  }
0x10: {  	s11 =	simm.s32 $0x6;
	s25 =	simm.s32 $0x0;
	s7 =	sshrl.u32 s7, $0x3  }
0x11: {  	s6 =	sor.u32 $0x1C05, s24;
	s9 =	smax.u32 s26, $0x1;
	s24 =	sor.u32 $0x1C06, s24  }
0x12: {  	s12 =	sadd.s32 s7, s5;
	s5 =	sadd.s32 $0x3F200, s10;
	s7 =	sadd.s32 s30, s31  }
0x13: {  	s10 =	sshrl.u32 s28, $0x3;
	s8 =	sadd.s32 $0x66A00, s12;
	s12 =	simm.s32 $0x50  }
.LBB2_8:
0x14: {  	_ =	swait.ge [sflag:s22], $0x2800  }
0x15: {  	[sflag:s22] =	ssyncset.done $0x0  }
0x16: {  	[sflag:s22] =	ssyncadd.s32 $0xFFFFD800  }
0x17: {  	_ =	swait.ge [sflag:s23], $0x2800  }
0x18: {  	s25 =	sadd.s32 $0x1, s25;
	[sflag:s23] =	ssyncset.done $0x0  }
0x19: {  	p0 =	sne.s32 s25, s9;
	[sflag:s23] =	ssyncadd.s32 $0xFFFFD800  }
.Ltmp1:
0x1a: {  	[bflag:$0x0] =	sbarrier.arrive $0xFFFF;
	(pc) =	sbr.rel @!p0 .LBB2_9-.Ltmp1, $4  }
0x1b: {  	[hbm:s8], [sflag:s24] =	dma.local [spmem:s10], $0x2780  }
0x1c: {  	_ =	swait.ge [sflag:s11], $0x2780  }
0x1d: {  	[sflag:s11] =	ssyncset.done $0x0  }
0x1e: {  	[sflag:s11] =	ssyncadd.s32 $0xFFFFD880  }
.LBB2_1:
0x1f: {  	[spmem:s10], [sflag:s6] =	dma.local [hbm:s5], $0x2780  }
0x20: {  	[tilespmem:s3], [sflag:$0x6] =	stream.linear.gather [hbm4b:s7+s3], $0x3E80, $0x38;
	[tilespmem:$0x1CE00] =	vst v63  }
0x21: {  	_ =	swait.ge [sflag:s11], $0x3E80  }
0x22: {  	[sflag:s11] =	ssyncset.done $0x0  }
0x23: {  	[sflag:s11] =	ssyncadd.s32 $0xFFFFC180  }
0x24: {  	v0 =	vld [tilespmem:$0x0];
	_ =	sdelay $0x1  }
0x25: {  	v1 =	vld [tilespmem:$0x10];
	_ =	sdelay $0x1  }
0x26: {  	v2 =	vld [tilespmem:$0x20]  }
0x27: {  	v3 =	vshrl.u32 v0, $0xE  }
0x28: {  	v40 =	vld [tilespmem:$0x30];
	v0 =	vand.u32 $0x3FFF, v0;
	[tilespmem:$0x4000] =	vst v3  }
0x29: {  	v41 =	vshrl.u32 v1, $0xE;
	[tilespmem:$0x4080] =	vst v0  }
0x2a: {  	v43 =	vld [tilespmem:$0x40];
	v42 =	vand.u32 $0x3FFF, v1;
	[tilespmem:$0x4010] =	vst v41  }
0x2b: {  	v44 =	vshrl.u32 v2, $0xE;
	[tilespmem:$0x4090] =	vst v42  }
0x2c: {  	v45 =	vand.u32 $0x3FFF, v2;
	[tilespmem:$0x4020] =	vst v44  }
0x2d: {  	v46 =	vshrl.u32 v40, $0xE;
	[tilespmem:$0x40A0] =	vst v45  }
0x2e: {  	v47 =	vand.u32 $0x3FFF, v40;
	[tilespmem:$0x4030] =	vst v46  }
0x2f: {  	v48 =	vshrl.u32 v43, $0xE;
	[tilespmem:$0x40B0] =	vst v47  }
0x30: {  	v49 =	vand.u32 $0x3FFF, v43;
	[tilespmem:$0x4040] =	vst v48  }
0x31: {  	[tilespmem:$0x40C0] =	vst v49  }
0x32: {  	[tilespmem:s14], [sflag:$0x1] =	stream.indirect.gather [hbm4b:s4+s12], $0x80, s13, s12, $0xb8;
	[tilespmem:$0x1CE00] =	vst v63  }
0x33: {  	v50 =	vld [tilespmem:$0x80];
	_ =	sdelay $0x1  }
0x34: {  	v51 =	vld [tilespmem:$0x90];
	_ =	sdelay $0x1  }
0x35: {  	v52 =	vld [tilespmem:$0xA0]  }
0x36: {  	v53 =	vshrl.u32 v50, $0xE  }
0x37: {  	v54 =	vld [tilespmem:$0xB0];
	v0 =	vand.u32 $0x3FFF, v50;
	[tilespmem:$0x4100] =	vst v53  }
0x38: {  	v55 =	vshrl.u32 v51, $0xE;
	[tilespmem:$0x4180] =	vst v0  }
0x39: {  	v57 =	vld [tilespmem:$0xC0];
	v56 =	vand.u32 $0x3FFF, v51;
	[tilespmem:$0x4110] =	vst v55  }
0x3a: {  	v58 =	vshrl.u32 v52, $0xE;
	[tilespmem:$0x4190] =	vst v56  }
0x3b: {  	v59 =	vand.u32 $0x3FFF, v52;
	[tilespmem:$0x4120] =	vst v58  }
0x3c: {  	v60 =	vshrl.u32 v54, $0xE;
	[tilespmem:$0x41A0] =	vst v59  }
0x3d: {  	v61 =	vand.u32 $0x3FFF, v54;
	[tilespmem:$0x4130] =	vst v60  }
0x3e: {  	v62 =	vshrl.u32 v57, $0xE;
	[tilespmem:$0x41B0] =	vst v61  }
0x3f: {  	v63 =	vand.u32 $0x3FFF, v57;
	[tilespmem:$0x4140] =	vst v62  }
0x40: {  	[tilespmem:$0x41C0] =	vst v63  }
0x41: {  	[tilespmem:s16], [sflag:$0x2] =	stream.indirect.gather [hbm4b:s4+s12], $0x80, s15, s12, $0xb8;
	[tilespmem:$0x1CE00] =	vst v63  }
.Ltmp2:
0x42: {  	_ =	swait.ge [sflag:s17], $0x2780;
	(pc) =	sbr.rel .LBB2_2-.Ltmp2, $4  }
0x43: {  	[sflag:s17] =	ssyncset.done $0x0  }
0x44: {  	[sflag:s17] =	ssyncadd.s32 $0xFFFFD880  }
0x45: {  	[bflag:$0x0] =	sbarrier.arrive $0xFFFF  }
0x46: {  	s26 =	simm.s32 $0x80;
	s28 =	simm.s32 $0x1  }
.LBB2_4:
0x47: {  	_ =	swait.ge [sflag:s23], $0x2800  }
0x48: {  	[sflag:s23] =	ssyncset.done $0x0  }
0x49: {  	[sflag:s23] =	ssyncadd.s32 $0xFFFFD800  }
0x4a: {  	v0 =	vld [tilespmem:s26+$0x0];
	_ =	sdelay $0x4  }
0x4b: {  	v1 =	vshrl.u32 v0, $0xE  }
0x4c: {  	v0 =	vand.u32 $0x3FFF, v0;
	[tilespmem:$0x4100] =	vst v1  }
0x4d: {  	[tilespmem:$0x4180] =	vst v0  }
0x4e: {  	v0 =	vld [tilespmem:s26+$0x10];
	_ =	sdelay $0x4  }
0x4f: {  	v60 =	vshrl.u32 v0, $0xE  }
0x50: {  	v0 =	vand.u32 $0x3FFF, v0;
	[tilespmem:$0x4110] =	vst v60  }
0x51: {  	[tilespmem:$0x4190] =	vst v0  }
0x52: {  	v0 =	vld [tilespmem:s26+$0x20];
	_ =	sdelay $0x4  }
0x53: {  	v61 =	vshrl.u32 v0, $0xE  }
0x54: {  	v0 =	vand.u32 $0x3FFF, v0;
	[tilespmem:$0x4120] =	vst v61  }
0x55: {  	[tilespmem:$0x41A0] =	vst v0  }
0x56: {  	v0 =	vld [tilespmem:s26+$0x30];
	_ =	sdelay $0x4  }
0x57: {  	v62 =	vshrl.u32 v0, $0xE  }
0x58: {  	v0 =	vand.u32 $0x3FFF, v0;
	[tilespmem:$0x4130] =	vst v62  }
0x59: {  	[tilespmem:$0x41B0] =	vst v0  }
0x5a: {  	v0 =	vld [tilespmem:s26+$0x40];
	_ =	sdelay $0x4  }
0x5b: {  	v63 =	vshrl.u32 v0, $0xE  }
0x5c: {  	v0 =	vand.u32 $0x3FFF, v0;
	[tilespmem:$0x4140] =	vst v63  }
0x5d: {  	[tilespmem:$0x41C0] =	vst v0  }
0x5e: {  	[tilespmem:s16], [sflag:$0x2] =	stream.indirect.gather [hbm4b:s4+s12], $0x80, s15, s12, $0xb8;
	[tilespmem:$0x1CE00] =	vst v63  }
.LBB2_5:
0x5f: {  	_ =	swait.ge [sflag:s18], $0x2800  }
0x60: {  	[sflag:s18] =	ssyncset.done $0x0  }
0x61: {  	[sflag:s18] =	ssyncadd.s32 $0xFFFFD800  }
0x62: {  	[spmem:s2] =	stream.indirect.scatter.add.f32 [tilespmem:s14], [sflag:$0x3], $0x80, s19, s12, $0xb8;
	[tilespmem:$0x1CE00] =	vst v63  }
0x63: {  	_ =	swait.ge [sflag:s20], $0x2800  }
0x64: {  	[sflag:s20] =	ssyncset.done $0x0  }
0x65: {  	[sflag:s20] =	ssyncadd.s32 $0xFFFFD800  }
0x66: {  	[spmem:s2] =	stream.indirect.scatter.add.f32 [tilespmem:s16], [sflag:$0x4], $0x80, s21, s12, $0xb8;
	[tilespmem:$0x1CE00] =	vst v63  }
.LBB2_7:
0x67: {  	s28 =	sadd.s32 $0x2, s28  }
0x68: {  	p0 =	sne.s32 s28, $0x7F  }
.Ltmp3:
0x69: {  	_ = 	snop;
	(pc) =	sbr.rel @!p0 .LBB2_8-.Ltmp3, $2  }
0x6a: {  	_ =	sdelay $0x2  }
0x6b: {  	s26 =	sadd.s32 $0x100, s26  }
.LBB2_2:
0x6c: {  	p0 =	seq.s32 s28, $0x1  }
.Ltmp4:
0x6d: {  	_ = 	snop;
	(pc) =	sbr.rel @p0 .LBB2_5-.Ltmp4, $1  }
0x6e: {  	_ =	sdelay $0x3  }
0x6f: {  	_ =	swait.ge [sflag:s22], $0x2800  }
0x70: {  	[sflag:s22] =	ssyncset.done $0x0  }
0x71: {  	[sflag:s22] =	ssyncadd.s32 $0xFFFFD800  }
0x72: {  	v0 =	vld [tilespmem:s26+$0xFFFFFF80];
	_ =	sdelay $0x4  }
0x73: {  	v1 =	vshrl.u32 v0, $0xE  }
0x74: {  	v0 =	vand.u32 $0x3FFF, v0;
	[tilespmem:$0x4000] =	vst v1  }
0x75: {  	[tilespmem:$0x4080] =	vst v0  }
0x76: {  	v0 =	vld [tilespmem:s26+$0xFFFFFF90];
	_ =	sdelay $0x4  }
0x77: {  	v60 =	vshrl.u32 v0, $0xE  }
0x78: {  	v0 =	vand.u32 $0x3FFF, v0;
	[tilespmem:$0x4010] =	vst v60  }
0x79: {  	[tilespmem:$0x4090] =	vst v0  }
0x7a: {  	v0 =	vld [tilespmem:s26+$0xFFFFFFA0];
	_ =	sdelay $0x4  }
0x7b: {  	v61 =	vshrl.u32 v0, $0xE  }
0x7c: {  	v0 =	vand.u32 $0x3FFF, v0;
	[tilespmem:$0x4020] =	vst v61  }
0x7d: {  	[tilespmem:$0x40A0] =	vst v0  }
0x7e: {  	v0 =	vld [tilespmem:s26+$0xFFFFFFB0];
	_ =	sdelay $0x4  }
0x7f: {  	v62 =	vshrl.u32 v0, $0xE  }
0x80: {  	v0 =	vand.u32 $0x3FFF, v0;
	[tilespmem:$0x4030] =	vst v62  }
0x81: {  	[tilespmem:$0x40B0] =	vst v0  }
0x82: {  	v0 =	vld [tilespmem:s26+$0xFFFFFFC0];
	_ =	sdelay $0x2  }
0x83: {  	p0 =	sgt.u32 s28, $0x7C  }
.Ltmp5:
0x84: {  	_ = 	snop;
	(pc) =	sbr.rel @!p0 .LBB2_4-.Ltmp5, $4  }
0x85: {  	v63 =	vshrl.u32 v0, $0xE  }
0x86: {  	v0 =	vand.u32 $0x3FFF, v0;
	[tilespmem:$0x4040] =	vst v63  }
0x87: {  	[tilespmem:$0x40C0] =	vst v0  }
0x88: {  	[tilespmem:s14], [sflag:$0x1] =	stream.indirect.gather [hbm4b:s4+s12], $0x80, s13, s12, $0xb8;
	[tilespmem:$0x1CE00] =	vst v63  }
.Ltmp6:
0x89: {  	(pc) =	sbr.rel .LBB2_7-.Ltmp6, $4  }
0x8a: {  	_ =	swait.ge [sflag:s18], $0x2800  }
0x8b: {  	[sflag:s18] =	ssyncset.done $0x0  }
0x8c: {  	[sflag:s18] =	ssyncadd.s32 $0xFFFFD800  }
0x8d: {  	[spmem:s2] =	stream.indirect.scatter.add.f32 [tilespmem:s14], [sflag:$0x3], $0x80, s19, s12, $0xb8;
	[tilespmem:$0x1CE00] =	vst v63  }
.LBB2_9:
0x8e: {  	_ =	sfence.sel $0x180000  }
0x8f: {  	[bflag:$0x0] =	sbarrier.arrive $0xFFFF  }
0x90: {  	p0 =	sne.s32 s1, $0x0;
	_ =	strace $0x90000050  }
0x91: {  	s0 =	sadd.s32 @!p0 $0x100000, s0;
	[bflag:$0x2] =	sbarrier.arrive $0xFFFF  }
0x92: {  	[sflag:s0] =	ssyncadd.tile.s32 @!p0 $0x1;
	_ =	shalt  }
.Lfunc_end2:
_tile_overlayer_lowered:
.L_overlay_start_2:
0x93: {  	(tag) =	ssettag $0x2  }
0x94: {  	s0 =	rddreg [dreg:$0x0];
	s2 =	stileid.u32  }
0x95: {  	s1 =	rddreg [dreg:$0x1];
	p0 =	sne.s32 s2, $0x0  }
0x96: {  	s3 =	rddreg [dreg:$0x2];
	[bflag:$0x3] =	sbarrier.arrive $0xFFFF;
	s2 =	simm.s32 @!p0 $0x1C06  }
0x97: {  	[timem:s3], [sflag:s2] =	dma.local @!p0 [hbm:s0], s1  }
0x98: {  	s0 =	simm.s32 @!p0 $0x6  }
0x99: {  	_ =	swait.ge @!p0 [sflag:s0], s1  }
0x9a: {  	s1 =	ssub.s32 @!p0 $0x0, s1;
	[sflag:s0] =	ssyncset.done @!p0 $0x0  }
0x9b: {  	[sflag:s0] =	ssyncadd.s32 @!p0 s1  }
0x9c: {  	[bflag:$0x3] =	sbarrier.arrive $0xFFFF  }
0x9d: {  	_ =	shalt  }

// kernel: kernel.9.cloned.1.call-start
scs
__scs_entry_jumppad:
0x0: {  	(pc) =	sbr.rel $0x88, $3  }
0x1: {  	(tag) =	ssettag $0x0;
	lr =	simm.s32 $0x1  }
0x2: {  	[smem:$0x3F96] =	sst lr;
	_ =	strace $0xD0000000  }
0x3: {  	_ = 	snop  }
0x4: {  	_ = 	snop  }
0x5: {  	_ = 	snop  }
0x6: {  	_ = 	snop  }
0x7: {  	_ = 	snop  }
__scs_overlays_trampoline_lowered:
0x8: {  	[smem:$0x3FA5] =	sst s0  }
0x9: {  	[smem:$0x3FA6] =	sst s1  }
0xa: {  	[smem:$0x3FA7] =	sst s2  }
0xb: {  	[smem:$0x3FA8] =	sst s3  }
0xc: {  	[smem:$0x3FA9] =	sst s4  }
0xd: {  	[smem:$0x3FAA] =	sst s5  }
0xe: {  	[smem:$0x3FAB] =	sst s6  }
0xf: {  	[smem:$0x3FAC] =	sst s7  }
0x10: {  	[smem:$0x3FAD] =	sst s8  }
0x11: {  	[smem:$0x3FAE] =	sst s9;
	s0 =	simm.s32 @!p0 $0x0  }
0x12: {  	s1 =	sld [smem:$0x3F94];
	s0 =	simm.s32 @p0 $0x1  }
0x13: {  	[smem:$0x3FAF] =	sst s0;
	s0 =	simm.s32 @!p1 $0x0  }
0x14: {  	s2 =	sld [smem:$0x3F93];
	s0 =	simm.s32 @p1 $0x1  }
0x15: {  	[smem:$0x3FB0] =	sst s0;
	s0 =	simm.s32 @!p2 $0x0  }
0x16: {  	s3 =	sld [smem:$0x3FDB];
	s0 =	simm.s32 @p2 $0x1  }
0x17: {  	s4 =	simm.s32 $0x1BF5;
	[smem:$0x3FB2] =	sst s0  }
0x18: {  	s0 =	sld [smem:$0x3F95];
	_ =	swait.ge [sflag:s4], $0x0  }
0x19: {  	s7 =	sld [smem:$0x3F96]  }
0x1a: {  	s8 =	sadd.s32 $0xFFFFE003, lr  }
0x1b: {  	s9 =	sadd.s32 $0xFFFFFEF7, lr;
	s5 =	simm.s32 $0xFFFFFFFF;
	p2 =	slt.u32 s8, $0xFFFFF086  }
0x1c: {  	p1 =	slt.u32 s9, $0xF7A;
	s5 =	simm.s32 @!p2 $0x0  }
0x1d: {  	s5 =	simm.s32 @p1 $0x1;
	p0 =	seq.s32 s7, s2  }
0x1e: {  	s7 =	smul.u32 @!p0 $0xF7A, s2;
	p2 =	seq.s32 @!p0 s5, $0x0  }
0x1f: {  	s9 =	smul.u32 $0xF7A, s1;
	s8 =	simm.s32 @!p0 $0x1BF5;
	p2 =	por !p2, p0  }
0x20: {  	[sflag:s8] =	ssyncset.s32 @!p0 $0xFFFFF086;
	s6 =	sadd.s32 @!p0 s3, s7;
	s7 =	simm.s32 @!p0 $0x108  }
0x21: {  	s3 =	sadd.s32 s3, s9;
	s6 =	sadd.s32 @!p0 $0x88, s6;
	s7 =	simm.s32 @p2 $0x1082  }
0x22: {  	[simem:s7], [sflag:s8] =	dma.local @!p0 [hbm:s6], $0xF7A  }
0x23: {  	s9 =	sor.u32 $0xD0000000, s2;
	s6 =	simm.s32 $0x108;
	_ =	swait.ge @!p0 [sflag:s8], $0x0  }
0x24: {  	s3 =	sadd.s32 $0x88, s3;
	s6 =	simm.s32 @!p1 $0x1082;
	[sflag:s4] =	ssyncset.s32 $0xFFFFF086  }
0x25: {  	[simem:s6], [sflag:s4] =	dma.local [hbm:s3], $0xF7A  }
0x26: {  	[smem:$0x3F96] =	sst s1;
	(tag) =	ssettag s2;
	_ =	strace s9  }
0x27: {  	s1 =	sld [smem:$0x3FA6]  }
0x28: {  	s2 =	sld [smem:$0x3FA7]  }
0x29: {  	s4 =	sld [smem:$0x3FA9]  }
0x2a: {  	p0 =	seq.s32 s5, $0x0;
	s5 =	sld [smem:$0x3FAA]  }
0x2b: {  	s6 =	sld [smem:$0x3FAB]  }
0x2c: {  	s7 =	sld [smem:$0x3FAC]  }
0x2d: {  	s3 =	simm.s32 $0x108;
	s8 =	sld [smem:$0x3FAD]  }
0x2e: {  	s3 =	simm.s32 @!p0 $0x1082;
	s9 =	sld [smem:$0x3FAE]  }
0x2f: {  	lr =	sadd.s32 s0, s3;
	s0 =	sld [smem:$0x3FA5]  }
0x30: {  	s3 =	sld [smem:$0x3FA8]  }
0x31: {  	[smem:$0x3FB1] =	sst s10  }
0x32: {  	s10 =	sld [smem:$0x3FAF];
	_ =	sdelay $0x3  }
0x33: {  	p0 =	seq.s32 s10, $0x1;
	s10 =	sld [smem:$0x3FB1];
	_ =	sdelay $0x3  }
0x34: {  	[smem:$0x3FB1] =	sst s10  }
0x35: {  	s10 =	sld [smem:$0x3FB0];
	_ =	sdelay $0x3  }
0x36: {  	p1 =	seq.s32 s10, $0x1;
	s10 =	sld [smem:$0x3FB1];
	_ =	sdelay $0x3  }
0x37: {  	[smem:$0x3FB1] =	sst s10  }
0x38: {  	s10 =	sld [smem:$0x3FB2]  }
0x39: {  	_ = 	snop;
	(pc) =	sbr.ind lr, $3  }
0x3a: {  	_ = 	snop  }
0x3b: {  	_ = 	snop  }
0x3c: {  	p2 =	seq.s32 s10, $0x1;
	s10 =	sld [smem:$0x3FB1]  }
0x3d: {  	_ =	shalt  }
0x3e: {  	_ =	shalt  }
0x3f: {  	_ =	shalt  }
0x40: {  	_ =	shalt  }
0x41: {  	_ =	shalt  }
0x42: {  	_ =	shalt  }
0x43: {  	_ =	shalt  }
0x44: {  	_ =	shalt  }
0x45: {  	_ =	shalt  }
0x46: {  	_ =	shalt  }
0x47: {  	_ =	shalt  }
0x48: {  	_ =	shalt  }
0x49: {  	_ =	shalt  }
0x4a: {  	_ =	shalt  }
0x4b: {  	_ =	shalt  }
0x4c: {  	_ =	shalt  }
0x4d: {  	_ =	shalt  }
0x4e: {  	_ =	shalt  }
0x4f: {  	_ =	shalt  }
0x50: {  	_ =	shalt  }
0x51: {  	_ =	shalt  }
0x52: {  	_ =	shalt  }
0x53: {  	_ =	shalt  }
0x54: {  	_ =	shalt  }
0x55: {  	_ =	shalt  }
0x56: {  	_ =	shalt  }
0x57: {  	_ =	shalt  }
0x58: {  	_ =	shalt  }
0x59: {  	_ =	shalt  }
0x5a: {  	_ =	shalt  }
0x5b: {  	_ =	shalt  }
0x5c: {  	_ =	shalt  }
0x5d: {  	_ =	shalt  }
0x5e: {  	_ =	shalt  }
0x5f: {  	_ =	shalt  }
0x60: {  	_ =	shalt  }
0x61: {  	_ =	shalt  }
0x62: {  	_ =	shalt  }
0x63: {  	_ =	shalt  }
0x64: {  	_ =	shalt  }
0x65: {  	_ =	shalt  }
0x66: {  	_ =	shalt  }
0x67: {  	_ =	shalt  }
0x68: {  	_ =	shalt  }
0x69: {  	_ =	shalt  }
0x6a: {  	_ =	shalt  }
0x6b: {  	_ =	shalt  }
0x6c: {  	_ =	shalt  }
0x6d: {  	_ =	shalt  }
0x6e: {  	_ =	shalt  }
0x6f: {  	_ =	shalt  }
0x70: {  	_ =	shalt  }
0x71: {  	_ =	shalt  }
0x72: {  	_ =	shalt  }
0x73: {  	_ =	shalt  }
0x74: {  	_ =	shalt  }
0x75: {  	_ =	shalt  }
0x76: {  	_ =	shalt  }
0x77: {  	_ =	shalt  }
0x78: {  	_ =	shalt  }
0x79: {  	_ =	shalt  }
0x7a: {  	_ =	shalt  }
0x7b: {  	_ =	shalt  }
0x7c: {  	_ =	shalt  }
0x7d: {  	_ =	shalt  }
0x7e: {  	_ =	shalt  }
0x7f: {  	_ =	shalt  }
0x80: {  	_ =	shalt  }
0x81: {  	_ =	shalt  }
0x82: {  	_ =	shalt  }
0x83: {  	_ =	shalt  }
0x84: {  	_ =	shalt  }
0x85: {  	_ =	shalt  }
0x86: {  	_ =	shalt  }
0x87: {  	_ =	shalt  }
.Lfunc_end0:
.L_simem_size_0:
called_computation_lowered:
.L_overlay_start_0:
0x88: {  	s2 =	sld [smem:$0x3FD9]  }
0x89: {  	s3 =	sld [smem:$0x3FFE];
	_ =	sdelay $0x1  }
0x8a: {  	s1 =	srdreg.scid  }
0x8b: {  	s0 =	sand.u32 $0x1, s1  }
0x8c: {  	s16 =	sshll.u32 s0, $0xA;
	s2 =	sadd.s32 s3, s2  }
0x8d: {  	s2 =	sadd.s32 s2, s16  }
0x8e: {  	[smem:$0x3FBD] =	sst s2  }
0x8f: {  	_ = 	snop  }
0x90: {  	(tm) =	ssettm $0x1  }
0x91: {  	s17 =	sld [smem:$0x3FFB];
	_ =	sdelay $0x3  }
0x92: {  	_ =	strace s17  }
0x93: {  	s2 =	sld [smem:$0x3FFC];
	_ =	sdelay $0x3  }
0x94: {  	_ =	strace s2  }
0x95: {  	s2 =	sld [smem:$0x3FFD];
	_ =	sdelay $0x3  }
0x96: {  	_ =	strace s2  }
0x97: {  	_ =	strace $0x8FFFFFFF  }
0x98: {  	s18 =	sld [smem:$0x3FDB];
	_ =	sdelay $0x1  }
0x99: {  	s19 =	simm.s32 $_scs_section_size  }
0x9a: {  	s4 =	simm.s32 $_size__tile_overlayer_lowered;
	s5 =	simm.s32 $_tile_overlayer_lowered  }
0x9b: {  	s22 =	simm.s32 $0x1BFF;
	s21 =	sshll.u32 s5, $0x1;
	s2 =	sadd.s32 s19, s18  }
0x9c: {  	s6 =	simm.s32 $0x0;
	s20 =	sshll.u32 s4, $0x1;
	s4 =	sadd.s32 s21, s2  }
0x9d: {  	[timem:s6], [sflag:s22] =	dma.local [hbm:s4], s20  }
0x9e: {  	_ =	swait.ge [sflag:s22], s20  }
0x9f: {  	s3 =	ssub.s32 $0x0, s20;
	[sflag:s22] =	ssyncset.done $0x0  }
0xa0: {  	[sflag:s22] =	ssyncadd.s32 s3;
	_ =	sdelay $0x1  }
0xa1: {  	s23 =	simm.s32 $0x1B8B  }
0xa2: {  	_ =	swait.ge [sflag:s23], $0x1  }
0xa3: {  	[sflag:s23] =	ssyncset.done $0x0  }
0xa4: {  	s25 =	simm.s32 $0x1B8E;
	s24 =	sld [smem:$0x3FFE];
	[sflag:s23] =	ssyncadd.s32 $0xFFFFFFFF  }
0xa5: {  	s26 =	simm.s32 $execute0_lowered;
	[smem:$0x3FD2] =	sst s25  }
0xa6: {  	s4 =	sshll.u32 s26, $0x1;
	_ =	strace $0x80000046;
	[dreg:$0x1] =	wrdreg $0xFFFFFFFF  }
0xa7: {  	s28 =	simm.s32 $_size_execute0_lowered;
	s2 =	sadd.s32 s2, s4;
	[dreg:$0x0] =	wrdreg $0x0  }
0xa8: {  	s4 =	sshll.u32 s28, $0x1;
	[dreg:$0x2] =	wrdreg s2  }
0xa9: {  	[dreg:$0x3] =	wrdreg s4  }
0xaa: {  	[dreg:$0x4] =	wrdreg $0xC0  }
0xab: {  	_ =	task [dreg:s6], $0x5FFFF  }
0xac: {  	[dreg:$0x1] =	wrdreg $0xFFFFFFFF  }
0xad: {  	[dreg:$0x0] =	wrdreg $0x60  }
0xae: {  	[dreg:$0x2] =	wrdreg s24  }
0xaf: {  	[dreg:$0x3] =	wrdreg $0x9  }
0xb0: {  	_ =	task.clear_ibuf [dreg:s6], $0x4FFFF;
	_ =	strace $0x90000046  }
0xb1: {  	s29 =	simm.s32 $0x9;
	_ =	strace $0x80000048  }
0xb2: {  	_ =	swait.ge [sflag:s29], $0x1  }
0xb3: {  	[sflag:s29] =	ssyncadd.s32 $0xFFFFFFFF  }
0xb4: {  	_ =	strace $0x90000048  }
0xb5: {  	_ =	sfence  }
0xb6: {  	s30 =	sld [smem:$0x0];
	_ =	sdelay $0x2  }
0xb7: {  	s31 =	sshll.u32 s1, $0xD;
	s1 =	sshrl.u32 s1, $0x2  }
0xb8: {  	s3 =	sand.u32 $0x4000, s31;
	s1 =	sadd.s32 s1, s30  }
0xb9: {  	s0 =	sor.u32 s3, s0;
	s1 =	sshll.u32 s1, $0x11  }
0xba: {  	s0 =	sor.u32 s1, s0  }
0xbb: {  	s0 =	sadd.s32 $0x8F2B, s0  }
0xbc: {  	[sflag:s0] =	ssyncadd.remote.s32 $0x1  }
0xbd: {  	_ =	sfence.sel $0xFFFF  }
0xbe: {  	[dreg:$0x0] =	wrdreg $0xFFFFFFFF;
	(pc) =	sbr.abs _section_cstart, $3  }
0xbf: {  	[dreg:$0x1] =	wrdreg $0xFFFFFFFF  }
0xc0: {  	_ =	task.clear_ibuf [dreg:s6], $0x2FFFF;
	_ =	strace $0x9FFFFFFF  }
0xc1: {  	(tm) =	ssettm $0x7FFFFFFF  }
tec
execute0_lowered:
.L_overlay_start_1:
0x0: {  	(tag) =	ssettag $0x1  }
0x1: {  	s0 =	srdreg.scid  }
0x2: {  	s3 =	sand.u32 $0x1, s0  }
0x3: {  	s0 =	stileid.u32;
	s1 =	sshll.u32 s3, $0x4  }
0x4: {  	s5 =	rddreg [dreg:$0x0];
	s2 =	simm.s32 $0x0;
	s1 =	sor.u32 s0, s1  }
0x5: {  	s7 =	simm.s32 $0x400;
	s8 =	simm.s32 $0x1;
	s1 =	sshrl.u32 s1, $0x3  }
0x6: {  	s9 =	simm.s32 $0x2780;
	s30 =	sshll.u32 s0, $0x7;
	s4 =	smul.u32 $0x13C00, s1  }
0x7: {  	s10 =	simm.s32 $0x0;
	s3 =	ssub.s32 $0x2, s3;
	s6 =	sand.u32 $0x380, s30  }
0x8: {  	[smem:$0x7FF] =	sst s2;
	s31 =	sshrl.u32 s3, $0x1;
	s4 =	sor.u32 s6, s4  }
0x9: {  	s1 =	rddreg [dreg:$0x1];
	_ =	strace $0x80000047;
	s4 =	sshrl.u32 s4, $0x3  }
0xa: {  	s6 =	simm.s32 $0x80;
	s4 =	sadd.s32 s4, s5;
	s5 =	ssub.s32 s3, s31  }
0xb: {  	v0 =	vimm.f32 $0.0e+00;
	v1 =	vimm.f32 $1.000000000e+00;
	s3 =	sadd.s32 $0x3E00, s4;
	s4 =	sadd.s32 $0xDC00, s4;
	s5 =	smax.u32 s5, $0x1  }
.LBB2_1:
0xc: {  	[tilespmem:s2], [sflag:$0x1] =	stream.strided.gather [hbm4b:s3+s6], $0x2780, s7, s6, $0x38;
	[tilespmem:$0x4F00] =	vst v63  }
0xd: {  	_ =	swait.ge [sflag:s8], $0x2780  }
0xe: {  	[sflag:s8] =	ssyncset.done $0x0  }
0xf: {  	s11 =	simm.s32 $0x0;
	[sflag:s8] =	ssyncadd.s32 $0xFFFFD880  }
.LBB2_2:
0x10: {  	p0 =	sne.s32 s11, $0x9DC0  }
.Ltmp0:
0x11: {  	_ = 	snop;
	(pc) =	sbr.rel @p0 .LBB2_2-.Ltmp0, $3  }
0x12: {  	_ =	sdelay $0x1  }
0x13: {  	s12 =	sshra.s32 s11, $0x2  }
0x14: {  	s11 =	sadd.s32 $0x40, s11;
	[tilespmem:s12+$0x2780] =	vst v0  }
0x15: {  	s12 =	simm.s32 $0x0;
	s11 =	simm.s32 $0x40  }
.LBB2_4:
0x16: {  	p0 =	sne.s32 s11, $0x9C00;
	v2 =	vld [tilespmem:s12+$0x0];
	_ =	sdelay $0x4  }
0x17: {  	v2 =	vand.u32 $0x3FFF, v2  }
.Ltmp1:
0x18: {  	(pc) =	sbr.rel @p0 .LBB2_4-.Ltmp1, $2  }
0x19: {  	_ =	sdelay $0x2  }
0x1a: {  	s12 =	sshra.s32 s11, $0x2;
	s11 =	sadd.s32 $0x40, s11;
	[tilespmem:v2+s9+$0x0] =	vst.idx.add.f32.msk $0xffff, v1  }
0x1b: {  	v2 =	vld [tilespmem:s12+$0x0];
	_ =	sdelay $0x4  }
0x1c: {  	v2 =	vand.u32 $0x3FFF, v2;
	_ =	sdelay $0x2  }
0x1d: {  	s10 =	sadd.s32 $0x1, s10  }
0x1e: {  	p0 =	sne.s32 s10, s5  }
.Ltmp2:
0x1f: {  	[tilespmem:v2+s9+$0x0] =	vst.idx.add.f32.msk $0xffff, v1;
	(pc) =	sbr.rel @p0 .LBB2_1-.Ltmp2, $4  }
0x20: {  	[hbm4b:s4+s6] =	stream.strided.scatter [tilespmem:s9], [sflag:$0x1], $0x2780, s7, s6, $0x38;
	[tilespmem:$0x4F00] =	vst v63  }
0x21: {  	_ =	swait.ge [sflag:s8], $0x2780  }
0x22: {  	[sflag:s8] =	ssyncset.done $0x0  }
0x23: {  	[sflag:s8] =	ssyncadd.s32 $0xFFFFD880  }
0x24: {  	_ =	sfence.sel $0x180000  }
0x25: {  	[bflag:$0x0] =	sbarrier.arrive $0xFFFF  }
0x26: {  	p0 =	sne.s32 s0, $0x0;
	_ =	strace $0x90000047  }
0x27: {  	s0 =	sadd.s32 @!p0 $0x100000, s1;
	[bflag:$0x2] =	sbarrier.arrive $0xFFFF  }
0x28: {  	[sflag:s0] =	ssyncadd.tile.s32 @!p0 $0x1;
	_ =	shalt  }
.Lfunc_end2:
_tile_overlayer_lowered:
.L_overlay_start_2:
0x29: {  	(tag) =	ssettag $0x2  }
0x2a: {  	s0 =	rddreg [dreg:$0x0];
	s2 =	stileid.u32  }
0x2b: {  	s1 =	rddreg [dreg:$0x1];
	p0 =	sne.s32 s2, $0x0  }
0x2c: {  	s3 =	rddreg [dreg:$0x2];
	[bflag:$0x3] =	sbarrier.arrive $0xFFFF;
	s2 =	simm.s32 @!p0 $0x1C01  }
0x2d: {  	[timem:s3], [sflag:s2] =	dma.local @!p0 [hbm:s0], s1  }
0x2e: {  	s0 =	simm.s32 @!p0 $0x1  }
0x2f: {  	_ =	swait.ge @!p0 [sflag:s0], s1  }
0x30: {  	s1 =	ssub.s32 @!p0 $0x0, s1;
	[sflag:s0] =	ssyncset.done @!p0 $0x0  }
0x31: {  	[sflag:s0] =	ssyncadd.s32 @!p0 s1  }
0x32: {  	[bflag:$0x3] =	sbarrier.arrive $0xFFFF  }
0x33: {  	_ =	shalt  }

</sc_bundles>
